<compile_context>
chip_gen: v7x
topology: tpu7x:2x2x1
jax: 0.10.2.dev20260603
libtpu: 0.0.44.dev20260713+nightly
codegen_flags: <defaults>
</compile_context>

<pallas_src>
import functools

import jax
import jax.numpy as jnp
from jax import lax
from jax.experimental import pallas as pl
from jax.experimental.pallas import tpu as pltpu
from jax.experimental.pallas import tpu_sc as plsc

B = 16384
F = 26
D = 64
V = 1000000
VP = 1048576
L = 16
NC = 2
NS = 16
NW = NC * NS
BPW = B // NW
C = 32
CF = C * F
NCHUNK = BPW // C

TQ = 32768


def _transpose_body(x_ref, o_ref):
    ii = lax.broadcasted_iota(jnp.int32, (D, D), 0)
    jj = lax.broadcasted_iota(jnp.int32, (D, D), 1)
    eye = jnp.where(ii == jj, 1.0, 0.0).astype(jnp.float32)
    o_ref[:, 0:D] = lax.dot_general(
        x_ref[...], eye, (((0,), (0,)), ((), ())),
        preferred_element_type=jnp.float32,
        precision=jax.lax.Precision.DEFAULT,
    )


def _transpose_table(table_t):
    grid = (pl.cdiv(V, TQ),)
    return pl.pallas_call(
        _transpose_body,
        grid=grid,
        in_specs=[pl.BlockSpec((D, TQ), lambda i: (0, i))],
        out_specs=pl.BlockSpec((TQ, 2 * D), lambda i: (i, 0)),
        out_shape=jax.ShapeDtypeStruct((VP, 2 * D), jnp.float32),
        compiler_params=pltpu.CompilerParams(
            dimension_semantics=("arbitrary",),
            vmem_limit_bytes=100 * 1024 * 1024,
        ),
    )(table_t)


def _sc_body(idx_hbm, table_hbm, out_hbm, idx_all, rows2, out2,
             sem_g0, sem_g1, sem_o0, sem_o1):
    wid = lax.axis_index("s") * NC + lax.axis_index("c")
    row0 = wid * BPW
    sem_g = (sem_g0, sem_g1)
    sem_o = (sem_o0, sem_o1)

    pltpu.sync_copy(idx_hbm.at[pl.ds(row0 * F, BPW * F)], idx_all)

    def gather_start(g, b):
        pltpu.async_copy(
            table_hbm.at[idx_all.at[pl.ds(g * CF, CF)]], rows2.at[b], sem_g[b])

    def gather_wait(b):
        pltpu.make_async_copy(
            table_hbm.at[idx_all.at[pl.ds(0, CF)]], rows2.at[b], sem_g[b]).wait()

    def out_start(g, b):
        pltpu.async_copy(out2.at[b], out_hbm.at[pl.ds(row0 + g * C, C)], sem_o[b])

    def out_wait(b):
        pltpu.make_async_copy(
            out2.at[b], out_hbm.at[pl.ds(row0, C)], sem_o[b]).wait()

    gather_start(0, 0)

    def pair(i, carry):
        for b in (0, 1):
            g = 2 * i + b

            @pl.when(g + 1 < NCHUNK)
            def _():
                gather_start(g + 1, 1 - b)

            gather_wait(b)

            @pl.when(g >= 2)
            def _():
                out_wait(b)

            rows_v = rows2.at[b]
            out_v = out2.at[b]

            def row(r, carry2):
                base = r * F
                for d in range(D // L):
                    acc = rows_v[base, pl.ds(d * L, L)]
                    for f in range(1, F):
                        acc = acc + rows_v[base + f, pl.ds(d * L, L)]
                    out_v[r, pl.ds(d * L, L)] = acc
                return carry2

            lax.fori_loop(0, C, row, 0, unroll=False)
            out_start(g, b)
        return carry

    lax.fori_loop(0, NCHUNK // 2, pair, 0, unroll=False)
    out_wait(0)
    out_wait(1)


@jax.jit
def _encoder_call(idx_flat, table_t):
    table_sc = _transpose_table(table_t).reshape(2 * VP, D)
    mesh = plsc.VectorSubcoreMesh(core_axis_name="c", subcore_axis_name="s")
    run = pl.kernel(
        _sc_body,
        out_type=jax.ShapeDtypeStruct((B, D), jnp.float32),
        mesh=mesh,
        scratch_types=[
            pltpu.VMEM((BPW * F,), jnp.int32),
            pltpu.VMEM((2, CF, D), jnp.float32),
            pltpu.VMEM((2, C, D), jnp.float32),
            pltpu.SemaphoreType.DMA,
            pltpu.SemaphoreType.DMA,
            pltpu.SemaphoreType.DMA,
            pltpu.SemaphoreType.DMA,
        ],
        compiler_params=pltpu.CompilerParams(use_tc_tiling_on_sc=False),
    )
    return run(idx_flat, table_sc)


def kernel(indices, table):
    idx_flat = indices.reshape(-1).astype(jnp.int32) * 2
    return _encoder_call(idx_flat, table.T)

# --- scband reference (transcript-rebuilt; emitter-appended) ---
"""Pipeline reference for scband-encoder-26036091748684 (READ-ONLY COPY).

The authoritative reference and input builder live on the scoring server;
editing this copy changes nothing except your own understanding.
"""

import jax, jax.numpy as jnp
import numpy as np

NUM_EMBEDDINGS = 1000000
EMBED_DIM = 64
BATCH = 16384
N_FIELDS = 26


def setup_inputs(seed: int = 0) -> dict:
    key = jax.random.key(seed)
    k_idx, k_tab = jax.random.split(key)
    indices = jax.random.randint(k_idx, (BATCH, N_FIELDS), 0, NUM_EMBEDDINGS, dtype=jnp.int64) if jax.config.jax_enable_x64 else jax.random.randint(k_idx, (BATCH, N_FIELDS), 0, NUM_EMBEDDINGS, dtype=jnp.int32)
    table = jax.random.normal(k_tab, (NUM_EMBEDDINGS, EMBED_DIM), dtype=jnp.float32) * 0.02
    return {"indices": indices, "table": table}


def reference(indices, table):
    # Embedding lookup (gather) over a large table, followed by sum-pooling
    # across the sparse fields (mirrors SumEmbeddings aggregation of per-token
    # nn.Embed lookups in the original Encoder).
    emb = jnp.take(table, indices, axis=0)  # [B, L, D]
    pooled = jnp.sum(emb, axis=1)  # [B, D]
    return pooled

if __name__ == "__main__":
    import jax
    _d = setup_inputs()
    print(jax.jit(kernel)(*tuple(_d.values())))

</pallas_src>

<mosaic_0001>
#map = affine_map<(d0, d1) -> (0)>
#map1 = affine_map<(d0, d1) -> (0, 0)>
module attributes {stable_mosaic.version = 14 : i64} {
  func.func @_sc_body(%arg0: i32, %arg1: i32, %arg2: memref<425984xi32, #tpu.memory_space<hbm>>, %arg3: memref<2097152x64xf32, #tpu.memory_space<hbm>>, %arg4: memref<16384x64xf32, #tpu.memory_space<hbm>>, %arg5: memref<13312xi32, #tpu.memory_space<vmem>>, %arg6: memref<2x832x64xf32, #tpu.memory_space<vmem>>, %arg7: memref<2x32x64xf32, #tpu.memory_space<vmem>>, %arg8: memref<!tpu.dma_semaphore, #tpu.memory_space<semaphore_mem>>, %arg9: memref<!tpu.dma_semaphore, #tpu.memory_space<semaphore_mem>>, %arg10: memref<!tpu.dma_semaphore, #tpu.memory_space<semaphore_mem>>, %arg11: memref<!tpu.dma_semaphore, #tpu.memory_space<semaphore_mem>>) attributes {dimension_semantics = [#tpu.dimension_semantics<core_parallel>, #tpu.dimension_semantics<subcore_parallel>], iteration_bounds = array<i64: 2, 16>, scalar_prefetch = 0 : i64, scratch_operands = 7 : i64, tpu.core_type = #tpu.core_type<sc_vector_subcore>, window_params = [{transform_indices = #map}, {transform_indices = #map1}, {transform_indices = #map1}]} {
    %mul3A = arith.constant 2 : i32
    %mul3A_0 = arith.muli %arg1, %mul3A : i32
    %add3A = arith.addi %mul3A_0, %arg0 : i32
    %mul3A_1 = arith.constant 512 : i32
    %mul3A_2 = arith.muli %add3A, %mul3A_1 : i32
    %mul3A_3 = arith.constant 26 : i32
    %mul3A_4 = arith.muli %mul3A_2, %mul3A_3 : i32
    "tpu.region"() ({
      %run_scoped3A = tpu.sem_alloc : memref<!tpu.dma_semaphore, #tpu.memory_space<semaphore_mem>>
      %dma_start3A_44 = tpu.memref_slice %arg2[%mul3A_4] : memref<425984xi32, #tpu.memory_space<hbm>> -> memref<13312xi32, #tpu.memory_space<hbm>>
      %dma_start3A_45 = tpu.memref_slice %arg2[%mul3A_4] : memref<425984xi32, #tpu.memory_space<hbm>> -> memref<13312xi32, #tpu.memory_space<hbm>>
      tpu.enqueue_dma source(%dma_start3A_45 : memref<13312xi32, #tpu.memory_space<hbm>>) target(%arg5 : memref<13312xi32, #tpu.memory_space<vmem>>) target_semaphore(%run_scoped3A : memref<!tpu.dma_semaphore, #tpu.memory_space<semaphore_mem>>)
      %dma_wait3A_46 = tpu.memref_slice %arg2[%mul3A_4] : memref<425984xi32, #tpu.memory_space<hbm>> -> memref<13312xi32, #tpu.memory_space<hbm>>
      %dma_wait3A_47 = tpu.memref_slice %arg2[%mul3A_4] : memref<425984xi32, #tpu.memory_space<hbm>> -> memref<13312xi32, #tpu.memory_space<hbm>>
      tpu.wait_dma2 semaphore(%run_scoped3A : memref<!tpu.dma_semaphore, #tpu.memory_space<semaphore_mem>>) src(%dma_wait3A_47 : memref<13312xi32, #tpu.memory_space<hbm>>) dst(%arg5 : memref<13312xi32, #tpu.memory_space<vmem>>)
      tpu.yield
    }) : () -> ()
    %dma_start3A = arith.constant 0 : i32
    %dma_start3A_5 = arith.constant 0 : i32
    %dma_start3A_6 = arith.constant 0 : i32
    %dma_start3A_7 = tpu.memref_slice %arg6[%dma_start3A, %dma_start3A_5, %dma_start3A_6] : memref<2x832x64xf32, #tpu.memory_space<vmem>> -> memref<1x832x64xf32, #tpu.memory_space<vmem>>
    %dma_start3A_8 = tpu.memref_squeeze %dma_start3A_7 : memref<1x832x64xf32, #tpu.memory_space<vmem>> -> memref<832x64xf32, #tpu.memory_space<vmem>>
    %dma_start3A_9 = arith.constant 0 : i32
    %dma_start3A_10 = tpu.memref_slice %arg5[%dma_start3A_9] : memref<13312xi32, #tpu.memory_space<vmem>> -> memref<832xi32, #tpu.memory_space<vmem>>
    %dma_start3A_11 = arith.constant 0 : i32
    %dma_start3A_12 = arith.constant 0 : i32
    %dma_start3A_13 = tpu.memref_slice %arg3[%dma_start3A_11, %dma_start3A_12] : memref<2097152x64xf32, #tpu.memory_space<hbm>> -> memref<2097152x64xf32, #tpu.memory_space<hbm>>
    tpu.enqueue_indirect_dma source(%dma_start3A_13 : memref<2097152x64xf32, #tpu.memory_space<hbm>>) target(%dma_start3A_8 : memref<832x64xf32, #tpu.memory_space<vmem>>) offsets(%dma_start3A_10 : memref<832xi32, #tpu.memory_space<vmem>>) semaphore(%arg8 : memref<!tpu.dma_semaphore, #tpu.memory_space<semaphore_mem>>)
    %scan3A = arith.constant 0 : i32
    %scan3A_14 = arith.constant 0 : i32
    %scan3A_15 = arith.constant 8 : i32
    %scan3A_16 = arith.addi %scan3A_14, %scan3A_15 : i32
    %scan3A_17 = arith.constant 1 : i32
    scf.for %scan3A_44 = %scan3A_14 to %scan3A_16 step %scan3A_17  : i32 {
      %mul3A_45 = arith.constant 2 : i32
      %mul3A_46 = arith.muli %mul3A_45, %scan3A_44 : i32
      %add3A_47 = arith.constant 0 : i32
      %add3A_48 = arith.addi %mul3A_46, %add3A_47 : i32
      %add3A_49 = arith.constant 1 : i32
      %add3A_50 = arith.addi %add3A_48, %add3A_49 : i32
      %lt3A = arith.constant 16 : i32
      %lt3A_51 = arith.cmpi slt, %add3A_50, %lt3A : i32
      %convert_element_type3A = arith.extui %lt3A_51 : i1 to i32
      %cond3A = arith.constant 0 : i32
      %cond3A_52 = arith.cmpi ne, %convert_element_type3A, %cond3A : i32
      scf.if %cond3A_52 {
        %add3A_141 = arith.constant 1 : i32
        %add3A_142 = arith.addi %add3A_48, %add3A_141 : i32
        %mul3A_143 = arith.constant 832 : i32
        %mul3A_144 = arith.muli %add3A_142, %mul3A_143 : i32
        %dma_start3A_145 = arith.constant 1 : i32
        %dma_start3A_146 = arith.constant 0 : i32
        %dma_start3A_147 = arith.constant 0 : i32
        %dma_start3A_148 = tpu.memref_slice %arg6[%dma_start3A_145, %dma_start3A_146, %dma_start3A_147] : memref<2x832x64xf32, #tpu.memory_space<vmem>> -> memref<1x832x64xf32, #tpu.memory_space<vmem>>
        %dma_start3A_149 = tpu.memref_squeeze %dma_start3A_148 : memref<1x832x64xf32, #tpu.memory_space<vmem>> -> memref<832x64xf32, #tpu.memory_space<vmem>>
        %dma_start3A_150 = tpu.memref_slice %arg5[%mul3A_144] : memref<13312xi32, #tpu.memory_space<vmem>> -> memref<832xi32, #tpu.memory_space<vmem>>
        %dma_start3A_151 = arith.constant 0 : i32
        %dma_start3A_152 = arith.constant 0 : i32
        %dma_start3A_153 = tpu.memref_slice %arg3[%dma_start3A_151, %dma_start3A_152] : memref<2097152x64xf32, #tpu.memory_space<hbm>> -> memref<2097152x64xf32, #tpu.memory_space<hbm>>
        tpu.enqueue_indirect_dma source(%dma_start3A_153 : memref<2097152x64xf32, #tpu.memory_space<hbm>>) target(%dma_start3A_149 : memref<832x64xf32, #tpu.memory_space<vmem>>) offsets(%dma_start3A_150 : memref<832xi32, #tpu.memory_space<vmem>>) semaphore(%arg9 : memref<!tpu.dma_semaphore, #tpu.memory_space<semaphore_mem>>)
      } else {
      }
      %dma_wait3A_53 = arith.constant 0 : i32
      %dma_wait3A_54 = arith.constant 0 : i32
      %dma_wait3A_55 = arith.constant 0 : i32
      %dma_wait3A_56 = tpu.memref_slice %arg6[%dma_wait3A_53, %dma_wait3A_54, %dma_wait3A_55] : memref<2x832x64xf32, #tpu.memory_space<vmem>> -> memref<1x832x64xf32, #tpu.memory_space<vmem>>
      %dma_wait3A_57 = tpu.memref_squeeze %dma_wait3A_56 : memref<1x832x64xf32, #tpu.memory_space<vmem>> -> memref<832x64xf32, #tpu.memory_space<vmem>>
      %dma_wait3A_58 = arith.constant 0 : i32
      %dma_wait3A_59 = tpu.memref_slice %arg5[%dma_wait3A_58] : memref<13312xi32, #tpu.memory_space<vmem>> -> memref<832xi32, #tpu.memory_space<vmem>>
      %dma_wait3A_60 = arith.constant 0 : i32
      %dma_wait3A_61 = arith.constant 0 : i32
      %dma_wait3A_62 = tpu.memref_slice %arg3[%dma_wait3A_60, %dma_wait3A_61] : memref<2097152x64xf32, #tpu.memory_space<hbm>> -> memref<2097152x64xf32, #tpu.memory_space<hbm>>
      tpu.wait_indirect_dma semaphore(%arg8 : memref<!tpu.dma_semaphore, #tpu.memory_space<semaphore_mem>>) src(%dma_wait3A_62 : memref<2097152x64xf32, #tpu.memory_space<hbm>>) dst(%dma_wait3A_57 : memref<832x64xf32, #tpu.memory_space<vmem>>)
      %ge3A = arith.constant 2 : i32
      %ge3A_63 = arith.cmpi sge, %add3A_48, %ge3A : i32
      %convert_element_type3A_64 = arith.extui %ge3A_63 : i1 to i32
      %cond3A_65 = arith.constant 0 : i32
      %cond3A_66 = arith.cmpi ne, %convert_element_type3A_64, %cond3A_65 : i32
      scf.if %cond3A_66 {
        %dma_wait3A_141 = arith.constant 0 : i32
        %dma_wait3A_142 = arith.constant 0 : i32
        %dma_wait3A_143 = arith.constant 0 : i32
        %dma_wait3A_144 = tpu.memref_slice %arg7[%dma_wait3A_141, %dma_wait3A_142, %dma_wait3A_143] : memref<2x32x64xf32, #tpu.memory_space<vmem>> -> memref<1x32x64xf32, #tpu.memory_space<vmem>>
        %dma_wait3A_145 = tpu.memref_squeeze %dma_wait3A_144 : memref<1x32x64xf32, #tpu.memory_space<vmem>> -> memref<32x64xf32, #tpu.memory_space<vmem>>
        %dma_wait3A_146 = arith.constant 0 : i32
        %dma_wait3A_147 = tpu.memref_slice %arg4[%mul3A_2, %dma_wait3A_146] : memref<16384x64xf32, #tpu.memory_space<hbm>> -> memref<32x64xf32, #tpu.memory_space<hbm>>
        %dma_wait3A_148 = arith.constant 0 : i32
        %dma_wait3A_149 = tpu.memref_slice %arg4[%mul3A_2, %dma_wait3A_148] : memref<16384x64xf32, #tpu.memory_space<hbm>> -> memref<32x64xf32, #tpu.memory_space<hbm>>
        %dma_wait3A_150 = arith.constant 0 : i32
        %dma_wait3A_151 = arith.constant 0 : i32
        %dma_wait3A_152 = tpu.memref_slice %arg7[%dma_wait3A_141, %dma_wait3A_150, %dma_wait3A_151] : memref<2x32x64xf32, #tpu.memory_space<vmem>> -> memref<1x32x64xf32, #tpu.memory_space<vmem>>
        %dma_wait3A_153 = tpu.memref_squeeze %dma_wait3A_152 : memref<1x32x64xf32, #tpu.memory_space<vmem>> -> memref<32x64xf32, #tpu.memory_space<vmem>>
        tpu.wait_dma2 semaphore(%arg10 : memref<!tpu.dma_semaphore, #tpu.memory_space<semaphore_mem>>) src(%dma_wait3A_153 : memref<32x64xf32, #tpu.memory_space<vmem>>) dst(%dma_wait3A_149 : memref<32x64xf32, #tpu.memory_space<hbm>>)
      } else {
      }
      %scan3A_67 = arith.constant 0 : i32
      %scan3A_68 = arith.constant 0 : i32
      %scan3A_69 = arith.constant 0 : i32
      %scan3A_70 = arith.constant 0 : i32
      %scan3A_71 = arith.constant 32 : i32
      %scan3A_72 = arith.addi %scan3A_70, %scan3A_71 : i32
      %scan3A_73 = arith.constant 1 : i32
      scf.for %scan3A_141 = %scan3A_70 to %scan3A_72 step %scan3A_73  : i32 {
        %mul3A_142 = arith.constant 26 : i32
        %mul3A_143 = arith.muli %scan3A_141, %mul3A_142 : i32
        %get3A = arith.constant 0 : i32
        %get3A_144 = arith.constant 0 : i32
        %get3A_145 = tpu.memref_slice %arg6[%scan3A_68, %get3A, %get3A_144] : memref<2x832x64xf32, #tpu.memory_space<vmem>> -> memref<1x832x64xf32, #tpu.memory_space<vmem>>
        %get3A_146 = tpu.memref_squeeze %get3A_145 : memref<1x832x64xf32, #tpu.memory_space<vmem>> -> memref<832x64xf32, #tpu.memory_space<vmem>>
        %get3A_147 = arith.index_cast %mul3A_143 : i32 to index
        %get3A_148 = arith.constant 0 : index
        %get3A_149 = tpu.vector_load %get3A_146[%get3A_147, %get3A_148] {strides = array<i32>} : memref<832x64xf32, #tpu.memory_space<vmem>>, vector<1x16xf32>,
        %get3A_150 = vector.shape_cast %get3A_149 : vector<1x16xf32> to vector<16xf32>
        %add3A_151 = arith.constant 1 : i32
        %add3A_152 = arith.addi %mul3A_143, %add3A_151 : i32
        %get3A_153 = arith.constant 0 : i32
        %get3A_154 = arith.constant 0 : i32
        %get3A_155 = tpu.memref_slice %arg6[%scan3A_68, %get3A_153, %get3A_154] : memref<2x832x64xf32, #tpu.memory_space<vmem>> -> memref<1x832x64xf32, #tpu.memory_space<vmem>>
        %get3A_156 = tpu.memref_squeeze %get3A_155 : memref<1x832x64xf32, #tpu.memory_space<vmem>> -> memref<832x64xf32, #tpu.memory_space<vmem>>
        %get3A_157 = arith.index_cast %add3A_152 : i32 to index
        %get3A_158 = arith.constant 0 : index
        %get3A_159 = tpu.vector_load %get3A_156[%get3A_157, %get3A_158] {strides = array<i32>} : memref<832x64xf32, #tpu.memory_space<vmem>>, vector<1x16xf32>,
        %get3A_160 = vector.shape_cast %get3A_159 : vector<1x16xf32> to vector<16xf32>
        %add3A_161 = arith.addf %get3A_150, %get3A_160 : vector<16xf32>
        %add3A_162 = arith.constant 2 : i32
        %add3A_163 = arith.addi %mul3A_143, %add3A_162 : i32
        %get3A_164 = arith.constant 0 : i32
        %get3A_165 = arith.constant 0 : i32
        %get3A_166 = tpu.memref_slice %arg6[%scan3A_68, %get3A_164, %get3A_165] : memref<2x832x64xf32, #tpu.memory_space<vmem>> -> memref<1x832x64xf32, #tpu.memory_space<vmem>>
        %get3A_167 = tpu.memref_squeeze %get3A_166 : memref<1x832x64xf32, #tpu.memory_space<vmem>> -> memref<832x64xf32, #tpu.memory_space<vmem>>
        %get3A_168 = arith.index_cast %add3A_163 : i32 to index
        %get3A_169 = arith.constant 0 : index
        %get3A_170 = tpu.vector_load %get3A_167[%get3A_168, %get3A_169] {strides = array<i32>} : memref<832x64xf32, #tpu.memory_space<vmem>>, vector<1x16xf32>,
        %get3A_171 = vector.shape_cast %get3A_170 : vector<1x16xf32> to vector<16xf32>
        %add3A_172 = arith.addf %add3A_161, %get3A_171 : vector<16xf32>
        %add3A_173 = arith.constant 3 : i32
        %add3A_174 = arith.addi %mul3A_143, %add3A_173 : i32
        %get3A_175 = arith.constant 0 : i32
        %get3A_176 = arith.constant 0 : i32
        %get3A_177 = tpu.memref_slice %arg6[%scan3A_68, %get3A_175, %get3A_176] : memref<2x832x64xf32, #tpu.memory_space<vmem>> -> memref<1x832x64xf32, #tpu.memory_space<vmem>>
        %get3A_178 = tpu.memref_squeeze %get3A_177 : memref<1x832x64xf32, #tpu.memory_space<vmem>> -> memref<832x64xf32, #tpu.memory_space<vmem>>
        %get3A_179 = arith.index_cast %add3A_174 : i32 to index
        %get3A_180 = arith.constant 0 : index
        %get3A_181 = tpu.vector_load %get3A_178[%get3A_179, %get3A_180] {strides = array<i32>} : memref<832x64xf32, #tpu.memory_space<vmem>>, vector<1x16xf32>,
        %get3A_182 = vector.shape_cast %get3A_181 : vector<1x16xf32> to vector<16xf32>
        %add3A_183 = arith.addf %add3A_172, %get3A_182 : vector<16xf32>
        %add3A_184 = arith.constant 4 : i32
        %add3A_185 = arith.addi %mul3A_143, %add3A_184 : i32
        %get3A_186 = arith.constant 0 : i32
        %get3A_187 = arith.constant 0 : i32
        %get3A_188 = tpu.memref_slice %arg6[%scan3A_68, %get3A_186, %get3A_187] : memref<2x832x64xf32, #tpu.memory_space<vmem>> -> memref<1x832x64xf32, #tpu.memory_space<vmem>>
        %get3A_189 = tpu.memref_squeeze %get3A_188 : memref<1x832x64xf32, #tpu.memory_space<vmem>> -> memref<832x64xf32, #tpu.memory_space<vmem>>
        %get3A_190 = arith.index_cast %add3A_185 : i32 to index
        %get3A_191 = arith.constant 0 : index
        %get3A_192 = tpu.vector_load %get3A_189[%get3A_190, %get3A_191] {strides = array<i32>} : memref<832x64xf32, #tpu.memory_space<vmem>>, vector<1x16xf32>,
        %get3A_193 = vector.shape_cast %get3A_192 : vector<1x16xf32> to vector<16xf32>
        %add3A_194 = arith.addf %add3A_183, %get3A_193 : vector<16xf32>
        %add3A_195 = arith.constant 5 : i32
        %add3A_196 = arith.addi %mul3A_143, %add3A_195 : i32
        %get3A_197 = arith.constant 0 : i32
        %get3A_198 = arith.constant 0 : i32
        %get3A_199 = tpu.memref_slice %arg6[%scan3A_68, %get3A_197, %get3A_198] : memref<2x832x64xf32, #tpu.memory_space<vmem>> -> memref<1x832x64xf32, #tpu.memory_space<vmem>>
        %get3A_200 = tpu.memref_squeeze %get3A_199 : memref<1x832x64xf32, #tpu.memory_space<vmem>> -> memref<832x64xf32, #tpu.memory_space<vmem>>
        %get3A_201 = arith.index_cast %add3A_196 : i32 to index
        %get3A_202 = arith.constant 0 : index
        %get3A_203 = tpu.vector_load %get3A_200[%get3A_201, %get3A_202] {strides = array<i32>} : memref<832x64xf32, #tpu.memory_space<vmem>>, vector<1x16xf32>,
        %get3A_204 = vector.shape_cast %get3A_203 : vector<1x16xf32> to vector<16xf32>
        %add3A_205 = arith.addf %add3A_194, %get3A_204 : vector<16xf32>
        %add3A_206 = arith.constant 6 : i32
        %add3A_207 = arith.addi %mul3A_143, %add3A_206 : i32
        %get3A_208 = arith.constant 0 : i32
        %get3A_209 = arith.constant 0 : i32
        %get3A_210 = tpu.memref_slice %arg6[%scan3A_68, %get3A_208, %get3A_209] : memref<2x832x64xf32, #tpu.memory_space<vmem>> -> memref<1x832x64xf32, #tpu.memory_space<vmem>>
        %get3A_211 = tpu.memref_squeeze %get3A_210 : memref<1x832x64xf32, #tpu.memory_space<vmem>> -> memref<832x64xf32, #tpu.memory_space<vmem>>
        %get3A_212 = arith.index_cast %add3A_207 : i32 to index
        %get3A_213 = arith.constant 0 : index
        %get3A_214 = tpu.vector_load %get3A_211[%get3A_212, %get3A_213] {strides = array<i32>} : memref<832x64xf32, #tpu.memory_space<vmem>>, vector<1x16xf32>,
        %get3A_215 = vector.shape_cast %get3A_214 : vector<1x16xf32> to vector<16xf32>
        %add3A_216 = arith.addf %add3A_205, %get3A_215 : vector<16xf32>
        %add3A_217 = arith.constant 7 : i32
        %add3A_218 = arith.addi %mul3A_143, %add3A_217 : i32
        %get3A_219 = arith.constant 0 : i32
        %get3A_220 = arith.constant 0 : i32
        %get3A_221 = tpu.memref_slice %arg6[%scan3A_68, %get3A_219, %get3A_220] : memref<2x832x64xf32, #tpu.memory_space<vmem>> -> memref<1x832x64xf32, #tpu.memory_space<vmem>>
        %get3A_222 = tpu.memref_squeeze %get3A_221 : memref<1x832x64xf32, #tpu.memory_space<vmem>> -> memref<832x64xf32, #tpu.memory_space<vmem>>
        %get3A_223 = arith.index_cast %add3A_218 : i32 to index
        %get3A_224 = arith.constant 0 : index
        %get3A_225 = tpu.vector_load %get3A_222[%get3A_223, %get3A_224] {strides = array<i32>} : memref<832x64xf32, #tpu.memory_space<vmem>>, vector<1x16xf32>,
        %get3A_226 = vector.shape_cast %get3A_225 : vector<1x16xf32> to vector<16xf32>
        %add3A_227 = arith.addf %add3A_216, %get3A_226 : vector<16xf32>
        %add3A_228 = arith.constant 8 : i32
        %add3A_229 = arith.addi %mul3A_143, %add3A_228 : i32
        %get3A_230 = arith.constant 0 : i32
        %get3A_231 = arith.constant 0 : i32
        %get3A_232 = tpu.memref_slice %arg6[%scan3A_68, %get3A_230, %get3A_231] : memref<2x832x64xf32, #tpu.memory_space<vmem>> -> memref<1x832x64xf32, #tpu.memory_space<vmem>>
        %get3A_233 = tpu.memref_squeeze %get3A_232 : memref<1x832x64xf32, #tpu.memory_space<vmem>> -> memref<832x64xf32, #tpu.memory_space<vmem>>
        %get3A_234 = arith.index_cast %add3A_229 : i32 to index
        %get3A_235 = arith.constant 0 : index
        %get3A_236 = tpu.vector_load %get3A_233[%get3A_234, %get3A_235] {strides = array<i32>} : memref<832x64xf32, #tpu.memory_space<vmem>>, vector<1x16xf32>,
        %get3A_237 = vector.shape_cast %get3A_236 : vector<1x16xf32> to vector<16xf32>
        %add3A_238 = arith.addf %add3A_227, %get3A_237 : vector<16xf32>
        %add3A_239 = arith.constant 9 : i32
        %add3A_240 = arith.addi %mul3A_143, %add3A_239 : i32
        %get3A_241 = arith.constant 0 : i32
        %get3A_242 = arith.constant 0 : i32
        %get3A_243 = tpu.memref_slice %arg6[%scan3A_68, %get3A_241, %get3A_242] : memref<2x832x64xf32, #tpu.memory_space<vmem>> -> memref<1x832x64xf32, #tpu.memory_space<vmem>>
        %get3A_244 = tpu.memref_squeeze %get3A_243 : memref<1x832x64xf32, #tpu.memory_space<vmem>> -> memref<832x64xf32, #tpu.memory_space<vmem>>
        %get3A_245 = arith.index_cast %add3A_240 : i32 to index
        %get3A_246 = arith.constant 0 : index
        %get3A_247 = tpu.vector_load %get3A_244[%get3A_245, %get3A_246] {strides = array<i32>} : memref<832x64xf32, #tpu.memory_space<vmem>>, vector<1x16xf32>,
        %get3A_248 = vector.shape_cast %get3A_247 : vector<1x16xf32> to vector<16xf32>
        %add3A_249 = arith.addf %add3A_238, %get3A_248 : vector<16xf32>
        %add3A_250 = arith.constant 10 : i32
        %add3A_251 = arith.addi %mul3A_143, %add3A_250 : i32
        %get3A_252 = arith.constant 0 : i32
        %get3A_253 = arith.constant 0 : i32
        %get3A_254 = tpu.memref_slice %arg6[%scan3A_68, %get3A_252, %get3A_253] : memref<2x832x64xf32, #tpu.memory_space<vmem>> -> memref<1x832x64xf32, #tpu.memory_space<vmem>>
        %get3A_255 = tpu.memref_squeeze %get3A_254 : memref<1x832x64xf32, #tpu.memory_space<vmem>> -> memref<832x64xf32, #tpu.memory_space<vmem>>
        %get3A_256 = arith.index_cast %add3A_251 : i32 to index
        %get3A_257 = arith.constant 0 : index
        %get3A_258 = tpu.vector_load %get3A_255[%get3A_256, %get3A_257] {strides = array<i32>} : memref<832x64xf32, #tpu.memory_space<vmem>>, vector<1x16xf32>,
        %get3A_259 = vector.shape_cast %get3A_258 : vector<1x16xf32> to vector<16xf32>
        %add3A_260 = arith.addf %add3A_249, %get3A_259 : vector<16xf32>
        %add3A_261 = arith.constant 11 : i32
        %add3A_262 = arith.addi %mul3A_143, %add3A_261 : i32
        %get3A_263 = arith.constant 0 : i32
        %get3A_264 = arith.constant 0 : i32
        %get3A_265 = tpu.memref_slice %arg6[%scan3A_68, %get3A_263, %get3A_264] : memref<2x832x64xf32, #tpu.memory_space<vmem>> -> memref<1x832x64xf32, #tpu.memory_space<vmem>>
        %get3A_266 = tpu.memref_squeeze %get3A_265 : memref<1x832x64xf32, #tpu.memory_space<vmem>> -> memref<832x64xf32, #tpu.memory_space<vmem>>
        %get3A_267 = arith.index_cast %add3A_262 : i32 to index
        %get3A_268 = arith.constant 0 : index
        %get3A_269 = tpu.vector_load %get3A_266[%get3A_267, %get3A_268] {strides = array<i32>} : memref<832x64xf32, #tpu.memory_space<vmem>>, vector<1x16xf32>,
        %get3A_270 = vector.shape_cast %get3A_269 : vector<1x16xf32> to vector<16xf32>
        %add3A_271 = arith.addf %add3A_260, %get3A_270 : vector<16xf32>
        %add3A_272 = arith.constant 12 : i32
        %add3A_273 = arith.addi %mul3A_143, %add3A_272 : i32
        %get3A_274 = arith.constant 0 : i32
        %get3A_275 = arith.constant 0 : i32
        %get3A_276 = tpu.memref_slice %arg6[%scan3A_68, %get3A_274, %get3A_275] : memref<2x832x64xf32, #tpu.memory_space<vmem>> -> memref<1x832x64xf32, #tpu.memory_space<vmem>>
        %get3A_277 = tpu.memref_squeeze %get3A_276 : memref<1x832x64xf32, #tpu.memory_space<vmem>> -> memref<832x64xf32, #tpu.memory_space<vmem>>
        %get3A_278 = arith.index_cast %add3A_273 : i32 to index
        %get3A_279 = arith.constant 0 : index
        %get3A_280 = tpu.vector_load %get3A_277[%get3A_278, %get3A_279] {strides = array<i32>} : memref<832x64xf32, #tpu.memory_space<vmem>>, vector<1x16xf32>,
        %get3A_281 = vector.shape_cast %get3A_280 : vector<1x16xf32> to vector<16xf32>
        %add3A_282 = arith.addf %add3A_271, %get3A_281 : vector<16xf32>
        %add3A_283 = arith.constant 13 : i32
        %add3A_284 = arith.addi %mul3A_143, %add3A_283 : i32
        %get3A_285 = arith.constant 0 : i32
        %get3A_286 = arith.constant 0 : i32
        %get3A_287 = tpu.memref_slice %arg6[%scan3A_68, %get3A_285, %get3A_286] : memref<2x832x64xf32, #tpu.memory_space<vmem>> -> memref<1x832x64xf32, #tpu.memory_space<vmem>>
        %get3A_288 = tpu.memref_squeeze %get3A_287 : memref<1x832x64xf32, #tpu.memory_space<vmem>> -> memref<832x64xf32, #tpu.memory_space<vmem>>
        %get3A_289 = arith.index_cast %add3A_284 : i32 to index
        %get3A_290 = arith.constant 0 : index
        %get3A_291 = tpu.vector_load %get3A_288[%get3A_289, %get3A_290] {strides = array<i32>} : memref<832x64xf32, #tpu.memory_space<vmem>>, vector<1x16xf32>,
        %get3A_292 = vector.shape_cast %get3A_291 : vector<1x16xf32> to vector<16xf32>
        %add3A_293 = arith.addf %add3A_282, %get3A_292 : vector<16xf32>
        %add3A_294 = arith.constant 14 : i32
        %add3A_295 = arith.addi %mul3A_143, %add3A_294 : i32
        %get3A_296 = arith.constant 0 : i32
        %get3A_297 = arith.constant 0 : i32
        %get3A_298 = tpu.memref_slice %arg6[%scan3A_68, %get3A_296, %get3A_297] : memref<2x832x64xf32, #tpu.memory_space<vmem>> -> memref<1x832x64xf32, #tpu.memory_space<vmem>>
        %get3A_299 = tpu.memref_squeeze %get3A_298 : memref<1x832x64xf32, #tpu.memory_space<vmem>> -> memref<832x64xf32, #tpu.memory_space<vmem>>
        %get3A_300 = arith.index_cast %add3A_295 : i32 to index
        %get3A_301 = arith.constant 0 : index
        %get3A_302 = tpu.vector_load %get3A_299[%get3A_300, %get3A_301] {strides = array<i32>} : memref<832x64xf32, #tpu.memory_space<vmem>>, vector<1x16xf32>,
        %get3A_303 = vector.shape_cast %get3A_302 : vector<1x16xf32> to vector<16xf32>
        %add3A_304 = arith.addf %add3A_293, %get3A_303 : vector<16xf32>
        %add3A_305 = arith.constant 15 : i32
        %add3A_306 = arith.addi %mul3A_143, %add3A_305 : i32
        %get3A_307 = arith.constant 0 : i32
        %get3A_308 = arith.constant 0 : i32
        %get3A_309 = tpu.memref_slice %arg6[%scan3A_68, %get3A_307, %get3A_308] : memref<2x832x64xf32, #tpu.memory_space<vmem>> -> memref<1x832x64xf32, #tpu.memory_space<vmem>>
        %get3A_310 = tpu.memref_squeeze %get3A_309 : memref<1x832x64xf32, #tpu.memory_space<vmem>> -> memref<832x64xf32, #tpu.memory_space<vmem>>
        %get3A_311 = arith.index_cast %add3A_306 : i32 to index
        %get3A_312 = arith.constant 0 : index
        %get3A_313 = tpu.vector_load %get3A_310[%get3A_311, %get3A_312] {strides = array<i32>} : memref<832x64xf32, #tpu.memory_space<vmem>>, vector<1x16xf32>,
        %get3A_314 = vector.shape_cast %get3A_313 : vector<1x16xf32> to vector<16xf32>
        %add3A_315 = arith.addf %add3A_304, %get3A_314 : vector<16xf32>
        %add3A_316 = arith.constant 16 : i32
        %add3A_317 = arith.addi %mul3A_143, %add3A_316 : i32
        %get3A_318 = arith.constant 0 : i32
        %get3A_319 = arith.constant 0 : i32
        %get3A_320 = tpu.memref_slice %arg6[%scan3A_68, %get3A_318, %get3A_319] : memref<2x832x64xf32, #tpu.memory_space<vmem>> -> memref<1x832x64xf32, #tpu.memory_space<vmem>>
        %get3A_321 = tpu.memref_squeeze %get3A_320 : memref<1x832x64xf32, #tpu.memory_space<vmem>> -> memref<832x64xf32, #tpu.memory_space<vmem>>
        %get3A_322 = arith.index_cast %add3A_317 : i32 to index
        %get3A_323 = arith.constant 0 : index
        %get3A_324 = tpu.vector_load %get3A_321[%get3A_322, %get3A_323] {strides = array<i32>} : memref<832x64xf32, #tpu.memory_space<vmem>>, vector<1x16xf32>,
        %get3A_325 = vector.shape_cast %get3A_324 : vector<1x16xf32> to vector<16xf32>
        %add3A_326 = arith.addf %add3A_315, %get3A_325 : vector<16xf32>
        %add3A_327 = arith.constant 17 : i32
        %add3A_328 = arith.addi %mul3A_143, %add3A_327 : i32
        %get3A_329 = arith.constant 0 : i32
        %get3A_330 = arith.constant 0 : i32
        %get3A_331 = tpu.memref_slice %arg6[%scan3A_68, %get3A_329, %get3A_330] : memref<2x832x64xf32, #tpu.memory_space<vmem>> -> memref<1x832x64xf32, #tpu.memory_space<vmem>>
        %get3A_332 = tpu.memref_squeeze %get3A_331 : memref<1x832x64xf32, #tpu.memory_space<vmem>> -> memref<832x64xf32, #tpu.memory_space<vmem>>
        %get3A_333 = arith.index_cast %add3A_328 : i32 to index
        %get3A_334 = arith.constant 0 : index
        %get3A_335 = tpu.vector_load %get3A_332[%get3A_333, %get3A_334] {strides = array<i32>} : memref<832x64xf32, #tpu.memory_space<vmem>>, vector<1x16xf32>,
        %get3A_336 = vector.shape_cast %get3A_335 : vector<1x16xf32> to vector<16xf32>
        %add3A_337 = arith.addf %add3A_326, %get3A_336 : vector<16xf32>
        %add3A_338 = arith.constant 18 : i32
        %add3A_339 = arith.addi %mul3A_143, %add3A_338 : i32
        %get3A_340 = arith.constant 0 : i32
        %get3A_341 = arith.constant 0 : i32
        %get3A_342 = tpu.memref_slice %arg6[%scan3A_68, %get3A_340, %get3A_341] : memref<2x832x64xf32, #tpu.memory_space<vmem>> -> memref<1x832x64xf32, #tpu.memory_space<vmem>>
        %get3A_343 = tpu.memref_squeeze %get3A_342 : memref<1x832x64xf32, #tpu.memory_space<vmem>> -> memref<832x64xf32, #tpu.memory_space<vmem>>
        %get3A_344 = arith.index_cast %add3A_339 : i32 to index
        %get3A_345 = arith.constant 0 : index
        %get3A_346 = tpu.vector_load %get3A_343[%get3A_344, %get3A_345] {strides = array<i32>} : memref<832x64xf32, #tpu.memory_space<vmem>>, vector<1x16xf32>,
        %get3A_347 = vector.shape_cast %get3A_346 : vector<1x16xf32> to vector<16xf32>
        %add3A_348 = arith.addf %add3A_337, %get3A_347 : vector<16xf32>
        %add3A_349 = arith.constant 19 : i32
        %add3A_350 = arith.addi %mul3A_143, %add3A_349 : i32
        %get3A_351 = arith.constant 0 : i32
        %get3A_352 = arith.constant 0 : i32
        %get3A_353 = tpu.memref_slice %arg6[%scan3A_68, %get3A_351, %get3A_352] : memref<2x832x64xf32, #tpu.memory_space<vmem>> -> memref<1x832x64xf32, #tpu.memory_space<vmem>>
        %get3A_354 = tpu.memref_squeeze %get3A_353 : memref<1x832x64xf32, #tpu.memory_space<vmem>> -> memref<832x64xf32, #tpu.memory_space<vmem>>
        %get3A_355 = arith.index_cast %add3A_350 : i32 to index
        %get3A_356 = arith.constant 0 : index
        %get3A_357 = tpu.vector_load %get3A_354[%get3A_355, %get3A_356] {strides = array<i32>} : memref<832x64xf32, #tpu.memory_space<vmem>>, vector<1x16xf32>,
        %get3A_358 = vector.shape_cast %get3A_357 : vector<1x16xf32> to vector<16xf32>
        %add3A_359 = arith.addf %add3A_348, %get3A_358 : vector<16xf32>
        %add3A_360 = arith.constant 20 : i32
        %add3A_361 = arith.addi %mul3A_143, %add3A_360 : i32
        %get3A_362 = arith.constant 0 : i32
        %get3A_363 = arith.constant 0 : i32
        %get3A_364 = tpu.memref_slice %arg6[%scan3A_68, %get3A_362, %get3A_363] : memref<2x832x64xf32, #tpu.memory_space<vmem>> -> memref<1x832x64xf32, #tpu.memory_space<vmem>>
        %get3A_365 = tpu.memref_squeeze %get3A_364 : memref<1x832x64xf32, #tpu.memory_space<vmem>> -> memref<832x64xf32, #tpu.memory_space<vmem>>
        %get3A_366 = arith.index_cast %add3A_361 : i32 to index
        %get3A_367 = arith.constant 0 : index
        %get3A_368 = tpu.vector_load %get3A_365[%get3A_366, %get3A_367] {strides = array<i32>} : memref<832x64xf32, #tpu.memory_space<vmem>>, vector<1x16xf32>,
        %get3A_369 = vector.shape_cast %get3A_368 : vector<1x16xf32> to vector<16xf32>
        %add3A_370 = arith.addf %add3A_359, %get3A_369 : vector<16xf32>
        %add3A_371 = arith.constant 21 : i32
        %add3A_372 = arith.addi %mul3A_143, %add3A_371 : i32
        %get3A_373 = arith.constant 0 : i32
        %get3A_374 = arith.constant 0 : i32
        %get3A_375 = tpu.memref_slice %arg6[%scan3A_68, %get3A_373, %get3A_374] : memref<2x832x64xf32, #tpu.memory_space<vmem>> -> memref<1x832x64xf32, #tpu.memory_space<vmem>>
        %get3A_376 = tpu.memref_squeeze %get3A_375 : memref<1x832x64xf32, #tpu.memory_space<vmem>> -> memref<832x64xf32, #tpu.memory_space<vmem>>
        %get3A_377 = arith.index_cast %add3A_372 : i32 to index
        %get3A_378 = arith.constant 0 : index
        %get3A_379 = tpu.vector_load %get3A_376[%get3A_377, %get3A_378] {strides = array<i32>} : memref<832x64xf32, #tpu.memory_space<vmem>>, vector<1x16xf32>,
        %get3A_380 = vector.shape_cast %get3A_379 : vector<1x16xf32> to vector<16xf32>
        %add3A_381 = arith.addf %add3A_370, %get3A_380 : vector<16xf32>
        %add3A_382 = arith.constant 22 : i32
        %add3A_383 = arith.addi %mul3A_143, %add3A_382 : i32
        %get3A_384 = arith.constant 0 : i32
        %get3A_385 = arith.constant 0 : i32
        %get3A_386 = tpu.memref_slice %arg6[%scan3A_68, %get3A_384, %get3A_385] : memref<2x832x64xf32, #tpu.memory_space<vmem>> -> memref<1x832x64xf32, #tpu.memory_space<vmem>>
        %get3A_387 = tpu.memref_squeeze %get3A_386 : memref<1x832x64xf32, #tpu.memory_space<vmem>> -> memref<832x64xf32, #tpu.memory_space<vmem>>
        %get3A_388 = arith.index_cast %add3A_383 : i32 to index
        %get3A_389 = arith.constant 0 : index
        %get3A_390 = tpu.vector_load %get3A_387[%get3A_388, %get3A_389] {strides = array<i32>} : memref<832x64xf32, #tpu.memory_space<vmem>>, vector<1x16xf32>,
        %get3A_391 = vector.shape_cast %get3A_390 : vector<1x16xf32> to vector<16xf32>
        %add3A_392 = arith.addf %add3A_381, %get3A_391 : vector<16xf32>
        %add3A_393 = arith.constant 23 : i32
        %add3A_394 = arith.addi %mul3A_143, %add3A_393 : i32
        %get3A_395 = arith.constant 0 : i32
        %get3A_396 = arith.constant 0 : i32
        %get3A_397 = tpu.memref_slice %arg6[%scan3A_68, %get3A_395, %get3A_396] : memref<2x832x64xf32, #tpu.memory_space<vmem>> -> memref<1x832x64xf32, #tpu.memory_space<vmem>>
        %get3A_398 = tpu.memref_squeeze %get3A_397 : memref<1x832x64xf32, #tpu.memory_space<vmem>> -> memref<832x64xf32, #tpu.memory_space<vmem>>
        %get3A_399 = arith.index_cast %add3A_394 : i32 to index
        %get3A_400 = arith.constant 0 : index
        %get3A_401 = tpu.vector_load %get3A_398[%get3A_399, %get3A_400] {strides = array<i32>} : memref<832x64xf32, #tpu.memory_space<vmem>>, vector<1x16xf32>,
        %get3A_402 = vector.shape_cast %get3A_401 : vector<1x16xf32> to vector<16xf32>
        %add3A_403 = arith.addf %add3A_392, %get3A_402 : vector<16xf32>
        %add3A_404 = arith.constant 24 : i32
        %add3A_405 = arith.addi %mul3A_143, %add3A_404 : i32
        %get3A_406 = arith.constant 0 : i32
        %get3A_407 = arith.constant 0 : i32
        %get3A_408 = tpu.memref_slice %arg6[%scan3A_68, %get3A_406, %get3A_407] : memref<2x832x64xf32, #tpu.memory_space<vmem>> -> memref<1x832x64xf32, #tpu.memory_space<vmem>>
        %get3A_409 = tpu.memref_squeeze %get3A_408 : memref<1x832x64xf32, #tpu.memory_space<vmem>> -> memref<832x64xf32, #tpu.memory_space<vmem>>
        %get3A_410 = arith.index_cast %add3A_405 : i32 to index
        %get3A_411 = arith.constant 0 : index
        %get3A_412 = tpu.vector_load %get3A_409[%get3A_410, %get3A_411] {strides = array<i32>} : memref<832x64xf32, #tpu.memory_space<vmem>>, vector<1x16xf32>,
        %get3A_413 = vector.shape_cast %get3A_412 : vector<1x16xf32> to vector<16xf32>
        %add3A_414 = arith.addf %add3A_403, %get3A_413 : vector<16xf32>
        %add3A_415 = arith.constant 25 : i32
        %add3A_416 = arith.addi %mul3A_143, %add3A_415 : i32
        %get3A_417 = arith.constant 0 : i32
        %get3A_418 = arith.constant 0 : i32
        %get3A_419 = tpu.memref_slice %arg6[%scan3A_68, %get3A_417, %get3A_418] : memref<2x832x64xf32, #tpu.memory_space<vmem>> -> memref<1x832x64xf32, #tpu.memory_space<vmem>>
        %get3A_420 = tpu.memref_squeeze %get3A_419 : memref<1x832x64xf32, #tpu.memory_space<vmem>> -> memref<832x64xf32, #tpu.memory_space<vmem>>
        %get3A_421 = arith.index_cast %add3A_416 : i32 to index
        %get3A_422 = arith.constant 0 : index
        %get3A_423 = tpu.vector_load %get3A_420[%get3A_421, %get3A_422] {strides = array<i32>} : memref<832x64xf32, #tpu.memory_space<vmem>>, vector<1x16xf32>,
        %get3A_424 = vector.shape_cast %get3A_423 : vector<1x16xf32> to vector<16xf32>
        %add3A_425 = arith.addf %add3A_414, %get3A_424 : vector<16xf32>
        %swap3A = arith.constant 0 : i32
        %swap3A_426 = arith.constant 0 : i32
        %swap3A_427 = tpu.memref_slice %arg7[%scan3A_69, %swap3A, %swap3A_426] : memref<2x32x64xf32, #tpu.memory_space<vmem>> -> memref<1x32x64xf32, #tpu.memory_space<vmem>>
        %swap3A_428 = tpu.memref_squeeze %swap3A_427 : memref<1x32x64xf32, #tpu.memory_space<vmem>> -> memref<32x64xf32, #tpu.memory_space<vmem>>
        %swap3A_429 = arith.index_cast %scan3A_141 : i32 to index
        %swap3A_430 = arith.constant 0 : index
        %swap3A_431 = tpu.vector_load %swap3A_428[%swap3A_429, %swap3A_430] {strides = array<i32>} : memref<32x64xf32, #tpu.memory_space<vmem>>, vector<1x16xf32>,
        %swap3A_432 = vector.shape_cast %swap3A_431 : vector<1x16xf32> to vector<16xf32>
        %swap3A_433 = vector.shape_cast %add3A_425 : vector<16xf32> to vector<1x16xf32>
        tpu.vector_store %swap3A_428[%swap3A_429, %swap3A_430], %swap3A_433 {strides = array<i32>} : memref<32x64xf32, #tpu.memory_space<vmem>>, vector<1x16xf32>,
        %get3A_434 = arith.constant 0 : i32
        %get3A_435 = arith.constant 0 : i32
        %get3A_436 = tpu.memref_slice %arg6[%scan3A_68, %get3A_434, %get3A_435] : memref<2x832x64xf32, #tpu.memory_space<vmem>> -> memref<1x832x64xf32, #tpu.memory_space<vmem>>
        %get3A_437 = tpu.memref_squeeze %get3A_436 : memref<1x832x64xf32, #tpu.memory_space<vmem>> -> memref<832x64xf32, #tpu.memory_space<vmem>>
        %get3A_438 = arith.index_cast %mul3A_143 : i32 to index
        %get3A_439 = arith.constant 16 : index
        %get3A_440 = tpu.vector_load %get3A_437[%get3A_438, %get3A_439] {strides = array<i32>} : memref<832x64xf32, #tpu.memory_space<vmem>>, vector<1x16xf32>,
        %get3A_441 = vector.shape_cast %get3A_440 : vector<1x16xf32> to vector<16xf32>
        %add3A_442 = arith.constant 1 : i32
        %add3A_443 = arith.addi %mul3A_143, %add3A_442 : i32
        %get3A_444 = arith.constant 0 : i32
        %get3A_445 = arith.constant 0 : i32
        %get3A_446 = tpu.memref_slice %arg6[%scan3A_68, %get3A_444, %get3A_445] : memref<2x832x64xf32, #tpu.memory_space<vmem>> -> memref<1x832x64xf32, #tpu.memory_space<vmem>>
        %get3A_447 = tpu.memref_squeeze %get3A_446 : memref<1x832x64xf32, #tpu.memory_space<vmem>> -> memref<832x64xf32, #tpu.memory_space<vmem>>
        %get3A_448 = arith.index_cast %add3A_443 : i32 to index
        %get3A_449 = arith.constant 16 : index
        %get3A_450 = tpu.vector_load %get3A_447[%get3A_448, %get3A_449] {strides = array<i32>} : memref<832x64xf32, #tpu.memory_space<vmem>>, vector<1x16xf32>,
        %get3A_451 = vector.shape_cast %get3A_450 : vector<1x16xf32> to vector<16xf32>
        %add3A_452 = arith.addf %get3A_441, %get3A_451 : vector<16xf32>
        %add3A_453 = arith.constant 2 : i32
        %add3A_454 = arith.addi %mul3A_143, %add3A_453 : i32
        %get3A_455 = arith.constant 0 : i32
        %get3A_456 = arith.constant 0 : i32
        %get3A_457 = tpu.memref_slice %arg6[%scan3A_68, %get3A_455, %get3A_456] : memref<2x832x64xf32, #tpu.memory_space<vmem>> -> memref<1x832x64xf32, #tpu.memory_space<vmem>>
        %get3A_458 = tpu.memref_squeeze %get3A_457 : memref<1x832x64xf32, #tpu.memory_space<vmem>> -> memref<832x64xf32, #tpu.memory_space<vmem>>
        %get3A_459 = arith.index_cast %add3A_454 : i32 to index
        %get3A_460 = arith.constant 16 : index
        %get3A_461 = tpu.vector_load %get3A_458[%get3A_459, %get3A_460] {strides = array<i32>} : memref<832x64xf32, #tpu.memory_space<vmem>>, vector<1x16xf32>,
        %get3A_462 = vector.shape_cast %get3A_461 : vector<1x16xf32> to vector<16xf32>
        %add3A_463 = arith.addf %add3A_452, %get3A_462 : vector<16xf32>
        %add3A_464 = arith.constant 3 : i32
        %add3A_465 = arith.addi %mul3A_143, %add3A_464 : i32
        %get3A_466 = arith.constant 0 : i32
        %get3A_467 = arith.constant 0 : i32
        %get3A_468 = tpu.memref_slice %arg6[%scan3A_68, %get3A_466, %get3A_467] : memref<2x832x64xf32, #tpu.memory_space<vmem>> -> memref<1x832x64xf32, #tpu.memory_space<vmem>>
        %get3A_469 = tpu.memref_squeeze %get3A_468 : memref<1x832x64xf32, #tpu.memory_space<vmem>> -> memref<832x64xf32, #tpu.memory_space<vmem>>
        %get3A_470 = arith.index_cast %add3A_465 : i32 to index
        %get3A_471 = arith.constant 16 : index
        %get3A_472 = tpu.vector_load %get3A_469[%get3A_470, %get3A_471] {strides = array<i32>} : memref<832x64xf32, #tpu.memory_space<vmem>>, vector<1x16xf32>,
        %get3A_473 = vector.shape_cast %get3A_472 : vector<1x16xf32> to vector<16xf32>
        %add3A_474 = arith.addf %add3A_463, %get3A_473 : vector<16xf32>
        %add3A_475 = arith.constant 4 : i32
        %add3A_476 = arith.addi %mul3A_143, %add3A_475 : i32
        %get3A_477 = arith.constant 0 : i32
        %get3A_478 = arith.constant 0 : i32
        %get3A_479 = tpu.memref_slice %arg6[%scan3A_68, %get3A_477, %get3A_478] : memref<2x832x64xf32, #tpu.memory_space<vmem>> -> memref<1x832x64xf32, #tpu.memory_space<vmem>>
        %get3A_480 = tpu.memref_squeeze %get3A_479 : memref<1x832x64xf32, #tpu.memory_space<vmem>> -> memref<832x64xf32, #tpu.memory_space<vmem>>
        %get3A_481 = arith.index_cast %add3A_476 : i32 to index
        %get3A_482 = arith.constant 16 : index
        %get3A_483 = tpu.vector_load %get3A_480[%get3A_481, %get3A_482] {strides = array<i32>} : memref<832x64xf32, #tpu.memory_space<vmem>>, vector<1x16xf32>,
        %get3A_484 = vector.shape_cast %get3A_483 : vector<1x16xf32> to vector<16xf32>
        %add3A_485 = arith.addf %add3A_474, %get3A_484 : vector<16xf32>
        %add3A_486 = arith.constant 5 : i32
        %add3A_487 = arith.addi %mul3A_143, %add3A_486 : i32
        %get3A_488 = arith.constant 0 : i32
        %get3A_489 = arith.constant 0 : i32
        %get3A_490 = tpu.memref_slice %arg6[%scan3A_68, %get3A_488, %get3A_489] : memref<2x832x64xf32, #tpu.memory_space<vmem>> -> memref<1x832x64xf32, #tpu.memory_space<vmem>>
        %get3A_491 = tpu.memref_squeeze %get3A_490 : memref<1x832x64xf32, #tpu.memory_space<vmem>> -> memref<832x64xf32, #tpu.memory_space<vmem>>
        %get3A_492 = arith.index_cast %add3A_487 : i32 to index
        %get3A_493 = arith.constant 16 : index
        %get3A_494 = tpu.vector_load %get3A_491[%get3A_492, %get3A_493] {strides = array<i32>} : memref<832x64xf32, #tpu.memory_space<vmem>>, vector<1x16xf32>,
        %get3A_495 = vector.shape_cast %get3A_494 : vector<1x16xf32> to vector<16xf32>
        %add3A_496 = arith.addf %add3A_485, %get3A_495 : vector<16xf32>
        %add3A_497 = arith.constant 6 : i32
        %add3A_498 = arith.addi %mul3A_143, %add3A_497 : i32
        %get3A_499 = arith.constant 0 : i32
        %get3A_500 = arith.constant 0 : i32
        %get3A_501 = tpu.memref_slice %arg6[%scan3A_68, %get3A_499, %get3A_500] : memref<2x832x64xf32, #tpu.memory_space<vmem>> -> memref<1x832x64xf32, #tpu.memory_space<vmem>>
        %get3A_502 = tpu.memref_squeeze %get3A_501 : memref<1x832x64xf32, #tpu.memory_space<vmem>> -> memref<832x64xf32, #tpu.memory_space<vmem>>
        %get3A_503 = arith.index_cast %add3A_498 : i32 to index
        %get3A_504 = arith.constant 16 : index
        %get3A_505 = tpu.vector_load %get3A_502[%get3A_503, %get3A_504] {strides = array<i32>} : memref<832x64xf32, #tpu.memory_space<vmem>>, vector<1x16xf32>,
        %get3A_506 = vector.shape_cast %get3A_505 : vector<1x16xf32> to vector<16xf32>
        %add3A_507 = arith.addf %add3A_496, %get3A_506 : vector<16xf32>
        %add3A_508 = arith.constant 7 : i32
        %add3A_509 = arith.addi %mul3A_143, %add3A_508 : i32
        %get3A_510 = arith.constant 0 : i32
        %get3A_511 = arith.constant 0 : i32
        %get3A_512 = tpu.memref_slice %arg6[%scan3A_68, %get3A_510, %get3A_511] : memref<2x832x64xf32, #tpu.memory_space<vmem>> -> memref<1x832x64xf32, #tpu.memory_space<vmem>>
        %get3A_513 = tpu.memref_squeeze %get3A_512 : memref<1x832x64xf32, #tpu.memory_space<vmem>> -> memref<832x64xf32, #tpu.memory_space<vmem>>
        %get3A_514 = arith.index_cast %add3A_509 : i32 to index
        %get3A_515 = arith.constant 16 : index
        %get3A_516 = tpu.vector_load %get3A_513[%get3A_514, %get3A_515] {strides = array<i32>} : memref<832x64xf32, #tpu.memory_space<vmem>>, vector<1x16xf32>,
        %get3A_517 = vector.shape_cast %get3A_516 : vector<1x16xf32> to vector<16xf32>
        %add3A_518 = arith.addf %add3A_507, %get3A_517 : vector<16xf32>
        %add3A_519 = arith.constant 8 : i32
        %add3A_520 = arith.addi %mul3A_143, %add3A_519 : i32
        %get3A_521 = arith.constant 0 : i32
        %get3A_522 = arith.constant 0 : i32
        %get3A_523 = tpu.memref_slice %arg6[%scan3A_68, %get3A_521, %get3A_522] : memref<2x832x64xf32, #tpu.memory_space<vmem>> -> memref<1x832x64xf32, #tpu.memory_space<vmem>>
        %get3A_524 = tpu.memref_squeeze %get3A_523 : memref<1x832x64xf32, #tpu.memory_space<vmem>> -> memref<832x64xf32, #tpu.memory_space<vmem>>
        %get3A_525 = arith.index_cast %add3A_520 : i32 to index
        %get3A_526 = arith.constant 16 : index
        %get3A_527 = tpu.vector_load %get3A_524[%get3A_525, %get3A_526] {strides = array<i32>} : memref<832x64xf32, #tpu.memory_space<vmem>>, vector<1x16xf32>,
        %get3A_528 = vector.shape_cast %get3A_527 : vector<1x16xf32> to vector<16xf32>
        %add3A_529 = arith.addf %add3A_518, %get3A_528 : vector<16xf32>
        %add3A_530 = arith.constant 9 : i32
        %add3A_531 = arith.addi %mul3A_143, %add3A_530 : i32
        %get3A_532 = arith.constant 0 : i32
        %get3A_533 = arith.constant 0 : i32
        %get3A_534 = tpu.memref_slice %arg6[%scan3A_68, %get3A_532, %get3A_533] : memref<2x832x64xf32, #tpu.memory_space<vmem>> -> memref<1x832x64xf32, #tpu.memory_space<vmem>>
        %get3A_535 = tpu.memref_squeeze %get3A_534 : memref<1x832x64xf32, #tpu.memory_space<vmem>> -> memref<832x64xf32, #tpu.memory_space<vmem>>
        %get3A_536 = arith.index_cast %add3A_531 : i32 to index
        %get3A_537 = arith.constant 16 : index
        %get3A_538 = tpu.vector_load %get3A_535[%get3A_536, %get3A_537] {strides = array<i32>} : memref<832x64xf32, #tpu.memory_space<vmem>>, vector<1x16xf32>,
        %get3A_539 = vector.shape_cast %get3A_538 : vector<1x16xf32> to vector<16xf32>
        %add3A_540 = arith.addf %add3A_529, %get3A_539 : vector<16xf32>
        %add3A_541 = arith.constant 10 : i32
        %add3A_542 = arith.addi %mul3A_143, %add3A_541 : i32
        %get3A_543 = arith.constant 0 : i32
        %get3A_544 = arith.constant 0 : i32
        %get3A_545 = tpu.memref_slice %arg6[%scan3A_68, %get3A_543, %get3A_544] : memref<2x832x64xf32, #tpu.memory_space<vmem>> -> memref<1x832x64xf32, #tpu.memory_space<vmem>>
        %get3A_546 = tpu.memref_squeeze %get3A_545 : memref<1x832x64xf32, #tpu.memory_space<vmem>> -> memref<832x64xf32, #tpu.memory_space<vmem>>
        %get3A_547 = arith.index_cast %add3A_542 : i32 to index
        %get3A_548 = arith.constant 16 : index
        %get3A_549 = tpu.vector_load %get3A_546[%get3A_547, %get3A_548] {strides = array<i32>} : memref<832x64xf32, #tpu.memory_space<vmem>>, vector<1x16xf32>,
        %get3A_550 = vector.shape_cast %get3A_549 : vector<1x16xf32> to vector<16xf32>
        %add3A_551 = arith.addf %add3A_540, %get3A_550 : vector<16xf32>
        %add3A_552 = arith.constant 11 : i32
        %add3A_553 = arith.addi %mul3A_143, %add3A_552 : i32
        %get3A_554 = arith.constant 0 : i32
        %get3A_555 = arith.constant 0 : i32
        %get3A_556 = tpu.memref_slice %arg6[%scan3A_68, %get3A_554, %get3A_555] : memref<2x832x64xf32, #tpu.memory_space<vmem>> -> memref<1x832x64xf32, #tpu.memory_space<vmem>>
        %get3A_557 = tpu.memref_squeeze %get3A_556 : memref<1x832x64xf32, #tpu.memory_space<vmem>> -> memref<832x64xf32, #tpu.memory_space<vmem>>
        %get3A_558 = arith.index_cast %add3A_553 : i32 to index
        %get3A_559 = arith.constant 16 : index
        %get3A_560 = tpu.vector_load %get3A_557[%get3A_558, %get3A_559] {strides = array<i32>} : memref<832x64xf32, #tpu.memory_space<vmem>>, vector<1x16xf32>,
        %get3A_561 = vector.shape_cast %get3A_560 : vector<1x16xf32> to vector<16xf32>
        %add3A_562 = arith.addf %add3A_551, %get3A_561 : vector<16xf32>
        %add3A_563 = arith.constant 12 : i32
        %add3A_564 = arith.addi %mul3A_143, %add3A_563 : i32
        %get3A_565 = arith.constant 0 : i32
        %get3A_566 = arith.constant 0 : i32
        %get3A_567 = tpu.memref_slice %arg6[%scan3A_68, %get3A_565, %get3A_566] : memref<2x832x64xf32, #tpu.memory_space<vmem>> -> memref<1x832x64xf32, #tpu.memory_space<vmem>>
        %get3A_568 = tpu.memref_squeeze %get3A_567 : memref<1x832x64xf32, #tpu.memory_space<vmem>> -> memref<832x64xf32, #tpu.memory_space<vmem>>
        %get3A_569 = arith.index_cast %add3A_564 : i32 to index
        %get3A_570 = arith.constant 16 : index
        %get3A_571 = tpu.vector_load %get3A_568[%get3A_569, %get3A_570] {strides = array<i32>} : memref<832x64xf32, #tpu.memory_space<vmem>>, vector<1x16xf32>,
        %get3A_572 = vector.shape_cast %get3A_571 : vector<1x16xf32> to vector<16xf32>
        %add3A_573 = arith.addf %add3A_562, %get3A_572 : vector<16xf32>
        %add3A_574 = arith.constant 13 : i32
        %add3A_575 = arith.addi %mul3A_143, %add3A_574 : i32
        %get3A_576 = arith.constant 0 : i32
        %get3A_577 = arith.constant 0 : i32
        %get3A_578 = tpu.memref_slice %arg6[%scan3A_68, %get3A_576, %get3A_577] : memref<2x832x64xf32, #tpu.memory_space<vmem>> -> memref<1x832x64xf32, #tpu.memory_space<vmem>>
        %get3A_579 = tpu.memref_squeeze %get3A_578 : memref<1x832x64xf32, #tpu.memory_space<vmem>> -> memref<832x64xf32, #tpu.memory_space<vmem>>
        %get3A_580 = arith.index_cast %add3A_575 : i32 to index
        %get3A_581 = arith.constant 16 : index
        %get3A_582 = tpu.vector_load %get3A_579[%get3A_580, %get3A_581] {strides = array<i32>} : memref<832x64xf32, #tpu.memory_space<vmem>>, vector<1x16xf32>,
        %get3A_583 = vector.shape_cast %get3A_582 : vector<1x16xf32> to vector<16xf32>
        %add3A_584 = arith.addf %add3A_573, %get3A_583 : vector<16xf32>
        %add3A_585 = arith.constant 14 : i32
        %add3A_586 = arith.addi %mul3A_143, %add3A_585 : i32
        %get3A_587 = arith.constant 0 : i32
        %get3A_588 = arith.constant 0 : i32
        %get3A_589 = tpu.memref_slice %arg6[%scan3A_68, %get3A_587, %get3A_588] : memref<2x832x64xf32, #tpu.memory_space<vmem>> -> memref<1x832x64xf32, #tpu.memory_space<vmem>>
        %get3A_590 = tpu.memref_squeeze %get3A_589 : memref<1x832x64xf32, #tpu.memory_space<vmem>> -> memref<832x64xf32, #tpu.memory_space<vmem>>
        %get3A_591 = arith.index_cast %add3A_586 : i32 to index
        %get3A_592 = arith.constant 16 : index
        %get3A_593 = tpu.vector_load %get3A_590[%get3A_591, %get3A_592] {strides = array<i32>} : memref<832x64xf32, #tpu.memory_space<vmem>>, vector<1x16xf32>,
        %get3A_594 = vector.shape_cast %get3A_593 : vector<1x16xf32> to vector<16xf32>
        %add3A_595 = arith.addf %add3A_584, %get3A_594 : vector<16xf32>
        %add3A_596 = arith.constant 15 : i32
        %add3A_597 = arith.addi %mul3A_143, %add3A_596 : i32
        %get3A_598 = arith.constant 0 : i32
        %get3A_599 = arith.constant 0 : i32
        %get3A_600 = tpu.memref_slice %arg6[%scan3A_68, %get3A_598, %get3A_599] : memref<2x832x64xf32, #tpu.memory_space<vmem>> -> memref<1x832x64xf32, #tpu.memory_space<vmem>>
        %get3A_601 = tpu.memref_squeeze %get3A_600 : memref<1x832x64xf32, #tpu.memory_space<vmem>> -> memref<832x64xf32, #tpu.memory_space<vmem>>
        %get3A_602 = arith.index_cast %add3A_597 : i32 to index
        %get3A_603 = arith.constant 16 : index
        %get3A_604 = tpu.vector_load %get3A_601[%get3A_602, %get3A_603] {strides = array<i32>} : memref<832x64xf32, #tpu.memory_space<vmem>>, vector<1x16xf32>,
        %get3A_605 = vector.shape_cast %get3A_604 : vector<1x16xf32> to vector<16xf32>
        %add3A_606 = arith.addf %add3A_595, %get3A_605 : vector<16xf32>
        %add3A_607 = arith.constant 16 : i32
        %add3A_608 = arith.addi %mul3A_143, %add3A_607 : i32
        %get3A_609 = arith.constant 0 : i32
        %get3A_610 = arith.constant 0 : i32
        %get3A_611 = tpu.memref_slice %arg6[%scan3A_68, %get3A_609, %get3A_610] : memref<2x832x64xf32, #tpu.memory_space<vmem>> -> memref<1x832x64xf32, #tpu.memory_space<vmem>>
        %get3A_612 = tpu.memref_squeeze %get3A_611 : memref<1x832x64xf32, #tpu.memory_space<vmem>> -> memref<832x64xf32, #tpu.memory_space<vmem>>
        %get3A_613 = arith.index_cast %add3A_608 : i32 to index
        %get3A_614 = arith.constant 16 : index
        %get3A_615 = tpu.vector_load %get3A_612[%get3A_613, %get3A_614] {strides = array<i32>} : memref<832x64xf32, #tpu.memory_space<vmem>>, vector<1x16xf32>,
        %get3A_616 = vector.shape_cast %get3A_615 : vector<1x16xf32> to vector<16xf32>
        %add3A_617 = arith.addf %add3A_606, %get3A_616 : vector<16xf32>
        %add3A_618 = arith.constant 17 : i32
        %add3A_619 = arith.addi %mul3A_143, %add3A_618 : i32
        %get3A_620 = arith.constant 0 : i32
        %get3A_621 = arith.constant 0 : i32
        %get3A_622 = tpu.memref_slice %arg6[%scan3A_68, %get3A_620, %get3A_621] : memref<2x832x64xf32, #tpu.memory_space<vmem>> -> memref<1x832x64xf32, #tpu.memory_space<vmem>>
        %get3A_623 = tpu.memref_squeeze %get3A_622 : memref<1x832x64xf32, #tpu.memory_space<vmem>> -> memref<832x64xf32, #tpu.memory_space<vmem>>
        %get3A_624 = arith.index_cast %add3A_619 : i32 to index
        %get3A_625 = arith.constant 16 : index
        %get3A_626 = tpu.vector_load %get3A_623[%get3A_624, %get3A_625] {strides = array<i32>} : memref<832x64xf32, #tpu.memory_space<vmem>>, vector<1x16xf32>,
        %get3A_627 = vector.shape_cast %get3A_626 : vector<1x16xf32> to vector<16xf32>
        %add3A_628 = arith.addf %add3A_617, %get3A_627 : vector<16xf32>
        %add3A_629 = arith.constant 18 : i32
        %add3A_630 = arith.addi %mul3A_143, %add3A_629 : i32
        %get3A_631 = arith.constant 0 : i32
        %get3A_632 = arith.constant 0 : i32
        %get3A_633 = tpu.memref_slice %arg6[%scan3A_68, %get3A_631, %get3A_632] : memref<2x832x64xf32, #tpu.memory_space<vmem>> -> memref<1x832x64xf32, #tpu.memory_space<vmem>>
        %get3A_634 = tpu.memref_squeeze %get3A_633 : memref<1x832x64xf32, #tpu.memory_space<vmem>> -> memref<832x64xf32, #tpu.memory_space<vmem>>
        %get3A_635 = arith.index_cast %add3A_630 : i32 to index
        %get3A_636 = arith.constant 16 : index
        %get3A_637 = tpu.vector_load %get3A_634[%get3A_635, %get3A_636] {strides = array<i32>} : memref<832x64xf32, #tpu.memory_space<vmem>>, vector<1x16xf32>,
        %get3A_638 = vector.shape_cast %get3A_637 : vector<1x16xf32> to vector<16xf32>
        %add3A_639 = arith.addf %add3A_628, %get3A_638 : vector<16xf32>
        %add3A_640 = arith.constant 19 : i32
        %add3A_641 = arith.addi %mul3A_143, %add3A_640 : i32
        %get3A_642 = arith.constant 0 : i32
        %get3A_643 = arith.constant 0 : i32
        %get3A_644 = tpu.memref_slice %arg6[%scan3A_68, %get3A_642, %get3A_643] : memref<2x832x64xf32, #tpu.memory_space<vmem>> -> memref<1x832x64xf32, #tpu.memory_space<vmem>>
        %get3A_645 = tpu.memref_squeeze %get3A_644 : memref<1x832x64xf32, #tpu.memory_space<vmem>> -> memref<832x64xf32, #tpu.memory_space<vmem>>
        %get3A_646 = arith.index_cast %add3A_641 : i32 to index
        %get3A_647 = arith.constant 16 : index
        %get3A_648 = tpu.vector_load %get3A_645[%get3A_646, %get3A_647] {strides = array<i32>} : memref<832x64xf32, #tpu.memory_space<vmem>>, vector<1x16xf32>,
        %get3A_649 = vector.shape_cast %get3A_648 : vector<1x16xf32> to vector<16xf32>
        %add3A_650 = arith.addf %add3A_639, %get3A_649 : vector<16xf32>
        %add3A_651 = arith.constant 20 : i32
        %add3A_652 = arith.addi %mul3A_143, %add3A_651 : i32
        %get3A_653 = arith.constant 0 : i32
        %get3A_654 = arith.constant 0 : i32
        %get3A_655 = tpu.memref_slice %arg6[%scan3A_68, %get3A_653, %get3A_654] : memref<2x832x64xf32, #tpu.memory_space<vmem>> -> memref<1x832x64xf32, #tpu.memory_space<vmem>>
        %get3A_656 = tpu.memref_squeeze %get3A_655 : memref<1x832x64xf32, #tpu.memory_space<vmem>> -> memref<832x64xf32, #tpu.memory_space<vmem>>
        %get3A_657 = arith.index_cast %add3A_652 : i32 to index
        %get3A_658 = arith.constant 16 : index
        %get3A_659 = tpu.vector_load %get3A_656[%get3A_657, %get3A_658] {strides = array<i32>} : memref<832x64xf32, #tpu.memory_space<vmem>>, vector<1x16xf32>,
        %get3A_660 = vector.shape_cast %get3A_659 : vector<1x16xf32> to vector<16xf32>
        %add3A_661 = arith.addf %add3A_650, %get3A_660 : vector<16xf32>
        %add3A_662 = arith.constant 21 : i32
        %add3A_663 = arith.addi %mul3A_143, %add3A_662 : i32
        %get3A_664 = arith.constant 0 : i32
        %get3A_665 = arith.constant 0 : i32
        %get3A_666 = tpu.memref_slice %arg6[%scan3A_68, %get3A_664, %get3A_665] : memref<2x832x64xf32, #tpu.memory_space<vmem>> -> memref<1x832x64xf32, #tpu.memory_space<vmem>>
        %get3A_667 = tpu.memref_squeeze %get3A_666 : memref<1x832x64xf32, #tpu.memory_space<vmem>> -> memref<832x64xf32, #tpu.memory_space<vmem>>
        %get3A_668 = arith.index_cast %add3A_663 : i32 to index
        %get3A_669 = arith.constant 16 : index
        %get3A_670 = tpu.vector_load %get3A_667[%get3A_668, %get3A_669] {strides = array<i32>} : memref<832x64xf32, #tpu.memory_space<vmem>>, vector<1x16xf32>,
        %get3A_671 = vector.shape_cast %get3A_670 : vector<1x16xf32> to vector<16xf32>
        %add3A_672 = arith.addf %add3A_661, %get3A_671 : vector<16xf32>
        %add3A_673 = arith.constant 22 : i32
        %add3A_674 = arith.addi %mul3A_143, %add3A_673 : i32
        %get3A_675 = arith.constant 0 : i32
        %get3A_676 = arith.constant 0 : i32
        %get3A_677 = tpu.memref_slice %arg6[%scan3A_68, %get3A_675, %get3A_676] : memref<2x832x64xf32, #tpu.memory_space<vmem>> -> memref<1x832x64xf32, #tpu.memory_space<vmem>>
        %get3A_678 = tpu.memref_squeeze %get3A_677 : memref<1x832x64xf32, #tpu.memory_space<vmem>> -> memref<832x64xf32, #tpu.memory_space<vmem>>
        %get3A_679 = arith.index_cast %add3A_674 : i32 to index
        %get3A_680 = arith.constant 16 : index
        %get3A_681 = tpu.vector_load %get3A_678[%get3A_679, %get3A_680] {strides = array<i32>} : memref<832x64xf32, #tpu.memory_space<vmem>>, vector<1x16xf32>,
        %get3A_682 = vector.shape_cast %get3A_681 : vector<1x16xf32> to vector<16xf32>
        %add3A_683 = arith.addf %add3A_672, %get3A_682 : vector<16xf32>
        %add3A_684 = arith.constant 23 : i32
        %add3A_685 = arith.addi %mul3A_143, %add3A_684 : i32
        %get3A_686 = arith.constant 0 : i32
        %get3A_687 = arith.constant 0 : i32
        %get3A_688 = tpu.memref_slice %arg6[%scan3A_68, %get3A_686, %get3A_687] : memref<2x832x64xf32, #tpu.memory_space<vmem>> -> memref<1x832x64xf32, #tpu.memory_space<vmem>>
        %get3A_689 = tpu.memref_squeeze %get3A_688 : memref<1x832x64xf32, #tpu.memory_space<vmem>> -> memref<832x64xf32, #tpu.memory_space<vmem>>
        %get3A_690 = arith.index_cast %add3A_685 : i32 to index
        %get3A_691 = arith.constant 16 : index
        %get3A_692 = tpu.vector_load %get3A_689[%get3A_690, %get3A_691] {strides = array<i32>} : memref<832x64xf32, #tpu.memory_space<vmem>>, vector<1x16xf32>,
        %get3A_693 = vector.shape_cast %get3A_692 : vector<1x16xf32> to vector<16xf32>
        %add3A_694 = arith.addf %add3A_683, %get3A_693 : vector<16xf32>
        %add3A_695 = arith.constant 24 : i32
        %add3A_696 = arith.addi %mul3A_143, %add3A_695 : i32
        %get3A_697 = arith.constant 0 : i32
        %get3A_698 = arith.constant 0 : i32
        %get3A_699 = tpu.memref_slice %arg6[%scan3A_68, %get3A_697, %get3A_698] : memref<2x832x64xf32, #tpu.memory_space<vmem>> -> memref<1x832x64xf32, #tpu.memory_space<vmem>>
        %get3A_700 = tpu.memref_squeeze %get3A_699 : memref<1x832x64xf32, #tpu.memory_space<vmem>> -> memref<832x64xf32, #tpu.memory_space<vmem>>
        %get3A_701 = arith.index_cast %add3A_696 : i32 to index
        %get3A_702 = arith.constant 16 : index
        %get3A_703 = tpu.vector_load %get3A_700[%get3A_701, %get3A_702] {strides = array<i32>} : memref<832x64xf32, #tpu.memory_space<vmem>>, vector<1x16xf32>,
        %get3A_704 = vector.shape_cast %get3A_703 : vector<1x16xf32> to vector<16xf32>
        %add3A_705 = arith.addf %add3A_694, %get3A_704 : vector<16xf32>
        %add3A_706 = arith.constant 25 : i32
        %add3A_707 = arith.addi %mul3A_143, %add3A_706 : i32
        %get3A_708 = arith.constant 0 : i32
        %get3A_709 = arith.constant 0 : i32
        %get3A_710 = tpu.memref_slice %arg6[%scan3A_68, %get3A_708, %get3A_709] : memref<2x832x64xf32, #tpu.memory_space<vmem>> -> memref<1x832x64xf32, #tpu.memory_space<vmem>>
        %get3A_711 = tpu.memref_squeeze %get3A_710 : memref<1x832x64xf32, #tpu.memory_space<vmem>> -> memref<832x64xf32, #tpu.memory_space<vmem>>
        %get3A_712 = arith.index_cast %add3A_707 : i32 to index
        %get3A_713 = arith.constant 16 : index
        %get3A_714 = tpu.vector_load %get3A_711[%get3A_712, %get3A_713] {strides = array<i32>} : memref<832x64xf32, #tpu.memory_space<vmem>>, vector<1x16xf32>,
        %get3A_715 = vector.shape_cast %get3A_714 : vector<1x16xf32> to vector<16xf32>
        %add3A_716 = arith.addf %add3A_705, %get3A_715 : vector<16xf32>
        %swap3A_717 = arith.constant 0 : i32
        %swap3A_718 = arith.constant 0 : i32
        %swap3A_719 = tpu.memref_slice %arg7[%scan3A_69, %swap3A_717, %swap3A_718] : memref<2x32x64xf32, #tpu.memory_space<vmem>> -> memref<1x32x64xf32, #tpu.memory_space<vmem>>
        %swap3A_720 = tpu.memref_squeeze %swap3A_719 : memref<1x32x64xf32, #tpu.memory_space<vmem>> -> memref<32x64xf32, #tpu.memory_space<vmem>>
        %swap3A_721 = arith.index_cast %scan3A_141 : i32 to index
        %swap3A_722 = arith.constant 16 : index
        %swap3A_723 = tpu.vector_load %swap3A_720[%swap3A_721, %swap3A_722] {strides = array<i32>} : memref<32x64xf32, #tpu.memory_space<vmem>>, vector<1x16xf32>,
        %swap3A_724 = vector.shape_cast %swap3A_723 : vector<1x16xf32> to vector<16xf32>
        %swap3A_725 = vector.shape_cast %add3A_716 : vector<16xf32> to vector<1x16xf32>
        tpu.vector_store %swap3A_720[%swap3A_721, %swap3A_722], %swap3A_725 {strides = array<i32>} : memref<32x64xf32, #tpu.memory_space<vmem>>, vector<1x16xf32>,
        %get3A_726 = arith.constant 0 : i32
        %get3A_727 = arith.constant 0 : i32
        %get3A_728 = tpu.memref_slice %arg6[%scan3A_68, %get3A_726, %get3A_727] : memref<2x832x64xf32, #tpu.memory_space<vmem>> -> memref<1x832x64xf32, #tpu.memory_space<vmem>>
        %get3A_729 = tpu.memref_squeeze %get3A_728 : memref<1x832x64xf32, #tpu.memory_space<vmem>> -> memref<832x64xf32, #tpu.memory_space<vmem>>
        %get3A_730 = arith.index_cast %mul3A_143 : i32 to index
        %get3A_731 = arith.constant 32 : index
        %get3A_732 = tpu.vector_load %get3A_729[%get3A_730, %get3A_731] {strides = array<i32>} : memref<832x64xf32, #tpu.memory_space<vmem>>, vector<1x16xf32>,
        %get3A_733 = vector.shape_cast %get3A_732 : vector<1x16xf32> to vector<16xf32>
        %add3A_734 = arith.constant 1 : i32
        %add3A_735 = arith.addi %mul3A_143, %add3A_734 : i32
        %get3A_736 = arith.constant 0 : i32
        %get3A_737 = arith.constant 0 : i32
        %get3A_738 = tpu.memref_slice %arg6[%scan3A_68, %get3A_736, %get3A_737] : memref<2x832x64xf32, #tpu.memory_space<vmem>> -> memref<1x832x64xf32, #tpu.memory_space<vmem>>
        %get3A_739 = tpu.memref_squeeze %get3A_738 : memref<1x832x64xf32, #tpu.memory_space<vmem>> -> memref<832x64xf32, #tpu.memory_space<vmem>>
        %get3A_740 = arith.index_cast %add3A_735 : i32 to index
        %get3A_741 = arith.constant 32 : index
        %get3A_742 = tpu.vector_load %get3A_739[%get3A_740, %get3A_741] {strides = array<i32>} : memref<832x64xf32, #tpu.memory_space<vmem>>, vector<1x16xf32>,
        %get3A_743 = vector.shape_cast %get3A_742 : vector<1x16xf32> to vector<16xf32>
        %add3A_744 = arith.addf %get3A_733, %get3A_743 : vector<16xf32>
        %add3A_745 = arith.constant 2 : i32
        %add3A_746 = arith.addi %mul3A_143, %add3A_745 : i32
        %get3A_747 = arith.constant 0 : i32
        %get3A_748 = arith.constant 0 : i32
        %get3A_749 = tpu.memref_slice %arg6[%scan3A_68, %get3A_747, %get3A_748] : memref<2x832x64xf32, #tpu.memory_space<vmem>> -> memref<1x832x64xf32, #tpu.memory_space<vmem>>
        %get3A_750 = tpu.memref_squeeze %get3A_749 : memref<1x832x64xf32, #tpu.memory_space<vmem>> -> memref<832x64xf32, #tpu.memory_space<vmem>>
        %get3A_751 = arith.index_cast %add3A_746 : i32 to index
        %get3A_752 = arith.constant 32 : index
        %get3A_753 = tpu.vector_load %get3A_750[%get3A_751, %get3A_752] {strides = array<i32>} : memref<832x64xf32, #tpu.memory_space<vmem>>, vector<1x16xf32>,
        %get3A_754 = vector.shape_cast %get3A_753 : vector<1x16xf32> to vector<16xf32>
        %add3A_755 = arith.addf %add3A_744, %get3A_754 : vector<16xf32>
        %add3A_756 = arith.constant 3 : i32
        %add3A_757 = arith.addi %mul3A_143, %add3A_756 : i32
        %get3A_758 = arith.constant 0 : i32
        %get3A_759 = arith.constant 0 : i32
        %get3A_760 = tpu.memref_slice %arg6[%scan3A_68, %get3A_758, %get3A_759] : memref<2x832x64xf32, #tpu.memory_space<vmem>> -> memref<1x832x64xf32, #tpu.memory_space<vmem>>
        %get3A_761 = tpu.memref_squeeze %get3A_760 : memref<1x832x64xf32, #tpu.memory_space<vmem>> -> memref<832x64xf32, #tpu.memory_space<vmem>>
        %get3A_762 = arith.index_cast %add3A_757 : i32 to index
        %get3A_763 = arith.constant 32 : index
        %get3A_764 = tpu.vector_load %get3A_761[%get3A_762, %get3A_763] {strides = array<i32>} : memref<832x64xf32, #tpu.memory_space<vmem>>, vector<1x16xf32>,
        %get3A_765 = vector.shape_cast %get3A_764 : vector<1x16xf32> to vector<16xf32>
        %add3A_766 = arith.addf %add3A_755, %get3A_765 : vector<16xf32>
        %add3A_767 = arith.constant 4 : i32
        %add3A_768 = arith.addi %mul3A_143, %add3A_767 : i32
        %get3A_769 = arith.constant 0 : i32
        %get3A_770 = arith.constant 0 : i32
        %get3A_771 = tpu.memref_slice %arg6[%scan3A_68, %get3A_769, %get3A_770] : memref<2x832x64xf32, #tpu.memory_space<vmem>> -> memref<1x832x64xf32, #tpu.memory_space<vmem>>
        %get3A_772 = tpu.memref_squeeze %get3A_771 : memref<1x832x64xf32, #tpu.memory_space<vmem>> -> memref<832x64xf32, #tpu.memory_space<vmem>>
        %get3A_773 = arith.index_cast %add3A_768 : i32 to index
        %get3A_774 = arith.constant 32 : index
        %get3A_775 = tpu.vector_load %get3A_772[%get3A_773, %get3A_774] {strides = array<i32>} : memref<832x64xf32, #tpu.memory_space<vmem>>, vector<1x16xf32>,
        %get3A_776 = vector.shape_cast %get3A_775 : vector<1x16xf32> to vector<16xf32>
        %add3A_777 = arith.addf %add3A_766, %get3A_776 : vector<16xf32>
        %add3A_778 = arith.constant 5 : i32
        %add3A_779 = arith.addi %mul3A_143, %add3A_778 : i32
        %get3A_780 = arith.constant 0 : i32
        %get3A_781 = arith.constant 0 : i32
        %get3A_782 = tpu.memref_slice %arg6[%scan3A_68, %get3A_780, %get3A_781] : memref<2x832x64xf32, #tpu.memory_space<vmem>> -> memref<1x832x64xf32, #tpu.memory_space<vmem>>
        %get3A_783 = tpu.memref_squeeze %get3A_782 : memref<1x832x64xf32, #tpu.memory_space<vmem>> -> memref<832x64xf32, #tpu.memory_space<vmem>>
        %get3A_784 = arith.index_cast %add3A_779 : i32 to index
        %get3A_785 = arith.constant 32 : index
        %get3A_786 = tpu.vector_load %get3A_783[%get3A_784, %get3A_785] {strides = array<i32>} : memref<832x64xf32, #tpu.memory_space<vmem>>, vector<1x16xf32>,
        %get3A_787 = vector.shape_cast %get3A_786 : vector<1x16xf32> to vector<16xf32>
        %add3A_788 = arith.addf %add3A_777, %get3A_787 : vector<16xf32>
        %add3A_789 = arith.constant 6 : i32
        %add3A_790 = arith.addi %mul3A_143, %add3A_789 : i32
        %get3A_791 = arith.constant 0 : i32
        %get3A_792 = arith.constant 0 : i32
        %get3A_793 = tpu.memref_slice %arg6[%scan3A_68, %get3A_791, %get3A_792] : memref<2x832x64xf32, #tpu.memory_space<vmem>> -> memref<1x832x64xf32, #tpu.memory_space<vmem>>
        %get3A_794 = tpu.memref_squeeze %get3A_793 : memref<1x832x64xf32, #tpu.memory_space<vmem>> -> memref<832x64xf32, #tpu.memory_space<vmem>>
        %get3A_795 = arith.index_cast %add3A_790 : i32 to index
        %get3A_796 = arith.constant 32 : index
        %get3A_797 = tpu.vector_load %get3A_794[%get3A_795, %get3A_796] {strides = array<i32>} : memref<832x64xf32, #tpu.memory_space<vmem>>, vector<1x16xf32>,
        %get3A_798 = vector.shape_cast %get3A_797 : vector<1x16xf32> to vector<16xf32>
        %add3A_799 = arith.addf %add3A_788, %get3A_798 : vector<16xf32>
        %add3A_800 = arith.constant 7 : i32
        %add3A_801 = arith.addi %mul3A_143, %add3A_800 : i32
        %get3A_802 = arith.constant 0 : i32
        %get3A_803 = arith.constant 0 : i32
        %get3A_804 = tpu.memref_slice %arg6[%scan3A_68, %get3A_802, %get3A_803] : memref<2x832x64xf32, #tpu.memory_space<vmem>> -> memref<1x832x64xf32, #tpu.memory_space<vmem>>
        %get3A_805 = tpu.memref_squeeze %get3A_804 : memref<1x832x64xf32, #tpu.memory_space<vmem>> -> memref<832x64xf32, #tpu.memory_space<vmem>>
        %get3A_806 = arith.index_cast %add3A_801 : i32 to index
        %get3A_807 = arith.constant 32 : index
        %get3A_808 = tpu.vector_load %get3A_805[%get3A_806, %get3A_807] {strides = array<i32>} : memref<832x64xf32, #tpu.memory_space<vmem>>, vector<1x16xf32>,
        %get3A_809 = vector.shape_cast %get3A_808 : vector<1x16xf32> to vector<16xf32>
        %add3A_810 = arith.addf %add3A_799, %get3A_809 : vector<16xf32>
        %add3A_811 = arith.constant 8 : i32
        %add3A_812 = arith.addi %mul3A_143, %add3A_811 : i32
        %get3A_813 = arith.constant 0 : i32
        %get3A_814 = arith.constant 0 : i32
        %get3A_815 = tpu.memref_slice %arg6[%scan3A_68, %get3A_813, %get3A_814] : memref<2x832x64xf32, #tpu.memory_space<vmem>> -> memref<1x832x64xf32, #tpu.memory_space<vmem>>
        %get3A_816 = tpu.memref_squeeze %get3A_815 : memref<1x832x64xf32, #tpu.memory_space<vmem>> -> memref<832x64xf32, #tpu.memory_space<vmem>>
        %get3A_817 = arith.index_cast %add3A_812 : i32 to index
        %get3A_818 = arith.constant 32 : index
        %get3A_819 = tpu.vector_load %get3A_816[%get3A_817, %get3A_818] {strides = array<i32>} : memref<832x64xf32, #tpu.memory_space<vmem>>, vector<1x16xf32>,
        %get3A_820 = vector.shape_cast %get3A_819 : vector<1x16xf32> to vector<16xf32>
        %add3A_821 = arith.addf %add3A_810, %get3A_820 : vector<16xf32>
        %add3A_822 = arith.constant 9 : i32
        %add3A_823 = arith.addi %mul3A_143, %add3A_822 : i32
        %get3A_824 = arith.constant 0 : i32
        %get3A_825 = arith.constant 0 : i32
        %get3A_826 = tpu.memref_slice %arg6[%scan3A_68, %get3A_824, %get3A_825] : memref<2x832x64xf32, #tpu.memory_space<vmem>> -> memref<1x832x64xf32, #tpu.memory_space<vmem>>
        %get3A_827 = tpu.memref_squeeze %get3A_826 : memref<1x832x64xf32, #tpu.memory_space<vmem>> -> memref<832x64xf32, #tpu.memory_space<vmem>>
        %get3A_828 = arith.index_cast %add3A_823 : i32 to index
        %get3A_829 = arith.constant 32 : index
        %get3A_830 = tpu.vector_load %get3A_827[%get3A_828, %get3A_829] {strides = array<i32>} : memref<832x64xf32, #tpu.memory_space<vmem>>, vector<1x16xf32>,
        %get3A_831 = vector.shape_cast %get3A_830 : vector<1x16xf32> to vector<16xf32>
        %add3A_832 = arith.addf %add3A_821, %get3A_831 : vector<16xf32>
        %add3A_833 = arith.constant 10 : i32
        %add3A_834 = arith.addi %mul3A_143, %add3A_833 : i32
        %get3A_835 = arith.constant 0 : i32
        %get3A_836 = arith.constant 0 : i32
        %get3A_837 = tpu.memref_slice %arg6[%scan3A_68, %get3A_835, %get3A_836] : memref<2x832x64xf32, #tpu.memory_space<vmem>> -> memref<1x832x64xf32, #tpu.memory_space<vmem>>
        %get3A_838 = tpu.memref_squeeze %get3A_837 : memref<1x832x64xf32, #tpu.memory_space<vmem>> -> memref<832x64xf32, #tpu.memory_space<vmem>>
        %get3A_839 = arith.index_cast %add3A_834 : i32 to index
        %get3A_840 = arith.constant 32 : index
        %get3A_841 = tpu.vector_load %get3A_838[%get3A_839, %get3A_840] {strides = array<i32>} : memref<832x64xf32, #tpu.memory_space<vmem>>, vector<1x16xf32>,
        %get3A_842 = vector.shape_cast %get3A_841 : vector<1x16xf32> to vector<16xf32>
        %add3A_843 = arith.addf %add3A_832, %get3A_842 : vector<16xf32>
        %add3A_844 = arith.constant 11 : i32
        %add3A_845 = arith.addi %mul3A_143, %add3A_844 : i32
        %get3A_846 = arith.constant 0 : i32
        %get3A_847 = arith.constant 0 : i32
        %get3A_848 = tpu.memref_slice %arg6[%scan3A_68, %get3A_846, %get3A_847] : memref<2x832x64xf32, #tpu.memory_space<vmem>> -> memref<1x832x64xf32, #tpu.memory_space<vmem>>
        %get3A_849 = tpu.memref_squeeze %get3A_848 : memref<1x832x64xf32, #tpu.memory_space<vmem>> -> memref<832x64xf32, #tpu.memory_space<vmem>>
        %get3A_850 = arith.index_cast %add3A_845 : i32 to index
        %get3A_851 = arith.constant 32 : index
        %get3A_852 = tpu.vector_load %get3A_849[%get3A_850, %get3A_851] {strides = array<i32>} : memref<832x64xf32, #tpu.memory_space<vmem>>, vector<1x16xf32>,
        %get3A_853 = vector.shape_cast %get3A_852 : vector<1x16xf32> to vector<16xf32>
        %add3A_854 = arith.addf %add3A_843, %get3A_853 : vector<16xf32>
        %add3A_855 = arith.constant 12 : i32
        %add3A_856 = arith.addi %mul3A_143, %add3A_855 : i32
        %get3A_857 = arith.constant 0 : i32
        %get3A_858 = arith.constant 0 : i32
        %get3A_859 = tpu.memref_slice %arg6[%scan3A_68, %get3A_857, %get3A_858] : memref<2x832x64xf32, #tpu.memory_space<vmem>> -> memref<1x832x64xf32, #tpu.memory_space<vmem>>
        %get3A_860 = tpu.memref_squeeze %get3A_859 : memref<1x832x64xf32, #tpu.memory_space<vmem>> -> memref<832x64xf32, #tpu.memory_space<vmem>>
        %get3A_861 = arith.index_cast %add3A_856 : i32 to index
        %get3A_862 = arith.constant 32 : index
        %get3A_863 = tpu.vector_load %get3A_860[%get3A_861, %get3A_862] {strides = array<i32>} : memref<832x64xf32, #tpu.memory_space<vmem>>, vector<1x16xf32>,
        %get3A_864 = vector.shape_cast %get3A_863 : vector<1x16xf32> to vector<16xf32>
        %add3A_865 = arith.addf %add3A_854, %get3A_864 : vector<16xf32>
        %add3A_866 = arith.constant 13 : i32
        %add3A_867 = arith.addi %mul3A_143, %add3A_866 : i32
        %get3A_868 = arith.constant 0 : i32
        %get3A_869 = arith.constant 0 : i32
        %get3A_870 = tpu.memref_slice %arg6[%scan3A_68, %get3A_868, %get3A_869] : memref<2x832x64xf32, #tpu.memory_space<vmem>> -> memref<1x832x64xf32, #tpu.memory_space<vmem>>
        %get3A_871 = tpu.memref_squeeze %get3A_870 : memref<1x832x64xf32, #tpu.memory_space<vmem>> -> memref<832x64xf32, #tpu.memory_space<vmem>>
        %get3A_872 = arith.index_cast %add3A_867 : i32 to index
        %get3A_873 = arith.constant 32 : index
        %get3A_874 = tpu.vector_load %get3A_871[%get3A_872, %get3A_873] {strides = array<i32>} : memref<832x64xf32, #tpu.memory_space<vmem>>, vector<1x16xf32>,
        %get3A_875 = vector.shape_cast %get3A_874 : vector<1x16xf32> to vector<16xf32>
        %add3A_876 = arith.addf %add3A_865, %get3A_875 : vector<16xf32>
        %add3A_877 = arith.constant 14 : i32
        %add3A_878 = arith.addi %mul3A_143, %add3A_877 : i32
        %get3A_879 = arith.constant 0 : i32
        %get3A_880 = arith.constant 0 : i32
        %get3A_881 = tpu.memref_slice %arg6[%scan3A_68, %get3A_879, %get3A_880] : memref<2x832x64xf32, #tpu.memory_space<vmem>> -> memref<1x832x64xf32, #tpu.memory_space<vmem>>
        %get3A_882 = tpu.memref_squeeze %get3A_881 : memref<1x832x64xf32, #tpu.memory_space<vmem>> -> memref<832x64xf32, #tpu.memory_space<vmem>>
        %get3A_883 = arith.index_cast %add3A_878 : i32 to index
        %get3A_884 = arith.constant 32 : index
        %get3A_885 = tpu.vector_load %get3A_882[%get3A_883, %get3A_884] {strides = array<i32>} : memref<832x64xf32, #tpu.memory_space<vmem>>, vector<1x16xf32>,
        %get3A_886 = vector.shape_cast %get3A_885 : vector<1x16xf32> to vector<16xf32>
        %add3A_887 = arith.addf %add3A_876, %get3A_886 : vector<16xf32>
        %add3A_888 = arith.constant 15 : i32
        %add3A_889 = arith.addi %mul3A_143, %add3A_888 : i32
        %get3A_890 = arith.constant 0 : i32
        %get3A_891 = arith.constant 0 : i32
        %get3A_892 = tpu.memref_slice %arg6[%scan3A_68, %get3A_890, %get3A_891] : memref<2x832x64xf32, #tpu.memory_space<vmem>> -> memref<1x832x64xf32, #tpu.memory_space<vmem>>
        %get3A_893 = tpu.memref_squeeze %get3A_892 : memref<1x832x64xf32, #tpu.memory_space<vmem>> -> memref<832x64xf32, #tpu.memory_space<vmem>>
        %get3A_894 = arith.index_cast %add3A_889 : i32 to index
        %get3A_895 = arith.constant 32 : index
        %get3A_896 = tpu.vector_load %get3A_893[%get3A_894, %get3A_895] {strides = array<i32>} : memref<832x64xf32, #tpu.memory_space<vmem>>, vector<1x16xf32>,
        %get3A_897 = vector.shape_cast %get3A_896 : vector<1x16xf32> to vector<16xf32>
        %add3A_898 = arith.addf %add3A_887, %get3A_897 : vector<16xf32>
        %add3A_899 = arith.constant 16 : i32
        %add3A_900 = arith.addi %mul3A_143, %add3A_899 : i32
        %get3A_901 = arith.constant 0 : i32
        %get3A_902 = arith.constant 0 : i32
        %get3A_903 = tpu.memref_slice %arg6[%scan3A_68, %get3A_901, %get3A_902] : memref<2x832x64xf32, #tpu.memory_space<vmem>> -> memref<1x832x64xf32, #tpu.memory_space<vmem>>
        %get3A_904 = tpu.memref_squeeze %get3A_903 : memref<1x832x64xf32, #tpu.memory_space<vmem>> -> memref<832x64xf32, #tpu.memory_space<vmem>>
        %get3A_905 = arith.index_cast %add3A_900 : i32 to index
        %get3A_906 = arith.constant 32 : index
        %get3A_907 = tpu.vector_load %get3A_904[%get3A_905, %get3A_906] {strides = array<i32>} : memref<832x64xf32, #tpu.memory_space<vmem>>, vector<1x16xf32>,
        %get3A_908 = vector.shape_cast %get3A_907 : vector<1x16xf32> to vector<16xf32>
        %add3A_909 = arith.addf %add3A_898, %get3A_908 : vector<16xf32>
        %add3A_910 = arith.constant 17 : i32
        %add3A_911 = arith.addi %mul3A_143, %add3A_910 : i32
        %get3A_912 = arith.constant 0 : i32
        %get3A_913 = arith.constant 0 : i32
        %get3A_914 = tpu.memref_slice %arg6[%scan3A_68, %get3A_912, %get3A_913] : memref<2x832x64xf32, #tpu.memory_space<vmem>> -> memref<1x832x64xf32, #tpu.memory_space<vmem>>
        %get3A_915 = tpu.memref_squeeze %get3A_914 : memref<1x832x64xf32, #tpu.memory_space<vmem>> -> memref<832x64xf32, #tpu.memory_space<vmem>>
        %get3A_916 = arith.index_cast %add3A_911 : i32 to index
        %get3A_917 = arith.constant 32 : index
        %get3A_918 = tpu.vector_load %get3A_915[%get3A_916, %get3A_917] {strides = array<i32>} : memref<832x64xf32, #tpu.memory_space<vmem>>, vector<1x16xf32>,
        %get3A_919 = vector.shape_cast %get3A_918 : vector<1x16xf32> to vector<16xf32>
        %add3A_920 = arith.addf %add3A_909, %get3A_919 : vector<16xf32>
        %add3A_921 = arith.constant 18 : i32
        %add3A_922 = arith.addi %mul3A_143, %add3A_921 : i32
        %get3A_923 = arith.constant 0 : i32
        %get3A_924 = arith.constant 0 : i32
        %get3A_925 = tpu.memref_slice %arg6[%scan3A_68, %get3A_923, %get3A_924] : memref<2x832x64xf32, #tpu.memory_space<vmem>> -> memref<1x832x64xf32, #tpu.memory_space<vmem>>
        %get3A_926 = tpu.memref_squeeze %get3A_925 : memref<1x832x64xf32, #tpu.memory_space<vmem>> -> memref<832x64xf32, #tpu.memory_space<vmem>>
        %get3A_927 = arith.index_cast %add3A_922 : i32 to index
        %get3A_928 = arith.constant 32 : index
        %get3A_929 = tpu.vector_load %get3A_926[%get3A_927, %get3A_928] {strides = array<i32>} : memref<832x64xf32, #tpu.memory_space<vmem>>, vector<1x16xf32>,
        %get3A_930 = vector.shape_cast %get3A_929 : vector<1x16xf32> to vector<16xf32>
        %add3A_931 = arith.addf %add3A_920, %get3A_930 : vector<16xf32>
        %add3A_932 = arith.constant 19 : i32
        %add3A_933 = arith.addi %mul3A_143, %add3A_932 : i32
        %get3A_934 = arith.constant 0 : i32
        %get3A_935 = arith.constant 0 : i32
        %get3A_936 = tpu.memref_slice %arg6[%scan3A_68, %get3A_934, %get3A_935] : memref<2x832x64xf32, #tpu.memory_space<vmem>> -> memref<1x832x64xf32, #tpu.memory_space<vmem>>
        %get3A_937 = tpu.memref_squeeze %get3A_936 : memref<1x832x64xf32, #tpu.memory_space<vmem>> -> memref<832x64xf32, #tpu.memory_space<vmem>>
        %get3A_938 = arith.index_cast %add3A_933 : i32 to index
        %get3A_939 = arith.constant 32 : index
        %get3A_940 = tpu.vector_load %get3A_937[%get3A_938, %get3A_939] {strides = array<i32>} : memref<832x64xf32, #tpu.memory_space<vmem>>, vector<1x16xf32>,
        %get3A_941 = vector.shape_cast %get3A_940 : vector<1x16xf32> to vector<16xf32>
        %add3A_942 = arith.addf %add3A_931, %get3A_941 : vector<16xf32>
        %add3A_943 = arith.constant 20 : i32
        %add3A_944 = arith.addi %mul3A_143, %add3A_943 : i32
        %get3A_945 = arith.constant 0 : i32
        %get3A_946 = arith.constant 0 : i32
        %get3A_947 = tpu.memref_slice %arg6[%scan3A_68, %get3A_945, %get3A_946] : memref<2x832x64xf32, #tpu.memory_space<vmem>> -> memref<1x832x64xf32, #tpu.memory_space<vmem>>
        %get3A_948 = tpu.memref_squeeze %get3A_947 : memref<1x832x64xf32, #tpu.memory_space<vmem>> -> memref<832x64xf32, #tpu.memory_space<vmem>>
        %get3A_949 = arith.index_cast %add3A_944 : i32 to index
        %get3A_950 = arith.constant 32 : index
        %get3A_951 = tpu.vector_load %get3A_948[%get3A_949, %get3A_950] {strides = array<i32>} : memref<832x64xf32, #tpu.memory_space<vmem>>, vector<1x16xf32>,
        %get3A_952 = vector.shape_cast %get3A_951 : vector<1x16xf32> to vector<16xf32>
        %add3A_953 = arith.addf %add3A_942, %get3A_952 : vector<16xf32>
        %add3A_954 = arith.constant 21 : i32
        %add3A_955 = arith.addi %mul3A_143, %add3A_954 : i32
        %get3A_956 = arith.constant 0 : i32
        %get3A_957 = arith.constant 0 : i32
        %get3A_958 = tpu.memref_slice %arg6[%scan3A_68, %get3A_956, %get3A_957] : memref<2x832x64xf32, #tpu.memory_space<vmem>> -> memref<1x832x64xf32, #tpu.memory_space<vmem>>
        %get3A_959 = tpu.memref_squeeze %get3A_958 : memref<1x832x64xf32, #tpu.memory_space<vmem>> -> memref<832x64xf32, #tpu.memory_space<vmem>>
        %get3A_960 = arith.index_cast %add3A_955 : i32 to index
        %get3A_961 = arith.constant 32 : index
        %get3A_962 = tpu.vector_load %get3A_959[%get3A_960, %get3A_961] {strides = array<i32>} : memref<832x64xf32, #tpu.memory_space<vmem>>, vector<1x16xf32>,
        %get3A_963 = vector.shape_cast %get3A_962 : vector<1x16xf32> to vector<16xf32>
        %add3A_964 = arith.addf %add3A_953, %get3A_963 : vector<16xf32>
        %add3A_965 = arith.constant 22 : i32
        %add3A_966 = arith.addi %mul3A_143, %add3A_965 : i32
        %get3A_967 = arith.constant 0 : i32
        %get3A_968 = arith.constant 0 : i32
        %get3A_969 = tpu.memref_slice %arg6[%scan3A_68, %get3A_967, %get3A_968] : memref<2x832x64xf32, #tpu.memory_space<vmem>> -> memref<1x832x64xf32, #tpu.memory_space<vmem>>
        %get3A_970 = tpu.memref_squeeze %get3A_969 : memref<1x832x64xf32, #tpu.memory_space<vmem>> -> memref<832x64xf32, #tpu.memory_space<vmem>>
        %get3A_971 = arith.index_cast %add3A_966 : i32 to index
        %get3A_972 = arith.constant 32 : index
        %get3A_973 = tpu.vector_load %get3A_970[%get3A_971, %get3A_972] {strides = array<i32>} : memref<832x64xf32, #tpu.memory_space<vmem>>, vector<1x16xf32>,
        %get3A_974 = vector.shape_cast %get3A_973 : vector<1x16xf32> to vector<16xf32>
        %add3A_975 = arith.addf %add3A_964, %get3A_974 : vector<16xf32>
        %add3A_976 = arith.constant 23 : i32
        %add3A_977 = arith.addi %mul3A_143, %add3A_976 : i32
        %get3A_978 = arith.constant 0 : i32
        %get3A_979 = arith.constant 0 : i32
        %get3A_980 = tpu.memref_slice %arg6[%scan3A_68, %get3A_978, %get3A_979] : memref<2x832x64xf32, #tpu.memory_space<vmem>> -> memref<1x832x64xf32, #tpu.memory_space<vmem>>
        %get3A_981 = tpu.memref_squeeze %get3A_980 : memref<1x832x64xf32, #tpu.memory_space<vmem>> -> memref<832x64xf32, #tpu.memory_space<vmem>>
        %get3A_982 = arith.index_cast %add3A_977 : i32 to index
        %get3A_983 = arith.constant 32 : index
        %get3A_984 = tpu.vector_load %get3A_981[%get3A_982, %get3A_983] {strides = array<i32>} : memref<832x64xf32, #tpu.memory_space<vmem>>, vector<1x16xf32>,
        %get3A_985 = vector.shape_cast %get3A_984 : vector<1x16xf32> to vector<16xf32>
        %add3A_986 = arith.addf %add3A_975, %get3A_985 : vector<16xf32>
        %add3A_987 = arith.constant 24 : i32
        %add3A_988 = arith.addi %mul3A_143, %add3A_987 : i32
        %get3A_989 = arith.constant 0 : i32
        %get3A_990 = arith.constant 0 : i32
        %get3A_991 = tpu.memref_slice %arg6[%scan3A_68, %get3A_989, %get3A_990] : memref<2x832x64xf32, #tpu.memory_space<vmem>> -> memref<1x832x64xf32, #tpu.memory_space<vmem>>
        %get3A_992 = tpu.memref_squeeze %get3A_991 : memref<1x832x64xf32, #tpu.memory_space<vmem>> -> memref<832x64xf32, #tpu.memory_space<vmem>>
        %get3A_993 = arith.index_cast %add3A_988 : i32 to index
        %get3A_994 = arith.constant 32 : index
        %get3A_995 = tpu.vector_load %get3A_992[%get3A_993, %get3A_994] {strides = array<i32>} : memref<832x64xf32, #tpu.memory_space<vmem>>, vector<1x16xf32>,
        %get3A_996 = vector.shape_cast %get3A_995 : vector<1x16xf32> to vector<16xf32>
        %add3A_997 = arith.addf %add3A_986, %get3A_996 : vector<16xf32>
        %add3A_998 = arith.constant 25 : i32
        %add3A_999 = arith.addi %mul3A_143, %add3A_998 : i32
        %get3A_1000 = arith.constant 0 : i32
        %get3A_1001 = arith.constant 0 : i32
        %get3A_1002 = tpu.memref_slice %arg6[%scan3A_68, %get3A_1000, %get3A_1001] : memref<2x832x64xf32, #tpu.memory_space<vmem>> -> memref<1x832x64xf32, #tpu.memory_space<vmem>>
        %get3A_1003 = tpu.memref_squeeze %get3A_1002 : memref<1x832x64xf32, #tpu.memory_space<vmem>> -> memref<832x64xf32, #tpu.memory_space<vmem>>
        %get3A_1004 = arith.index_cast %add3A_999 : i32 to index
        %get3A_1005 = arith.constant 32 : index
        %get3A_1006 = tpu.vector_load %get3A_1003[%get3A_1004, %get3A_1005] {strides = array<i32>} : memref<832x64xf32, #tpu.memory_space<vmem>>, vector<1x16xf32>,
        %get3A_1007 = vector.shape_cast %get3A_1006 : vector<1x16xf32> to vector<16xf32>
        %add3A_1008 = arith.addf %add3A_997, %get3A_1007 : vector<16xf32>
        %swap3A_1009 = arith.constant 0 : i32
        %swap3A_1010 = arith.constant 0 : i32
        %swap3A_1011 = tpu.memref_slice %arg7[%scan3A_69, %swap3A_1009, %swap3A_1010] : memref<2x32x64xf32, #tpu.memory_space<vmem>> -> memref<1x32x64xf32, #tpu.memory_space<vmem>>
        %swap3A_1012 = tpu.memref_squeeze %swap3A_1011 : memref<1x32x64xf32, #tpu.memory_space<vmem>> -> memref<32x64xf32, #tpu.memory_space<vmem>>
        %swap3A_1013 = arith.index_cast %scan3A_141 : i32 to index
        %swap3A_1014 = arith.constant 32 : index
        %swap3A_1015 = tpu.vector_load %swap3A_1012[%swap3A_1013, %swap3A_1014] {strides = array<i32>} : memref<32x64xf32, #tpu.memory_space<vmem>>, vector<1x16xf32>,
        %swap3A_1016 = vector.shape_cast %swap3A_1015 : vector<1x16xf32> to vector<16xf32>
        %swap3A_1017 = vector.shape_cast %add3A_1008 : vector<16xf32> to vector<1x16xf32>
        tpu.vector_store %swap3A_1012[%swap3A_1013, %swap3A_1014], %swap3A_1017 {strides = array<i32>} : memref<32x64xf32, #tpu.memory_space<vmem>>, vector<1x16xf32>,
        %get3A_1018 = arith.constant 0 : i32
        %get3A_1019 = arith.constant 0 : i32
        %get3A_1020 = tpu.memref_slice %arg6[%scan3A_68, %get3A_1018, %get3A_1019] : memref<2x832x64xf32, #tpu.memory_space<vmem>> -> memref<1x832x64xf32, #tpu.memory_space<vmem>>
        %get3A_1021 = tpu.memref_squeeze %get3A_1020 : memref<1x832x64xf32, #tpu.memory_space<vmem>> -> memref<832x64xf32, #tpu.memory_space<vmem>>
        %get3A_1022 = arith.index_cast %mul3A_143 : i32 to index
        %get3A_1023 = arith.constant 48 : index
        %get3A_1024 = tpu.vector_load %get3A_1021[%get3A_1022, %get3A_1023] {strides = array<i32>} : memref<832x64xf32, #tpu.memory_space<vmem>>, vector<1x16xf32>,
        %get3A_1025 = vector.shape_cast %get3A_1024 : vector<1x16xf32> to vector<16xf32>
        %add3A_1026 = arith.constant 1 : i32
        %add3A_1027 = arith.addi %mul3A_143, %add3A_1026 : i32
        %get3A_1028 = arith.constant 0 : i32
        %get3A_1029 = arith.constant 0 : i32
        %get3A_1030 = tpu.memref_slice %arg6[%scan3A_68, %get3A_1028, %get3A_1029] : memref<2x832x64xf32, #tpu.memory_space<vmem>> -> memref<1x832x64xf32, #tpu.memory_space<vmem>>
        %get3A_1031 = tpu.memref_squeeze %get3A_1030 : memref<1x832x64xf32, #tpu.memory_space<vmem>> -> memref<832x64xf32, #tpu.memory_space<vmem>>
        %get3A_1032 = arith.index_cast %add3A_1027 : i32 to index
        %get3A_1033 = arith.constant 48 : index
        %get3A_1034 = tpu.vector_load %get3A_1031[%get3A_1032, %get3A_1033] {strides = array<i32>} : memref<832x64xf32, #tpu.memory_space<vmem>>, vector<1x16xf32>,
        %get3A_1035 = vector.shape_cast %get3A_1034 : vector<1x16xf32> to vector<16xf32>
        %add3A_1036 = arith.addf %get3A_1025, %get3A_1035 : vector<16xf32>
        %add3A_1037 = arith.constant 2 : i32
        %add3A_1038 = arith.addi %mul3A_143, %add3A_1037 : i32
        %get3A_1039 = arith.constant 0 : i32
        %get3A_1040 = arith.constant 0 : i32
        %get3A_1041 = tpu.memref_slice %arg6[%scan3A_68, %get3A_1039, %get3A_1040] : memref<2x832x64xf32, #tpu.memory_space<vmem>> -> memref<1x832x64xf32, #tpu.memory_space<vmem>>
        %get3A_1042 = tpu.memref_squeeze %get3A_1041 : memref<1x832x64xf32, #tpu.memory_space<vmem>> -> memref<832x64xf32, #tpu.memory_space<vmem>>
        %get3A_1043 = arith.index_cast %add3A_1038 : i32 to index
        %get3A_1044 = arith.constant 48 : index
        %get3A_1045 = tpu.vector_load %get3A_1042[%get3A_1043, %get3A_1044] {strides = array<i32>} : memref<832x64xf32, #tpu.memory_space<vmem>>, vector<1x16xf32>,
        %get3A_1046 = vector.shape_cast %get3A_1045 : vector<1x16xf32> to vector<16xf32>
        %add3A_1047 = arith.addf %add3A_1036, %get3A_1046 : vector<16xf32>
        %add3A_1048 = arith.constant 3 : i32
        %add3A_1049 = arith.addi %mul3A_143, %add3A_1048 : i32
        %get3A_1050 = arith.constant 0 : i32
        %get3A_1051 = arith.constant 0 : i32
        %get3A_1052 = tpu.memref_slice %arg6[%scan3A_68, %get3A_1050, %get3A_1051] : memref<2x832x64xf32, #tpu.memory_space<vmem>> -> memref<1x832x64xf32, #tpu.memory_space<vmem>>
        %get3A_1053 = tpu.memref_squeeze %get3A_1052 : memref<1x832x64xf32, #tpu.memory_space<vmem>> -> memref<832x64xf32, #tpu.memory_space<vmem>>
        %get3A_1054 = arith.index_cast %add3A_1049 : i32 to index
        %get3A_1055 = arith.constant 48 : index
        %get3A_1056 = tpu.vector_load %get3A_1053[%get3A_1054, %get3A_1055] {strides = array<i32>} : memref<832x64xf32, #tpu.memory_space<vmem>>, vector<1x16xf32>,
        %get3A_1057 = vector.shape_cast %get3A_1056 : vector<1x16xf32> to vector<16xf32>
        %add3A_1058 = arith.addf %add3A_1047, %get3A_1057 : vector<16xf32>
        %add3A_1059 = arith.constant 4 : i32
        %add3A_1060 = arith.addi %mul3A_143, %add3A_1059 : i32
        %get3A_1061 = arith.constant 0 : i32
        %get3A_1062 = arith.constant 0 : i32
        %get3A_1063 = tpu.memref_slice %arg6[%scan3A_68, %get3A_1061, %get3A_1062] : memref<2x832x64xf32, #tpu.memory_space<vmem>> -> memref<1x832x64xf32, #tpu.memory_space<vmem>>
        %get3A_1064 = tpu.memref_squeeze %get3A_1063 : memref<1x832x64xf32, #tpu.memory_space<vmem>> -> memref<832x64xf32, #tpu.memory_space<vmem>>
        %get3A_1065 = arith.index_cast %add3A_1060 : i32 to index
        %get3A_1066 = arith.constant 48 : index
        %get3A_1067 = tpu.vector_load %get3A_1064[%get3A_1065, %get3A_1066] {strides = array<i32>} : memref<832x64xf32, #tpu.memory_space<vmem>>, vector<1x16xf32>,
        %get3A_1068 = vector.shape_cast %get3A_1067 : vector<1x16xf32> to vector<16xf32>
        %add3A_1069 = arith.addf %add3A_1058, %get3A_1068 : vector<16xf32>
        %add3A_1070 = arith.constant 5 : i32
        %add3A_1071 = arith.addi %mul3A_143, %add3A_1070 : i32
        %get3A_1072 = arith.constant 0 : i32
        %get3A_1073 = arith.constant 0 : i32
        %get3A_1074 = tpu.memref_slice %arg6[%scan3A_68, %get3A_1072, %get3A_1073] : memref<2x832x64xf32, #tpu.memory_space<vmem>> -> memref<1x832x64xf32, #tpu.memory_space<vmem>>
        %get3A_1075 = tpu.memref_squeeze %get3A_1074 : memref<1x832x64xf32, #tpu.memory_space<vmem>> -> memref<832x64xf32, #tpu.memory_space<vmem>>
        %get3A_1076 = arith.index_cast %add3A_1071 : i32 to index
        %get3A_1077 = arith.constant 48 : index
        %get3A_1078 = tpu.vector_load %get3A_1075[%get3A_1076, %get3A_1077] {strides = array<i32>} : memref<832x64xf32, #tpu.memory_space<vmem>>, vector<1x16xf32>,
        %get3A_1079 = vector.shape_cast %get3A_1078 : vector<1x16xf32> to vector<16xf32>
        %add3A_1080 = arith.addf %add3A_1069, %get3A_1079 : vector<16xf32>
        %add3A_1081 = arith.constant 6 : i32
        %add3A_1082 = arith.addi %mul3A_143, %add3A_1081 : i32
        %get3A_1083 = arith.constant 0 : i32
        %get3A_1084 = arith.constant 0 : i32
        %get3A_1085 = tpu.memref_slice %arg6[%scan3A_68, %get3A_1083, %get3A_1084] : memref<2x832x64xf32, #tpu.memory_space<vmem>> -> memref<1x832x64xf32, #tpu.memory_space<vmem>>
        %get3A_1086 = tpu.memref_squeeze %get3A_1085 : memref<1x832x64xf32, #tpu.memory_space<vmem>> -> memref<832x64xf32, #tpu.memory_space<vmem>>
        %get3A_1087 = arith.index_cast %add3A_1082 : i32 to index
        %get3A_1088 = arith.constant 48 : index
        %get3A_1089 = tpu.vector_load %get3A_1086[%get3A_1087, %get3A_1088] {strides = array<i32>} : memref<832x64xf32, #tpu.memory_space<vmem>>, vector<1x16xf32>,
        %get3A_1090 = vector.shape_cast %get3A_1089 : vector<1x16xf32> to vector<16xf32>
        %add3A_1091 = arith.addf %add3A_1080, %get3A_1090 : vector<16xf32>
        %add3A_1092 = arith.constant 7 : i32
        %add3A_1093 = arith.addi %mul3A_143, %add3A_1092 : i32
        %get3A_1094 = arith.constant 0 : i32
        %get3A_1095 = arith.constant 0 : i32
        %get3A_1096 = tpu.memref_slice %arg6[%scan3A_68, %get3A_1094, %get3A_1095] : memref<2x832x64xf32, #tpu.memory_space<vmem>> -> memref<1x832x64xf32, #tpu.memory_space<vmem>>
        %get3A_1097 = tpu.memref_squeeze %get3A_1096 : memref<1x832x64xf32, #tpu.memory_space<vmem>> -> memref<832x64xf32, #tpu.memory_space<vmem>>
        %get3A_1098 = arith.index_cast %add3A_1093 : i32 to index
        %get3A_1099 = arith.constant 48 : index
        %get3A_1100 = tpu.vector_load %get3A_1097[%get3A_1098, %get3A_1099] {strides = array<i32>} : memref<832x64xf32, #tpu.memory_space<vmem>>, vector<1x16xf32>,
        %get3A_1101 = vector.shape_cast %get3A_1100 : vector<1x16xf32> to vector<16xf32>
        %add3A_1102 = arith.addf %add3A_1091, %get3A_1101 : vector<16xf32>
        %add3A_1103 = arith.constant 8 : i32
        %add3A_1104 = arith.addi %mul3A_143, %add3A_1103 : i32
        %get3A_1105 = arith.constant 0 : i32
        %get3A_1106 = arith.constant 0 : i32
        %get3A_1107 = tpu.memref_slice %arg6[%scan3A_68, %get3A_1105, %get3A_1106] : memref<2x832x64xf32, #tpu.memory_space<vmem>> -> memref<1x832x64xf32, #tpu.memory_space<vmem>>
        %get3A_1108 = tpu.memref_squeeze %get3A_1107 : memref<1x832x64xf32, #tpu.memory_space<vmem>> -> memref<832x64xf32, #tpu.memory_space<vmem>>
        %get3A_1109 = arith.index_cast %add3A_1104 : i32 to index
        %get3A_1110 = arith.constant 48 : index
        %get3A_1111 = tpu.vector_load %get3A_1108[%get3A_1109, %get3A_1110] {strides = array<i32>} : memref<832x64xf32, #tpu.memory_space<vmem>>, vector<1x16xf32>,
        %get3A_1112 = vector.shape_cast %get3A_1111 : vector<1x16xf32> to vector<16xf32>
        %add3A_1113 = arith.addf %add3A_1102, %get3A_1112 : vector<16xf32>
        %add3A_1114 = arith.constant 9 : i32
        %add3A_1115 = arith.addi %mul3A_143, %add3A_1114 : i32
        %get3A_1116 = arith.constant 0 : i32
        %get3A_1117 = arith.constant 0 : i32
        %get3A_1118 = tpu.memref_slice %arg6[%scan3A_68, %get3A_1116, %get3A_1117] : memref<2x832x64xf32, #tpu.memory_space<vmem>> -> memref<1x832x64xf32, #tpu.memory_space<vmem>>
        %get3A_1119 = tpu.memref_squeeze %get3A_1118 : memref<1x832x64xf32, #tpu.memory_space<vmem>> -> memref<832x64xf32, #tpu.memory_space<vmem>>
        %get3A_1120 = arith.index_cast %add3A_1115 : i32 to index
        %get3A_1121 = arith.constant 48 : index
        %get3A_1122 = tpu.vector_load %get3A_1119[%get3A_1120, %get3A_1121] {strides = array<i32>} : memref<832x64xf32, #tpu.memory_space<vmem>>, vector<1x16xf32>,
        %get3A_1123 = vector.shape_cast %get3A_1122 : vector<1x16xf32> to vector<16xf32>
        %add3A_1124 = arith.addf %add3A_1113, %get3A_1123 : vector<16xf32>
        %add3A_1125 = arith.constant 10 : i32
        %add3A_1126 = arith.addi %mul3A_143, %add3A_1125 : i32
        %get3A_1127 = arith.constant 0 : i32
        %get3A_1128 = arith.constant 0 : i32
        %get3A_1129 = tpu.memref_slice %arg6[%scan3A_68, %get3A_1127, %get3A_1128] : memref<2x832x64xf32, #tpu.memory_space<vmem>> -> memref<1x832x64xf32, #tpu.memory_space<vmem>>
        %get3A_1130 = tpu.memref_squeeze %get3A_1129 : memref<1x832x64xf32, #tpu.memory_space<vmem>> -> memref<832x64xf32, #tpu.memory_space<vmem>>
        %get3A_1131 = arith.index_cast %add3A_1126 : i32 to index
        %get3A_1132 = arith.constant 48 : index
        %get3A_1133 = tpu.vector_load %get3A_1130[%get3A_1131, %get3A_1132] {strides = array<i32>} : memref<832x64xf32, #tpu.memory_space<vmem>>, vector<1x16xf32>,
        %get3A_1134 = vector.shape_cast %get3A_1133 : vector<1x16xf32> to vector<16xf32>
        %add3A_1135 = arith.addf %add3A_1124, %get3A_1134 : vector<16xf32>
        %add3A_1136 = arith.constant 11 : i32
        %add3A_1137 = arith.addi %mul3A_143, %add3A_1136 : i32
        %get3A_1138 = arith.constant 0 : i32
        %get3A_1139 = arith.constant 0 : i32
        %get3A_1140 = tpu.memref_slice %arg6[%scan3A_68, %get3A_1138, %get3A_1139] : memref<2x832x64xf32, #tpu.memory_space<vmem>> -> memref<1x832x64xf32, #tpu.memory_space<vmem>>
        %get3A_1141 = tpu.memref_squeeze %get3A_1140 : memref<1x832x64xf32, #tpu.memory_space<vmem>> -> memref<832x64xf32, #tpu.memory_space<vmem>>
        %get3A_1142 = arith.index_cast %add3A_1137 : i32 to index
        %get3A_1143 = arith.constant 48 : index
        %get3A_1144 = tpu.vector_load %get3A_1141[%get3A_1142, %get3A_1143] {strides = array<i32>} : memref<832x64xf32, #tpu.memory_space<vmem>>, vector<1x16xf32>,
        %get3A_1145 = vector.shape_cast %get3A_1144 : vector<1x16xf32> to vector<16xf32>
        %add3A_1146 = arith.addf %add3A_1135, %get3A_1145 : vector<16xf32>
        %add3A_1147 = arith.constant 12 : i32
        %add3A_1148 = arith.addi %mul3A_143, %add3A_1147 : i32
        %get3A_1149 = arith.constant 0 : i32
        %get3A_1150 = arith.constant 0 : i32
        %get3A_1151 = tpu.memref_slice %arg6[%scan3A_68, %get3A_1149, %get3A_1150] : memref<2x832x64xf32, #tpu.memory_space<vmem>> -> memref<1x832x64xf32, #tpu.memory_space<vmem>>
        %get3A_1152 = tpu.memref_squeeze %get3A_1151 : memref<1x832x64xf32, #tpu.memory_space<vmem>> -> memref<832x64xf32, #tpu.memory_space<vmem>>
        %get3A_1153 = arith.index_cast %add3A_1148 : i32 to index
        %get3A_1154 = arith.constant 48 : index
        %get3A_1155 = tpu.vector_load %get3A_1152[%get3A_1153, %get3A_1154] {strides = array<i32>} : memref<832x64xf32, #tpu.memory_space<vmem>>, vector<1x16xf32>,
        %get3A_1156 = vector.shape_cast %get3A_1155 : vector<1x16xf32> to vector<16xf32>
        %add3A_1157 = arith.addf %add3A_1146, %get3A_1156 : vector<16xf32>
        %add3A_1158 = arith.constant 13 : i32
        %add3A_1159 = arith.addi %mul3A_143, %add3A_1158 : i32
        %get3A_1160 = arith.constant 0 : i32
        %get3A_1161 = arith.constant 0 : i32
        %get3A_1162 = tpu.memref_slice %arg6[%scan3A_68, %get3A_1160, %get3A_1161] : memref<2x832x64xf32, #tpu.memory_space<vmem>> -> memref<1x832x64xf32, #tpu.memory_space<vmem>>
        %get3A_1163 = tpu.memref_squeeze %get3A_1162 : memref<1x832x64xf32, #tpu.memory_space<vmem>> -> memref<832x64xf32, #tpu.memory_space<vmem>>
        %get3A_1164 = arith.index_cast %add3A_1159 : i32 to index
        %get3A_1165 = arith.constant 48 : index
        %get3A_1166 = tpu.vector_load %get3A_1163[%get3A_1164, %get3A_1165] {strides = array<i32>} : memref<832x64xf32, #tpu.memory_space<vmem>>, vector<1x16xf32>,
        %get3A_1167 = vector.shape_cast %get3A_1166 : vector<1x16xf32> to vector<16xf32>
        %add3A_1168 = arith.addf %add3A_1157, %get3A_1167 : vector<16xf32>
        %add3A_1169 = arith.constant 14 : i32
        %add3A_1170 = arith.addi %mul3A_143, %add3A_1169 : i32
        %get3A_1171 = arith.constant 0 : i32
        %get3A_1172 = arith.constant 0 : i32
        %get3A_1173 = tpu.memref_slice %arg6[%scan3A_68, %get3A_1171, %get3A_1172] : memref<2x832x64xf32, #tpu.memory_space<vmem>> -> memref<1x832x64xf32, #tpu.memory_space<vmem>>
        %get3A_1174 = tpu.memref_squeeze %get3A_1173 : memref<1x832x64xf32, #tpu.memory_space<vmem>> -> memref<832x64xf32, #tpu.memory_space<vmem>>
        %get3A_1175 = arith.index_cast %add3A_1170 : i32 to index
        %get3A_1176 = arith.constant 48 : index
        %get3A_1177 = tpu.vector_load %get3A_1174[%get3A_1175, %get3A_1176] {strides = array<i32>} : memref<832x64xf32, #tpu.memory_space<vmem>>, vector<1x16xf32>,
        %get3A_1178 = vector.shape_cast %get3A_1177 : vector<1x16xf32> to vector<16xf32>
        %add3A_1179 = arith.addf %add3A_1168, %get3A_1178 : vector<16xf32>
        %add3A_1180 = arith.constant 15 : i32
        %add3A_1181 = arith.addi %mul3A_143, %add3A_1180 : i32
        %get3A_1182 = arith.constant 0 : i32
        %get3A_1183 = arith.constant 0 : i32
        %get3A_1184 = tpu.memref_slice %arg6[%scan3A_68, %get3A_1182, %get3A_1183] : memref<2x832x64xf32, #tpu.memory_space<vmem>> -> memref<1x832x64xf32, #tpu.memory_space<vmem>>
        %get3A_1185 = tpu.memref_squeeze %get3A_1184 : memref<1x832x64xf32, #tpu.memory_space<vmem>> -> memref<832x64xf32, #tpu.memory_space<vmem>>
        %get3A_1186 = arith.index_cast %add3A_1181 : i32 to index
        %get3A_1187 = arith.constant 48 : index
        %get3A_1188 = tpu.vector_load %get3A_1185[%get3A_1186, %get3A_1187] {strides = array<i32>} : memref<832x64xf32, #tpu.memory_space<vmem>>, vector<1x16xf32>,
        %get3A_1189 = vector.shape_cast %get3A_1188 : vector<1x16xf32> to vector<16xf32>
        %add3A_1190 = arith.addf %add3A_1179, %get3A_1189 : vector<16xf32>
        %add3A_1191 = arith.constant 16 : i32
        %add3A_1192 = arith.addi %mul3A_143, %add3A_1191 : i32
        %get3A_1193 = arith.constant 0 : i32
        %get3A_1194 = arith.constant 0 : i32
        %get3A_1195 = tpu.memref_slice %arg6[%scan3A_68, %get3A_1193, %get3A_1194] : memref<2x832x64xf32, #tpu.memory_space<vmem>> -> memref<1x832x64xf32, #tpu.memory_space<vmem>>
        %get3A_1196 = tpu.memref_squeeze %get3A_1195 : memref<1x832x64xf32, #tpu.memory_space<vmem>> -> memref<832x64xf32, #tpu.memory_space<vmem>>
        %get3A_1197 = arith.index_cast %add3A_1192 : i32 to index
        %get3A_1198 = arith.constant 48 : index
        %get3A_1199 = tpu.vector_load %get3A_1196[%get3A_1197, %get3A_1198] {strides = array<i32>} : memref<832x64xf32, #tpu.memory_space<vmem>>, vector<1x16xf32>,
        %get3A_1200 = vector.shape_cast %get3A_1199 : vector<1x16xf32> to vector<16xf32>
        %add3A_1201 = arith.addf %add3A_1190, %get3A_1200 : vector<16xf32>
        %add3A_1202 = arith.constant 17 : i32
        %add3A_1203 = arith.addi %mul3A_143, %add3A_1202 : i32
        %get3A_1204 = arith.constant 0 : i32
        %get3A_1205 = arith.constant 0 : i32
        %get3A_1206 = tpu.memref_slice %arg6[%scan3A_68, %get3A_1204, %get3A_1205] : memref<2x832x64xf32, #tpu.memory_space<vmem>> -> memref<1x832x64xf32, #tpu.memory_space<vmem>>
        %get3A_1207 = tpu.memref_squeeze %get3A_1206 : memref<1x832x64xf32, #tpu.memory_space<vmem>> -> memref<832x64xf32, #tpu.memory_space<vmem>>
        %get3A_1208 = arith.index_cast %add3A_1203 : i32 to index
        %get3A_1209 = arith.constant 48 : index
        %get3A_1210 = tpu.vector_load %get3A_1207[%get3A_1208, %get3A_1209] {strides = array<i32>} : memref<832x64xf32, #tpu.memory_space<vmem>>, vector<1x16xf32>,
        %get3A_1211 = vector.shape_cast %get3A_1210 : vector<1x16xf32> to vector<16xf32>
        %add3A_1212 = arith.addf %add3A_1201, %get3A_1211 : vector<16xf32>
        %add3A_1213 = arith.constant 18 : i32
        %add3A_1214 = arith.addi %mul3A_143, %add3A_1213 : i32
        %get3A_1215 = arith.constant 0 : i32
        %get3A_1216 = arith.constant 0 : i32
        %get3A_1217 = tpu.memref_slice %arg6[%scan3A_68, %get3A_1215, %get3A_1216] : memref<2x832x64xf32, #tpu.memory_space<vmem>> -> memref<1x832x64xf32, #tpu.memory_space<vmem>>
        %get3A_1218 = tpu.memref_squeeze %get3A_1217 : memref<1x832x64xf32, #tpu.memory_space<vmem>> -> memref<832x64xf32, #tpu.memory_space<vmem>>
        %get3A_1219 = arith.index_cast %add3A_1214 : i32 to index
        %get3A_1220 = arith.constant 48 : index
        %get3A_1221 = tpu.vector_load %get3A_1218[%get3A_1219, %get3A_1220] {strides = array<i32>} : memref<832x64xf32, #tpu.memory_space<vmem>>, vector<1x16xf32>,
        %get3A_1222 = vector.shape_cast %get3A_1221 : vector<1x16xf32> to vector<16xf32>
        %add3A_1223 = arith.addf %add3A_1212, %get3A_1222 : vector<16xf32>
        %add3A_1224 = arith.constant 19 : i32
        %add3A_1225 = arith.addi %mul3A_143, %add3A_1224 : i32
        %get3A_1226 = arith.constant 0 : i32
        %get3A_1227 = arith.constant 0 : i32
        %get3A_1228 = tpu.memref_slice %arg6[%scan3A_68, %get3A_1226, %get3A_1227] : memref<2x832x64xf32, #tpu.memory_space<vmem>> -> memref<1x832x64xf32, #tpu.memory_space<vmem>>
        %get3A_1229 = tpu.memref_squeeze %get3A_1228 : memref<1x832x64xf32, #tpu.memory_space<vmem>> -> memref<832x64xf32, #tpu.memory_space<vmem>>
        %get3A_1230 = arith.index_cast %add3A_1225 : i32 to index
        %get3A_1231 = arith.constant 48 : index
        %get3A_1232 = tpu.vector_load %get3A_1229[%get3A_1230, %get3A_1231] {strides = array<i32>} : memref<832x64xf32, #tpu.memory_space<vmem>>, vector<1x16xf32>,
        %get3A_1233 = vector.shape_cast %get3A_1232 : vector<1x16xf32> to vector<16xf32>
        %add3A_1234 = arith.addf %add3A_1223, %get3A_1233 : vector<16xf32>
        %add3A_1235 = arith.constant 20 : i32
        %add3A_1236 = arith.addi %mul3A_143, %add3A_1235 : i32
        %get3A_1237 = arith.constant 0 : i32
        %get3A_1238 = arith.constant 0 : i32
        %get3A_1239 = tpu.memref_slice %arg6[%scan3A_68, %get3A_1237, %get3A_1238] : memref<2x832x64xf32, #tpu.memory_space<vmem>> -> memref<1x832x64xf32, #tpu.memory_space<vmem>>
        %get3A_1240 = tpu.memref_squeeze %get3A_1239 : memref<1x832x64xf32, #tpu.memory_space<vmem>> -> memref<832x64xf32, #tpu.memory_space<vmem>>
        %get3A_1241 = arith.index_cast %add3A_1236 : i32 to index
        %get3A_1242 = arith.constant 48 : index
        %get3A_1243 = tpu.vector_load %get3A_1240[%get3A_1241, %get3A_1242] {strides = array<i32>} : memref<832x64xf32, #tpu.memory_space<vmem>>, vector<1x16xf32>,
        %get3A_1244 = vector.shape_cast %get3A_1243 : vector<1x16xf32> to vector<16xf32>
        %add3A_1245 = arith.addf %add3A_1234, %get3A_1244 : vector<16xf32>
        %add3A_1246 = arith.constant 21 : i32
        %add3A_1247 = arith.addi %mul3A_143, %add3A_1246 : i32
        %get3A_1248 = arith.constant 0 : i32
        %get3A_1249 = arith.constant 0 : i32
        %get3A_1250 = tpu.memref_slice %arg6[%scan3A_68, %get3A_1248, %get3A_1249] : memref<2x832x64xf32, #tpu.memory_space<vmem>> -> memref<1x832x64xf32, #tpu.memory_space<vmem>>
        %get3A_1251 = tpu.memref_squeeze %get3A_1250 : memref<1x832x64xf32, #tpu.memory_space<vmem>> -> memref<832x64xf32, #tpu.memory_space<vmem>>
        %get3A_1252 = arith.index_cast %add3A_1247 : i32 to index
        %get3A_1253 = arith.constant 48 : index
        %get3A_1254 = tpu.vector_load %get3A_1251[%get3A_1252, %get3A_1253] {strides = array<i32>} : memref<832x64xf32, #tpu.memory_space<vmem>>, vector<1x16xf32>,
        %get3A_1255 = vector.shape_cast %get3A_1254 : vector<1x16xf32> to vector<16xf32>
        %add3A_1256 = arith.addf %add3A_1245, %get3A_1255 : vector<16xf32>
        %add3A_1257 = arith.constant 22 : i32
        %add3A_1258 = arith.addi %mul3A_143, %add3A_1257 : i32
        %get3A_1259 = arith.constant 0 : i32
        %get3A_1260 = arith.constant 0 : i32
        %get3A_1261 = tpu.memref_slice %arg6[%scan3A_68, %get3A_1259, %get3A_1260] : memref<2x832x64xf32, #tpu.memory_space<vmem>> -> memref<1x832x64xf32, #tpu.memory_space<vmem>>
        %get3A_1262 = tpu.memref_squeeze %get3A_1261 : memref<1x832x64xf32, #tpu.memory_space<vmem>> -> memref<832x64xf32, #tpu.memory_space<vmem>>
        %get3A_1263 = arith.index_cast %add3A_1258 : i32 to index
        %get3A_1264 = arith.constant 48 : index
        %get3A_1265 = tpu.vector_load %get3A_1262[%get3A_1263, %get3A_1264] {strides = array<i32>} : memref<832x64xf32, #tpu.memory_space<vmem>>, vector<1x16xf32>,
        %get3A_1266 = vector.shape_cast %get3A_1265 : vector<1x16xf32> to vector<16xf32>
        %add3A_1267 = arith.addf %add3A_1256, %get3A_1266 : vector<16xf32>
        %add3A_1268 = arith.constant 23 : i32
        %add3A_1269 = arith.addi %mul3A_143, %add3A_1268 : i32
        %get3A_1270 = arith.constant 0 : i32
        %get3A_1271 = arith.constant 0 : i32
        %get3A_1272 = tpu.memref_slice %arg6[%scan3A_68, %get3A_1270, %get3A_1271] : memref<2x832x64xf32, #tpu.memory_space<vmem>> -> memref<1x832x64xf32, #tpu.memory_space<vmem>>
        %get3A_1273 = tpu.memref_squeeze %get3A_1272 : memref<1x832x64xf32, #tpu.memory_space<vmem>> -> memref<832x64xf32, #tpu.memory_space<vmem>>
        %get3A_1274 = arith.index_cast %add3A_1269 : i32 to index
        %get3A_1275 = arith.constant 48 : index
        %get3A_1276 = tpu.vector_load %get3A_1273[%get3A_1274, %get3A_1275] {strides = array<i32>} : memref<832x64xf32, #tpu.memory_space<vmem>>, vector<1x16xf32>,
        %get3A_1277 = vector.shape_cast %get3A_1276 : vector<1x16xf32> to vector<16xf32>
        %add3A_1278 = arith.addf %add3A_1267, %get3A_1277 : vector<16xf32>
        %add3A_1279 = arith.constant 24 : i32
        %add3A_1280 = arith.addi %mul3A_143, %add3A_1279 : i32
        %get3A_1281 = arith.constant 0 : i32
        %get3A_1282 = arith.constant 0 : i32
        %get3A_1283 = tpu.memref_slice %arg6[%scan3A_68, %get3A_1281, %get3A_1282] : memref<2x832x64xf32, #tpu.memory_space<vmem>> -> memref<1x832x64xf32, #tpu.memory_space<vmem>>
        %get3A_1284 = tpu.memref_squeeze %get3A_1283 : memref<1x832x64xf32, #tpu.memory_space<vmem>> -> memref<832x64xf32, #tpu.memory_space<vmem>>
        %get3A_1285 = arith.index_cast %add3A_1280 : i32 to index
        %get3A_1286 = arith.constant 48 : index
        %get3A_1287 = tpu.vector_load %get3A_1284[%get3A_1285, %get3A_1286] {strides = array<i32>} : memref<832x64xf32, #tpu.memory_space<vmem>>, vector<1x16xf32>,
        %get3A_1288 = vector.shape_cast %get3A_1287 : vector<1x16xf32> to vector<16xf32>
        %add3A_1289 = arith.addf %add3A_1278, %get3A_1288 : vector<16xf32>
        %add3A_1290 = arith.constant 25 : i32
        %add3A_1291 = arith.addi %mul3A_143, %add3A_1290 : i32
        %get3A_1292 = arith.constant 0 : i32
        %get3A_1293 = arith.constant 0 : i32
        %get3A_1294 = tpu.memref_slice %arg6[%scan3A_68, %get3A_1292, %get3A_1293] : memref<2x832x64xf32, #tpu.memory_space<vmem>> -> memref<1x832x64xf32, #tpu.memory_space<vmem>>
        %get3A_1295 = tpu.memref_squeeze %get3A_1294 : memref<1x832x64xf32, #tpu.memory_space<vmem>> -> memref<832x64xf32, #tpu.memory_space<vmem>>
        %get3A_1296 = arith.index_cast %add3A_1291 : i32 to index
        %get3A_1297 = arith.constant 48 : index
        %get3A_1298 = tpu.vector_load %get3A_1295[%get3A_1296, %get3A_1297] {strides = array<i32>} : memref<832x64xf32, #tpu.memory_space<vmem>>, vector<1x16xf32>,
        %get3A_1299 = vector.shape_cast %get3A_1298 : vector<1x16xf32> to vector<16xf32>
        %add3A_1300 = arith.addf %add3A_1289, %get3A_1299 : vector<16xf32>
        %swap3A_1301 = arith.constant 0 : i32
        %swap3A_1302 = arith.constant 0 : i32
        %swap3A_1303 = tpu.memref_slice %arg7[%scan3A_69, %swap3A_1301, %swap3A_1302] : memref<2x32x64xf32, #tpu.memory_space<vmem>> -> memref<1x32x64xf32, #tpu.memory_space<vmem>>
        %swap3A_1304 = tpu.memref_squeeze %swap3A_1303 : memref<1x32x64xf32, #tpu.memory_space<vmem>> -> memref<32x64xf32, #tpu.memory_space<vmem>>
        %swap3A_1305 = arith.index_cast %scan3A_141 : i32 to index
        %swap3A_1306 = arith.constant 48 : index
        %swap3A_1307 = tpu.vector_load %swap3A_1304[%swap3A_1305, %swap3A_1306] {strides = array<i32>} : memref<32x64xf32, #tpu.memory_space<vmem>>, vector<1x16xf32>,
        %swap3A_1308 = vector.shape_cast %swap3A_1307 : vector<1x16xf32> to vector<16xf32>
        %swap3A_1309 = vector.shape_cast %add3A_1300 : vector<16xf32> to vector<1x16xf32>
        tpu.vector_store %swap3A_1304[%swap3A_1305, %swap3A_1306], %swap3A_1309 {strides = array<i32>} : memref<32x64xf32, #tpu.memory_space<vmem>>, vector<1x16xf32>,
      }
      %scan3A_74 = arith.constant 32 : i32
      %mul3A_75 = arith.constant 32 : i32
      %mul3A_76 = arith.muli %add3A_48, %mul3A_75 : i32
      %add3A_77 = arith.addi %mul3A_2, %mul3A_76 : i32
      %dma_start3A_78 = arith.constant 0 : i32
      %dma_start3A_79 = arith.constant 0 : i32
      %dma_start3A_80 = arith.constant 0 : i32
      %dma_start3A_81 = tpu.memref_slice %arg7[%dma_start3A_78, %dma_start3A_79, %dma_start3A_80] : memref<2x32x64xf32, #tpu.memory_space<vmem>> -> memref<1x32x64xf32, #tpu.memory_space<vmem>>
      %dma_start3A_82 = tpu.memref_squeeze %dma_start3A_81 : memref<1x32x64xf32, #tpu.memory_space<vmem>> -> memref<32x64xf32, #tpu.memory_space<vmem>>
      %dma_start3A_83 = arith.constant 0 : i32
      %dma_start3A_84 = tpu.memref_slice %arg4[%add3A_77, %dma_start3A_83] : memref<16384x64xf32, #tpu.memory_space<hbm>> -> memref<32x64xf32, #tpu.memory_space<hbm>>
      %dma_start3A_85 = arith.constant 0 : i32
      %dma_start3A_86 = tpu.memref_slice %arg4[%add3A_77, %dma_start3A_85] : memref<16384x64xf32, #tpu.memory_space<hbm>> -> memref<32x64xf32, #tpu.memory_space<hbm>>
      %dma_start3A_87 = arith.constant 0 : i32
      %dma_start3A_88 = arith.constant 0 : i32
      %dma_start3A_89 = tpu.memref_slice %arg7[%dma_start3A_78, %dma_start3A_87, %dma_start3A_88] : memref<2x32x64xf32, #tpu.memory_space<vmem>> -> memref<1x32x64xf32, #tpu.memory_space<vmem>>
      %dma_start3A_90 = tpu.memref_squeeze %dma_start3A_89 : memref<1x32x64xf32, #tpu.memory_space<vmem>> -> memref<32x64xf32, #tpu.memory_space<vmem>>
      tpu.enqueue_dma source(%dma_start3A_90 : memref<32x64xf32, #tpu.memory_space<vmem>>) target(%dma_start3A_86 : memref<32x64xf32, #tpu.memory_space<hbm>>) target_semaphore(%arg10 : memref<!tpu.dma_semaphore, #tpu.memory_space<semaphore_mem>>)
      %mul3A_91 = arith.constant 2 : i32
      %mul3A_92 = arith.muli %mul3A_91, %scan3A_44 : i32
      %add3A_93 = arith.constant 1 : i32
      %add3A_94 = arith.addi %mul3A_92, %add3A_93 : i32
      %add3A_95 = arith.constant 1 : i32
      %add3A_96 = arith.addi %add3A_94, %add3A_95 : i32
      %lt3A_97 = arith.constant 16 : i32
      %lt3A_98 = arith.cmpi slt, %add3A_96, %lt3A_97 : i32
      %convert_element_type3A_99 = arith.extui %lt3A_98 : i1 to i32
      %cond3A_100 = arith.constant 0 : i32
      %cond3A_101 = arith.cmpi ne, %convert_element_type3A_99, %cond3A_100 : i32
      scf.if %cond3A_101 {
        %add3A_141 = arith.constant 1 : i32
        %add3A_142 = arith.addi %add3A_94, %add3A_141 : i32
        %mul3A_143 = arith.constant 832 : i32
        %mul3A_144 = arith.muli %add3A_142, %mul3A_143 : i32
        %dma_start3A_145 = arith.constant 0 : i32
        %dma_start3A_146 = arith.constant 0 : i32
        %dma_start3A_147 = arith.constant 0 : i32
        %dma_start3A_148 = tpu.memref_slice %arg6[%dma_start3A_145, %dma_start3A_146, %dma_start3A_147] : memref<2x832x64xf32, #tpu.memory_space<vmem>> -> memref<1x832x64xf32, #tpu.memory_space<vmem>>
        %dma_start3A_149 = tpu.memref_squeeze %dma_start3A_148 : memref<1x832x64xf32, #tpu.memory_space<vmem>> -> memref<832x64xf32, #tpu.memory_space<vmem>>
        %dma_start3A_150 = tpu.memref_slice %arg5[%mul3A_144] : memref<13312xi32, #tpu.memory_space<vmem>> -> memref<832xi32, #tpu.memory_space<vmem>>
        %dma_start3A_151 = arith.constant 0 : i32
        %dma_start3A_152 = arith.constant 0 : i32
        %dma_start3A_153 = tpu.memref_slice %arg3[%dma_start3A_151, %dma_start3A_152] : memref<2097152x64xf32, #tpu.memory_space<hbm>> -> memref<2097152x64xf32, #tpu.memory_space<hbm>>
        tpu.enqueue_indirect_dma source(%dma_start3A_153 : memref<2097152x64xf32, #tpu.memory_space<hbm>>) target(%dma_start3A_149 : memref<832x64xf32, #tpu.memory_space<vmem>>) offsets(%dma_start3A_150 : memref<832xi32, #tpu.memory_space<vmem>>) semaphore(%arg8 : memref<!tpu.dma_semaphore, #tpu.memory_space<semaphore_mem>>)
      } else {
      }
      %dma_wait3A_102 = arith.constant 1 : i32
      %dma_wait3A_103 = arith.constant 0 : i32
      %dma_wait3A_104 = arith.constant 0 : i32
      %dma_wait3A_105 = tpu.memref_slice %arg6[%dma_wait3A_102, %dma_wait3A_103, %dma_wait3A_104] : memref<2x832x64xf32, #tpu.memory_space<vmem>> -> memref<1x832x64xf32, #tpu.memory_space<vmem>>
      %dma_wait3A_106 = tpu.memref_squeeze %dma_wait3A_105 : memref<1x832x64xf32, #tpu.memory_space<vmem>> -> memref<832x64xf32, #tpu.memory_space<vmem>>
      %dma_wait3A_107 = arith.constant 0 : i32
      %dma_wait3A_108 = tpu.memref_slice %arg5[%dma_wait3A_107] : memref<13312xi32, #tpu.memory_space<vmem>> -> memref<832xi32, #tpu.memory_space<vmem>>
      %dma_wait3A_109 = arith.constant 0 : i32
      %dma_wait3A_110 = arith.constant 0 : i32
      %dma_wait3A_111 = tpu.memref_slice %arg3[%dma_wait3A_109, %dma_wait3A_110] : memref<2097152x64xf32, #tpu.memory_space<hbm>> -> memref<2097152x64xf32, #tpu.memory_space<hbm>>
      tpu.wait_indirect_dma semaphore(%arg9 : memref<!tpu.dma_semaphore, #tpu.memory_space<semaphore_mem>>) src(%dma_wait3A_111 : memref<2097152x64xf32, #tpu.memory_space<hbm>>) dst(%dma_wait3A_106 : memref<832x64xf32, #tpu.memory_space<vmem>>)
      %ge3A_112 = arith.constant 2 : i32
      %ge3A_113 = arith.cmpi sge, %add3A_94, %ge3A_112 : i32
      %convert_element_type3A_114 = arith.extui %ge3A_113 : i1 to i32
      %cond3A_115 = arith.constant 0 : i32
      %cond3A_116 = arith.cmpi ne, %convert_element_type3A_114, %cond3A_115 : i32
      scf.if %cond3A_116 {
        %dma_wait3A_141 = arith.constant 1 : i32
        %dma_wait3A_142 = arith.constant 0 : i32
        %dma_wait3A_143 = arith.constant 0 : i32
        %dma_wait3A_144 = tpu.memref_slice %arg7[%dma_wait3A_141, %dma_wait3A_142, %dma_wait3A_143] : memref<2x32x64xf32, #tpu.memory_space<vmem>> -> memref<1x32x64xf32, #tpu.memory_space<vmem>>
        %dma_wait3A_145 = tpu.memref_squeeze %dma_wait3A_144 : memref<1x32x64xf32, #tpu.memory_space<vmem>> -> memref<32x64xf32, #tpu.memory_space<vmem>>
        %dma_wait3A_146 = arith.constant 0 : i32
        %dma_wait3A_147 = tpu.memref_slice %arg4[%mul3A_2, %dma_wait3A_146] : memref<16384x64xf32, #tpu.memory_space<hbm>> -> memref<32x64xf32, #tpu.memory_space<hbm>>
        %dma_wait3A_148 = arith.constant 0 : i32
        %dma_wait3A_149 = tpu.memref_slice %arg4[%mul3A_2, %dma_wait3A_148] : memref<16384x64xf32, #tpu.memory_space<hbm>> -> memref<32x64xf32, #tpu.memory_space<hbm>>
        %dma_wait3A_150 = arith.constant 0 : i32
        %dma_wait3A_151 = arith.constant 0 : i32
        %dma_wait3A_152 = tpu.memref_slice %arg7[%dma_wait3A_141, %dma_wait3A_150, %dma_wait3A_151] : memref<2x32x64xf32, #tpu.memory_space<vmem>> -> memref<1x32x64xf32, #tpu.memory_space<vmem>>
        %dma_wait3A_153 = tpu.memref_squeeze %dma_wait3A_152 : memref<1x32x64xf32, #tpu.memory_space<vmem>> -> memref<32x64xf32, #tpu.memory_space<vmem>>
        tpu.wait_dma2 semaphore(%arg11 : memref<!tpu.dma_semaphore, #tpu.memory_space<semaphore_mem>>) src(%dma_wait3A_153 : memref<32x64xf32, #tpu.memory_space<vmem>>) dst(%dma_wait3A_149 : memref<32x64xf32, #tpu.memory_space<hbm>>)
      } else {
      }
      %scan3A_117 = arith.constant 0 : i32
      %scan3A_118 = arith.constant 1 : i32
      %scan3A_119 = arith.constant 1 : i32
      %scan3A_120 = arith.constant 0 : i32
      %scan3A_121 = arith.constant 32 : i32
      %scan3A_122 = arith.addi %scan3A_120, %scan3A_121 : i32
      %scan3A_123 = arith.constant 1 : i32
      scf.for %scan3A_141 = %scan3A_120 to %scan3A_122 step %scan3A_123  : i32 {
        %mul3A_142 = arith.constant 26 : i32
        %mul3A_143 = arith.muli %scan3A_141, %mul3A_142 : i32
        %get3A = arith.constant 0 : i32
        %get3A_144 = arith.constant 0 : i32
        %get3A_145 = tpu.memref_slice %arg6[%scan3A_118, %get3A, %get3A_144] : memref<2x832x64xf32, #tpu.memory_space<vmem>> -> memref<1x832x64xf32, #tpu.memory_space<vmem>>
        %get3A_146 = tpu.memref_squeeze %get3A_145 : memref<1x832x64xf32, #tpu.memory_space<vmem>> -> memref<832x64xf32, #tpu.memory_space<vmem>>
        %get3A_147 = arith.index_cast %mul3A_143 : i32 to index
        %get3A_148 = arith.constant 0 : index
        %get3A_149 = tpu.vector_load %get3A_146[%get3A_147, %get3A_148] {strides = array<i32>} : memref<832x64xf32, #tpu.memory_space<vmem>>, vector<1x16xf32>,
        %get3A_150 = vector.shape_cast %get3A_149 : vector<1x16xf32> to vector<16xf32>
        %add3A_151 = arith.constant 1 : i32
        %add3A_152 = arith.addi %mul3A_143, %add3A_151 : i32
        %get3A_153 = arith.constant 0 : i32
        %get3A_154 = arith.constant 0 : i32
        %get3A_155 = tpu.memref_slice %arg6[%scan3A_118, %get3A_153, %get3A_154] : memref<2x832x64xf32, #tpu.memory_space<vmem>> -> memref<1x832x64xf32, #tpu.memory_space<vmem>>
        %get3A_156 = tpu.memref_squeeze %get3A_155 : memref<1x832x64xf32, #tpu.memory_space<vmem>> -> memref<832x64xf32, #tpu.memory_space<vmem>>
        %get3A_157 = arith.index_cast %add3A_152 : i32 to index
        %get3A_158 = arith.constant 0 : index
        %get3A_159 = tpu.vector_load %get3A_156[%get3A_157, %get3A_158] {strides = array<i32>} : memref<832x64xf32, #tpu.memory_space<vmem>>, vector<1x16xf32>,
        %get3A_160 = vector.shape_cast %get3A_159 : vector<1x16xf32> to vector<16xf32>
        %add3A_161 = arith.addf %get3A_150, %get3A_160 : vector<16xf32>
        %add3A_162 = arith.constant 2 : i32
        %add3A_163 = arith.addi %mul3A_143, %add3A_162 : i32
        %get3A_164 = arith.constant 0 : i32
        %get3A_165 = arith.constant 0 : i32
        %get3A_166 = tpu.memref_slice %arg6[%scan3A_118, %get3A_164, %get3A_165] : memref<2x832x64xf32, #tpu.memory_space<vmem>> -> memref<1x832x64xf32, #tpu.memory_space<vmem>>
        %get3A_167 = tpu.memref_squeeze %get3A_166 : memref<1x832x64xf32, #tpu.memory_space<vmem>> -> memref<832x64xf32, #tpu.memory_space<vmem>>
        %get3A_168 = arith.index_cast %add3A_163 : i32 to index
        %get3A_169 = arith.constant 0 : index
        %get3A_170 = tpu.vector_load %get3A_167[%get3A_168, %get3A_169] {strides = array<i32>} : memref<832x64xf32, #tpu.memory_space<vmem>>, vector<1x16xf32>,
        %get3A_171 = vector.shape_cast %get3A_170 : vector<1x16xf32> to vector<16xf32>
        %add3A_172 = arith.addf %add3A_161, %get3A_171 : vector<16xf32>
        %add3A_173 = arith.constant 3 : i32
        %add3A_174 = arith.addi %mul3A_143, %add3A_173 : i32
        %get3A_175 = arith.constant 0 : i32
        %get3A_176 = arith.constant 0 : i32
        %get3A_177 = tpu.memref_slice %arg6[%scan3A_118, %get3A_175, %get3A_176] : memref<2x832x64xf32, #tpu.memory_space<vmem>> -> memref<1x832x64xf32, #tpu.memory_space<vmem>>
        %get3A_178 = tpu.memref_squeeze %get3A_177 : memref<1x832x64xf32, #tpu.memory_space<vmem>> -> memref<832x64xf32, #tpu.memory_space<vmem>>
        %get3A_179 = arith.index_cast %add3A_174 : i32 to index
        %get3A_180 = arith.constant 0 : index
        %get3A_181 = tpu.vector_load %get3A_178[%get3A_179, %get3A_180] {strides = array<i32>} : memref<832x64xf32, #tpu.memory_space<vmem>>, vector<1x16xf32>,
        %get3A_182 = vector.shape_cast %get3A_181 : vector<1x16xf32> to vector<16xf32>
        %add3A_183 = arith.addf %add3A_172, %get3A_182 : vector<16xf32>
        %add3A_184 = arith.constant 4 : i32
        %add3A_185 = arith.addi %mul3A_143, %add3A_184 : i32
        %get3A_186 = arith.constant 0 : i32
        %get3A_187 = arith.constant 0 : i32
        %get3A_188 = tpu.memref_slice %arg6[%scan3A_118, %get3A_186, %get3A_187] : memref<2x832x64xf32, #tpu.memory_space<vmem>> -> memref<1x832x64xf32, #tpu.memory_space<vmem>>
        %get3A_189 = tpu.memref_squeeze %get3A_188 : memref<1x832x64xf32, #tpu.memory_space<vmem>> -> memref<832x64xf32, #tpu.memory_space<vmem>>
        %get3A_190 = arith.index_cast %add3A_185 : i32 to index
        %get3A_191 = arith.constant 0 : index
        %get3A_192 = tpu.vector_load %get3A_189[%get3A_190, %get3A_191] {strides = array<i32>} : memref<832x64xf32, #tpu.memory_space<vmem>>, vector<1x16xf32>,
        %get3A_193 = vector.shape_cast %get3A_192 : vector<1x16xf32> to vector<16xf32>
        %add3A_194 = arith.addf %add3A_183, %get3A_193 : vector<16xf32>
        %add3A_195 = arith.constant 5 : i32
        %add3A_196 = arith.addi %mul3A_143, %add3A_195 : i32
        %get3A_197 = arith.constant 0 : i32
        %get3A_198 = arith.constant 0 : i32
        %get3A_199 = tpu.memref_slice %arg6[%scan3A_118, %get3A_197, %get3A_198] : memref<2x832x64xf32, #tpu.memory_space<vmem>> -> memref<1x832x64xf32, #tpu.memory_space<vmem>>
        %get3A_200 = tpu.memref_squeeze %get3A_199 : memref<1x832x64xf32, #tpu.memory_space<vmem>> -> memref<832x64xf32, #tpu.memory_space<vmem>>
        %get3A_201 = arith.index_cast %add3A_196 : i32 to index
        %get3A_202 = arith.constant 0 : index
        %get3A_203 = tpu.vector_load %get3A_200[%get3A_201, %get3A_202] {strides = array<i32>} : memref<832x64xf32, #tpu.memory_space<vmem>>, vector<1x16xf32>,
        %get3A_204 = vector.shape_cast %get3A_203 : vector<1x16xf32> to vector<16xf32>
        %add3A_205 = arith.addf %add3A_194, %get3A_204 : vector<16xf32>
        %add3A_206 = arith.constant 6 : i32
        %add3A_207 = arith.addi %mul3A_143, %add3A_206 : i32
        %get3A_208 = arith.constant 0 : i32
        %get3A_209 = arith.constant 0 : i32
        %get3A_210 = tpu.memref_slice %arg6[%scan3A_118, %get3A_208, %get3A_209] : memref<2x832x64xf32, #tpu.memory_space<vmem>> -> memref<1x832x64xf32, #tpu.memory_space<vmem>>
        %get3A_211 = tpu.memref_squeeze %get3A_210 : memref<1x832x64xf32, #tpu.memory_space<vmem>> -> memref<832x64xf32, #tpu.memory_space<vmem>>
        %get3A_212 = arith.index_cast %add3A_207 : i32 to index
        %get3A_213 = arith.constant 0 : index
        %get3A_214 = tpu.vector_load %get3A_211[%get3A_212, %get3A_213] {strides = array<i32>} : memref<832x64xf32, #tpu.memory_space<vmem>>, vector<1x16xf32>,
        %get3A_215 = vector.shape_cast %get3A_214 : vector<1x16xf32> to vector<16xf32>
        %add3A_216 = arith.addf %add3A_205, %get3A_215 : vector<16xf32>
        %add3A_217 = arith.constant 7 : i32
        %add3A_218 = arith.addi %mul3A_143, %add3A_217 : i32
        %get3A_219 = arith.constant 0 : i32
        %get3A_220 = arith.constant 0 : i32
        %get3A_221 = tpu.memref_slice %arg6[%scan3A_118, %get3A_219, %get3A_220] : memref<2x832x64xf32, #tpu.memory_space<vmem>> -> memref<1x832x64xf32, #tpu.memory_space<vmem>>
        %get3A_222 = tpu.memref_squeeze %get3A_221 : memref<1x832x64xf32, #tpu.memory_space<vmem>> -> memref<832x64xf32, #tpu.memory_space<vmem>>
        %get3A_223 = arith.index_cast %add3A_218 : i32 to index
        %get3A_224 = arith.constant 0 : index
        %get3A_225 = tpu.vector_load %get3A_222[%get3A_223, %get3A_224] {strides = array<i32>} : memref<832x64xf32, #tpu.memory_space<vmem>>, vector<1x16xf32>,
        %get3A_226 = vector.shape_cast %get3A_225 : vector<1x16xf32> to vector<16xf32>
        %add3A_227 = arith.addf %add3A_216, %get3A_226 : vector<16xf32>
        %add3A_228 = arith.constant 8 : i32
        %add3A_229 = arith.addi %mul3A_143, %add3A_228 : i32
        %get3A_230 = arith.constant 0 : i32
        %get3A_231 = arith.constant 0 : i32
        %get3A_232 = tpu.memref_slice %arg6[%scan3A_118, %get3A_230, %get3A_231] : memref<2x832x64xf32, #tpu.memory_space<vmem>> -> memref<1x832x64xf32, #tpu.memory_space<vmem>>
        %get3A_233 = tpu.memref_squeeze %get3A_232 : memref<1x832x64xf32, #tpu.memory_space<vmem>> -> memref<832x64xf32, #tpu.memory_space<vmem>>
        %get3A_234 = arith.index_cast %add3A_229 : i32 to index
        %get3A_235 = arith.constant 0 : index
        %get3A_236 = tpu.vector_load %get3A_233[%get3A_234, %get3A_235] {strides = array<i32>} : memref<832x64xf32, #tpu.memory_space<vmem>>, vector<1x16xf32>,
        %get3A_237 = vector.shape_cast %get3A_236 : vector<1x16xf32> to vector<16xf32>
        %add3A_238 = arith.addf %add3A_227, %get3A_237 : vector<16xf32>
        %add3A_239 = arith.constant 9 : i32
        %add3A_240 = arith.addi %mul3A_143, %add3A_239 : i32
        %get3A_241 = arith.constant 0 : i32
        %get3A_242 = arith.constant 0 : i32
        %get3A_243 = tpu.memref_slice %arg6[%scan3A_118, %get3A_241, %get3A_242] : memref<2x832x64xf32, #tpu.memory_space<vmem>> -> memref<1x832x64xf32, #tpu.memory_space<vmem>>
        %get3A_244 = tpu.memref_squeeze %get3A_243 : memref<1x832x64xf32, #tpu.memory_space<vmem>> -> memref<832x64xf32, #tpu.memory_space<vmem>>
        %get3A_245 = arith.index_cast %add3A_240 : i32 to index
        %get3A_246 = arith.constant 0 : index
        %get3A_247 = tpu.vector_load %get3A_244[%get3A_245, %get3A_246] {strides = array<i32>} : memref<832x64xf32, #tpu.memory_space<vmem>>, vector<1x16xf32>,
        %get3A_248 = vector.shape_cast %get3A_247 : vector<1x16xf32> to vector<16xf32>
        %add3A_249 = arith.addf %add3A_238, %get3A_248 : vector<16xf32>
        %add3A_250 = arith.constant 10 : i32
        %add3A_251 = arith.addi %mul3A_143, %add3A_250 : i32
        %get3A_252 = arith.constant 0 : i32
        %get3A_253 = arith.constant 0 : i32
        %get3A_254 = tpu.memref_slice %arg6[%scan3A_118, %get3A_252, %get3A_253] : memref<2x832x64xf32, #tpu.memory_space<vmem>> -> memref<1x832x64xf32, #tpu.memory_space<vmem>>
        %get3A_255 = tpu.memref_squeeze %get3A_254 : memref<1x832x64xf32, #tpu.memory_space<vmem>> -> memref<832x64xf32, #tpu.memory_space<vmem>>
        %get3A_256 = arith.index_cast %add3A_251 : i32 to index
        %get3A_257 = arith.constant 0 : index
        %get3A_258 = tpu.vector_load %get3A_255[%get3A_256, %get3A_257] {strides = array<i32>} : memref<832x64xf32, #tpu.memory_space<vmem>>, vector<1x16xf32>,
        %get3A_259 = vector.shape_cast %get3A_258 : vector<1x16xf32> to vector<16xf32>
        %add3A_260 = arith.addf %add3A_249, %get3A_259 : vector<16xf32>
        %add3A_261 = arith.constant 11 : i32
        %add3A_262 = arith.addi %mul3A_143, %add3A_261 : i32
        %get3A_263 = arith.constant 0 : i32
        %get3A_264 = arith.constant 0 : i32
        %get3A_265 = tpu.memref_slice %arg6[%scan3A_118, %get3A_263, %get3A_264] : memref<2x832x64xf32, #tpu.memory_space<vmem>> -> memref<1x832x64xf32, #tpu.memory_space<vmem>>
        %get3A_266 = tpu.memref_squeeze %get3A_265 : memref<1x832x64xf32, #tpu.memory_space<vmem>> -> memref<832x64xf32, #tpu.memory_space<vmem>>
        %get3A_267 = arith.index_cast %add3A_262 : i32 to index
        %get3A_268 = arith.constant 0 : index
        %get3A_269 = tpu.vector_load %get3A_266[%get3A_267, %get3A_268] {strides = array<i32>} : memref<832x64xf32, #tpu.memory_space<vmem>>, vector<1x16xf32>,
        %get3A_270 = vector.shape_cast %get3A_269 : vector<1x16xf32> to vector<16xf32>
        %add3A_271 = arith.addf %add3A_260, %get3A_270 : vector<16xf32>
        %add3A_272 = arith.constant 12 : i32
        %add3A_273 = arith.addi %mul3A_143, %add3A_272 : i32
        %get3A_274 = arith.constant 0 : i32
        %get3A_275 = arith.constant 0 : i32
        %get3A_276 = tpu.memref_slice %arg6[%scan3A_118, %get3A_274, %get3A_275] : memref<2x832x64xf32, #tpu.memory_space<vmem>> -> memref<1x832x64xf32, #tpu.memory_space<vmem>>
        %get3A_277 = tpu.memref_squeeze %get3A_276 : memref<1x832x64xf32, #tpu.memory_space<vmem>> -> memref<832x64xf32, #tpu.memory_space<vmem>>
        %get3A_278 = arith.index_cast %add3A_273 : i32 to index
        %get3A_279 = arith.constant 0 : index
        %get3A_280 = tpu.vector_load %get3A_277[%get3A_278, %get3A_279] {strides = array<i32>} : memref<832x64xf32, #tpu.memory_space<vmem>>, vector<1x16xf32>,
        %get3A_281 = vector.shape_cast %get3A_280 : vector<1x16xf32> to vector<16xf32>
        %add3A_282 = arith.addf %add3A_271, %get3A_281 : vector<16xf32>
        %add3A_283 = arith.constant 13 : i32
        %add3A_284 = arith.addi %mul3A_143, %add3A_283 : i32
        %get3A_285 = arith.constant 0 : i32
        %get3A_286 = arith.constant 0 : i32
        %get3A_287 = tpu.memref_slice %arg6[%scan3A_118, %get3A_285, %get3A_286] : memref<2x832x64xf32, #tpu.memory_space<vmem>> -> memref<1x832x64xf32, #tpu.memory_space<vmem>>
        %get3A_288 = tpu.memref_squeeze %get3A_287 : memref<1x832x64xf32, #tpu.memory_space<vmem>> -> memref<832x64xf32, #tpu.memory_space<vmem>>
        %get3A_289 = arith.index_cast %add3A_284 : i32 to index
        %get3A_290 = arith.constant 0 : index
        %get3A_291 = tpu.vector_load %get3A_288[%get3A_289, %get3A_290] {strides = array<i32>} : memref<832x64xf32, #tpu.memory_space<vmem>>, vector<1x16xf32>,
        %get3A_292 = vector.shape_cast %get3A_291 : vector<1x16xf32> to vector<16xf32>
        %add3A_293 = arith.addf %add3A_282, %get3A_292 : vector<16xf32>
        %add3A_294 = arith.constant 14 : i32
        %add3A_295 = arith.addi %mul3A_143, %add3A_294 : i32
        %get3A_296 = arith.constant 0 : i32
        %get3A_297 = arith.constant 0 : i32
        %get3A_298 = tpu.memref_slice %arg6[%scan3A_118, %get3A_296, %get3A_297] : memref<2x832x64xf32, #tpu.memory_space<vmem>> -> memref<1x832x64xf32, #tpu.memory_space<vmem>>
        %get3A_299 = tpu.memref_squeeze %get3A_298 : memref<1x832x64xf32, #tpu.memory_space<vmem>> -> memref<832x64xf32, #tpu.memory_space<vmem>>
        %get3A_300 = arith.index_cast %add3A_295 : i32 to index
        %get3A_301 = arith.constant 0 : index
        %get3A_302 = tpu.vector_load %get3A_299[%get3A_300, %get3A_301] {strides = array<i32>} : memref<832x64xf32, #tpu.memory_space<vmem>>, vector<1x16xf32>,
        %get3A_303 = vector.shape_cast %get3A_302 : vector<1x16xf32> to vector<16xf32>
        %add3A_304 = arith.addf %add3A_293, %get3A_303 : vector<16xf32>
        %add3A_305 = arith.constant 15 : i32
        %add3A_306 = arith.addi %mul3A_143, %add3A_305 : i32
        %get3A_307 = arith.constant 0 : i32
        %get3A_308 = arith.constant 0 : i32
        %get3A_309 = tpu.memref_slice %arg6[%scan3A_118, %get3A_307, %get3A_308] : memref<2x832x64xf32, #tpu.memory_space<vmem>> -> memref<1x832x64xf32, #tpu.memory_space<vmem>>
        %get3A_310 = tpu.memref_squeeze %get3A_309 : memref<1x832x64xf32, #tpu.memory_space<vmem>> -> memref<832x64xf32, #tpu.memory_space<vmem>>
        %get3A_311 = arith.index_cast %add3A_306 : i32 to index
        %get3A_312 = arith.constant 0 : index
        %get3A_313 = tpu.vector_load %get3A_310[%get3A_311, %get3A_312] {strides = array<i32>} : memref<832x64xf32, #tpu.memory_space<vmem>>, vector<1x16xf32>,
        %get3A_314 = vector.shape_cast %get3A_313 : vector<1x16xf32> to vector<16xf32>
        %add3A_315 = arith.addf %add3A_304, %get3A_314 : vector<16xf32>
        %add3A_316 = arith.constant 16 : i32
        %add3A_317 = arith.addi %mul3A_143, %add3A_316 : i32
        %get3A_318 = arith.constant 0 : i32
        %get3A_319 = arith.constant 0 : i32
        %get3A_320 = tpu.memref_slice %arg6[%scan3A_118, %get3A_318, %get3A_319] : memref<2x832x64xf32, #tpu.memory_space<vmem>> -> memref<1x832x64xf32, #tpu.memory_space<vmem>>
        %get3A_321 = tpu.memref_squeeze %get3A_320 : memref<1x832x64xf32, #tpu.memory_space<vmem>> -> memref<832x64xf32, #tpu.memory_space<vmem>>
        %get3A_322 = arith.index_cast %add3A_317 : i32 to index
        %get3A_323 = arith.constant 0 : index
        %get3A_324 = tpu.vector_load %get3A_321[%get3A_322, %get3A_323] {strides = array<i32>} : memref<832x64xf32, #tpu.memory_space<vmem>>, vector<1x16xf32>,
        %get3A_325 = vector.shape_cast %get3A_324 : vector<1x16xf32> to vector<16xf32>
        %add3A_326 = arith.addf %add3A_315, %get3A_325 : vector<16xf32>
        %add3A_327 = arith.constant 17 : i32
        %add3A_328 = arith.addi %mul3A_143, %add3A_327 : i32
        %get3A_329 = arith.constant 0 : i32
        %get3A_330 = arith.constant 0 : i32
        %get3A_331 = tpu.memref_slice %arg6[%scan3A_118, %get3A_329, %get3A_330] : memref<2x832x64xf32, #tpu.memory_space<vmem>> -> memref<1x832x64xf32, #tpu.memory_space<vmem>>
        %get3A_332 = tpu.memref_squeeze %get3A_331 : memref<1x832x64xf32, #tpu.memory_space<vmem>> -> memref<832x64xf32, #tpu.memory_space<vmem>>
        %get3A_333 = arith.index_cast %add3A_328 : i32 to index
        %get3A_334 = arith.constant 0 : index
        %get3A_335 = tpu.vector_load %get3A_332[%get3A_333, %get3A_334] {strides = array<i32>} : memref<832x64xf32, #tpu.memory_space<vmem>>, vector<1x16xf32>,
        %get3A_336 = vector.shape_cast %get3A_335 : vector<1x16xf32> to vector<16xf32>
        %add3A_337 = arith.addf %add3A_326, %get3A_336 : vector<16xf32>
        %add3A_338 = arith.constant 18 : i32
        %add3A_339 = arith.addi %mul3A_143, %add3A_338 : i32
        %get3A_340 = arith.constant 0 : i32
        %get3A_341 = arith.constant 0 : i32
        %get3A_342 = tpu.memref_slice %arg6[%scan3A_118, %get3A_340, %get3A_341] : memref<2x832x64xf32, #tpu.memory_space<vmem>> -> memref<1x832x64xf32, #tpu.memory_space<vmem>>
        %get3A_343 = tpu.memref_squeeze %get3A_342 : memref<1x832x64xf32, #tpu.memory_space<vmem>> -> memref<832x64xf32, #tpu.memory_space<vmem>>
        %get3A_344 = arith.index_cast %add3A_339 : i32 to index
        %get3A_345 = arith.constant 0 : index
        %get3A_346 = tpu.vector_load %get3A_343[%get3A_344, %get3A_345] {strides = array<i32>} : memref<832x64xf32, #tpu.memory_space<vmem>>, vector<1x16xf32>,
        %get3A_347 = vector.shape_cast %get3A_346 : vector<1x16xf32> to vector<16xf32>
        %add3A_348 = arith.addf %add3A_337, %get3A_347 : vector<16xf32>
        %add3A_349 = arith.constant 19 : i32
        %add3A_350 = arith.addi %mul3A_143, %add3A_349 : i32
        %get3A_351 = arith.constant 0 : i32
        %get3A_352 = arith.constant 0 : i32
        %get3A_353 = tpu.memref_slice %arg6[%scan3A_118, %get3A_351, %get3A_352] : memref<2x832x64xf32, #tpu.memory_space<vmem>> -> memref<1x832x64xf32, #tpu.memory_space<vmem>>
        %get3A_354 = tpu.memref_squeeze %get3A_353 : memref<1x832x64xf32, #tpu.memory_space<vmem>> -> memref<832x64xf32, #tpu.memory_space<vmem>>
        %get3A_355 = arith.index_cast %add3A_350 : i32 to index
        %get3A_356 = arith.constant 0 : index
        %get3A_357 = tpu.vector_load %get3A_354[%get3A_355, %get3A_356] {strides = array<i32>} : memref<832x64xf32, #tpu.memory_space<vmem>>, vector<1x16xf32>,
        %get3A_358 = vector.shape_cast %get3A_357 : vector<1x16xf32> to vector<16xf32>
        %add3A_359 = arith.addf %add3A_348, %get3A_358 : vector<16xf32>
        %add3A_360 = arith.constant 20 : i32
        %add3A_361 = arith.addi %mul3A_143, %add3A_360 : i32
        %get3A_362 = arith.constant 0 : i32
        %get3A_363 = arith.constant 0 : i32
        %get3A_364 = tpu.memref_slice %arg6[%scan3A_118, %get3A_362, %get3A_363] : memref<2x832x64xf32, #tpu.memory_space<vmem>> -> memref<1x832x64xf32, #tpu.memory_space<vmem>>
        %get3A_365 = tpu.memref_squeeze %get3A_364 : memref<1x832x64xf32, #tpu.memory_space<vmem>> -> memref<832x64xf32, #tpu.memory_space<vmem>>
        %get3A_366 = arith.index_cast %add3A_361 : i32 to index
        %get3A_367 = arith.constant 0 : index
        %get3A_368 = tpu.vector_load %get3A_365[%get3A_366, %get3A_367] {strides = array<i32>} : memref<832x64xf32, #tpu.memory_space<vmem>>, vector<1x16xf32>,
        %get3A_369 = vector.shape_cast %get3A_368 : vector<1x16xf32> to vector<16xf32>
        %add3A_370 = arith.addf %add3A_359, %get3A_369 : vector<16xf32>
        %add3A_371 = arith.constant 21 : i32
        %add3A_372 = arith.addi %mul3A_143, %add3A_371 : i32
        %get3A_373 = arith.constant 0 : i32
        %get3A_374 = arith.constant 0 : i32
        %get3A_375 = tpu.memref_slice %arg6[%scan3A_118, %get3A_373, %get3A_374] : memref<2x832x64xf32, #tpu.memory_space<vmem>> -> memref<1x832x64xf32, #tpu.memory_space<vmem>>
        %get3A_376 = tpu.memref_squeeze %get3A_375 : memref<1x832x64xf32, #tpu.memory_space<vmem>> -> memref<832x64xf32, #tpu.memory_space<vmem>>
        %get3A_377 = arith.index_cast %add3A_372 : i32 to index
        %get3A_378 = arith.constant 0 : index
        %get3A_379 = tpu.vector_load %get3A_376[%get3A_377, %get3A_378] {strides = array<i32>} : memref<832x64xf32, #tpu.memory_space<vmem>>, vector<1x16xf32>,
        %get3A_380 = vector.shape_cast %get3A_379 : vector<1x16xf32> to vector<16xf32>
        %add3A_381 = arith.addf %add3A_370, %get3A_380 : vector<16xf32>
        %add3A_382 = arith.constant 22 : i32
        %add3A_383 = arith.addi %mul3A_143, %add3A_382 : i32
        %get3A_384 = arith.constant 0 : i32
        %get3A_385 = arith.constant 0 : i32
        %get3A_386 = tpu.memref_slice %arg6[%scan3A_118, %get3A_384, %get3A_385] : memref<2x832x64xf32, #tpu.memory_space<vmem>> -> memref<1x832x64xf32, #tpu.memory_space<vmem>>
        %get3A_387 = tpu.memref_squeeze %get3A_386 : memref<1x832x64xf32, #tpu.memory_space<vmem>> -> memref<832x64xf32, #tpu.memory_space<vmem>>
        %get3A_388 = arith.index_cast %add3A_383 : i32 to index
        %get3A_389 = arith.constant 0 : index
        %get3A_390 = tpu.vector_load %get3A_387[%get3A_388, %get3A_389] {strides = array<i32>} : memref<832x64xf32, #tpu.memory_space<vmem>>, vector<1x16xf32>,
        %get3A_391 = vector.shape_cast %get3A_390 : vector<1x16xf32> to vector<16xf32>
        %add3A_392 = arith.addf %add3A_381, %get3A_391 : vector<16xf32>
        %add3A_393 = arith.constant 23 : i32
        %add3A_394 = arith.addi %mul3A_143, %add3A_393 : i32
        %get3A_395 = arith.constant 0 : i32
        %get3A_396 = arith.constant 0 : i32
        %get3A_397 = tpu.memref_slice %arg6[%scan3A_118, %get3A_395, %get3A_396] : memref<2x832x64xf32, #tpu.memory_space<vmem>> -> memref<1x832x64xf32, #tpu.memory_space<vmem>>
        %get3A_398 = tpu.memref_squeeze %get3A_397 : memref<1x832x64xf32, #tpu.memory_space<vmem>> -> memref<832x64xf32, #tpu.memory_space<vmem>>
        %get3A_399 = arith.index_cast %add3A_394 : i32 to index
        %get3A_400 = arith.constant 0 : index
        %get3A_401 = tpu.vector_load %get3A_398[%get3A_399, %get3A_400] {strides = array<i32>} : memref<832x64xf32, #tpu.memory_space<vmem>>, vector<1x16xf32>,
        %get3A_402 = vector.shape_cast %get3A_401 : vector<1x16xf32> to vector<16xf32>
        %add3A_403 = arith.addf %add3A_392, %get3A_402 : vector<16xf32>
        %add3A_404 = arith.constant 24 : i32
        %add3A_405 = arith.addi %mul3A_143, %add3A_404 : i32
        %get3A_406 = arith.constant 0 : i32
        %get3A_407 = arith.constant 0 : i32
        %get3A_408 = tpu.memref_slice %arg6[%scan3A_118, %get3A_406, %get3A_407] : memref<2x832x64xf32, #tpu.memory_space<vmem>> -> memref<1x832x64xf32, #tpu.memory_space<vmem>>
        %get3A_409 = tpu.memref_squeeze %get3A_408 : memref<1x832x64xf32, #tpu.memory_space<vmem>> -> memref<832x64xf32, #tpu.memory_space<vmem>>
        %get3A_410 = arith.index_cast %add3A_405 : i32 to index
        %get3A_411 = arith.constant 0 : index
        %get3A_412 = tpu.vector_load %get3A_409[%get3A_410, %get3A_411] {strides = array<i32>} : memref<832x64xf32, #tpu.memory_space<vmem>>, vector<1x16xf32>,
        %get3A_413 = vector.shape_cast %get3A_412 : vector<1x16xf32> to vector<16xf32>
        %add3A_414 = arith.addf %add3A_403, %get3A_413 : vector<16xf32>
        %add3A_415 = arith.constant 25 : i32
        %add3A_416 = arith.addi %mul3A_143, %add3A_415 : i32
        %get3A_417 = arith.constant 0 : i32
        %get3A_418 = arith.constant 0 : i32
        %get3A_419 = tpu.memref_slice %arg6[%scan3A_118, %get3A_417, %get3A_418] : memref<2x832x64xf32, #tpu.memory_space<vmem>> -> memref<1x832x64xf32, #tpu.memory_space<vmem>>
        %get3A_420 = tpu.memref_squeeze %get3A_419 : memref<1x832x64xf32, #tpu.memory_space<vmem>> -> memref<832x64xf32, #tpu.memory_space<vmem>>
        %get3A_421 = arith.index_cast %add3A_416 : i32 to index
        %get3A_422 = arith.constant 0 : index
        %get3A_423 = tpu.vector_load %get3A_420[%get3A_421, %get3A_422] {strides = array<i32>} : memref<832x64xf32, #tpu.memory_space<vmem>>, vector<1x16xf32>,
        %get3A_424 = vector.shape_cast %get3A_423 : vector<1x16xf32> to vector<16xf32>
        %add3A_425 = arith.addf %add3A_414, %get3A_424 : vector<16xf32>
        %swap3A = arith.constant 0 : i32
        %swap3A_426 = arith.constant 0 : i32
        %swap3A_427 = tpu.memref_slice %arg7[%scan3A_119, %swap3A, %swap3A_426] : memref<2x32x64xf32, #tpu.memory_space<vmem>> -> memref<1x32x64xf32, #tpu.memory_space<vmem>>
        %swap3A_428 = tpu.memref_squeeze %swap3A_427 : memref<1x32x64xf32, #tpu.memory_space<vmem>> -> memref<32x64xf32, #tpu.memory_space<vmem>>
        %swap3A_429 = arith.index_cast %scan3A_141 : i32 to index
        %swap3A_430 = arith.constant 0 : index
        %swap3A_431 = tpu.vector_load %swap3A_428[%swap3A_429, %swap3A_430] {strides = array<i32>} : memref<32x64xf32, #tpu.memory_space<vmem>>, vector<1x16xf32>,
        %swap3A_432 = vector.shape_cast %swap3A_431 : vector<1x16xf32> to vector<16xf32>
        %swap3A_433 = vector.shape_cast %add3A_425 : vector<16xf32> to vector<1x16xf32>
        tpu.vector_store %swap3A_428[%swap3A_429, %swap3A_430], %swap3A_433 {strides = array<i32>} : memref<32x64xf32, #tpu.memory_space<vmem>>, vector<1x16xf32>,
        %get3A_434 = arith.constant 0 : i32
        %get3A_435 = arith.constant 0 : i32
        %get3A_436 = tpu.memref_slice %arg6[%scan3A_118, %get3A_434, %get3A_435] : memref<2x832x64xf32, #tpu.memory_space<vmem>> -> memref<1x832x64xf32, #tpu.memory_space<vmem>>
        %get3A_437 = tpu.memref_squeeze %get3A_436 : memref<1x832x64xf32, #tpu.memory_space<vmem>> -> memref<832x64xf32, #tpu.memory_space<vmem>>
        %get3A_438 = arith.index_cast %mul3A_143 : i32 to index
        %get3A_439 = arith.constant 16 : index
        %get3A_440 = tpu.vector_load %get3A_437[%get3A_438, %get3A_439] {strides = array<i32>} : memref<832x64xf32, #tpu.memory_space<vmem>>, vector<1x16xf32>,
        %get3A_441 = vector.shape_cast %get3A_440 : vector<1x16xf32> to vector<16xf32>
        %add3A_442 = arith.constant 1 : i32
        %add3A_443 = arith.addi %mul3A_143, %add3A_442 : i32
        %get3A_444 = arith.constant 0 : i32
        %get3A_445 = arith.constant 0 : i32
        %get3A_446 = tpu.memref_slice %arg6[%scan3A_118, %get3A_444, %get3A_445] : memref<2x832x64xf32, #tpu.memory_space<vmem>> -> memref<1x832x64xf32, #tpu.memory_space<vmem>>
        %get3A_447 = tpu.memref_squeeze %get3A_446 : memref<1x832x64xf32, #tpu.memory_space<vmem>> -> memref<832x64xf32, #tpu.memory_space<vmem>>
        %get3A_448 = arith.index_cast %add3A_443 : i32 to index
        %get3A_449 = arith.constant 16 : index
        %get3A_450 = tpu.vector_load %get3A_447[%get3A_448, %get3A_449] {strides = array<i32>} : memref<832x64xf32, #tpu.memory_space<vmem>>, vector<1x16xf32>,
        %get3A_451 = vector.shape_cast %get3A_450 : vector<1x16xf32> to vector<16xf32>
        %add3A_452 = arith.addf %get3A_441, %get3A_451 : vector<16xf32>
        %add3A_453 = arith.constant 2 : i32
        %add3A_454 = arith.addi %mul3A_143, %add3A_453 : i32
        %get3A_455 = arith.constant 0 : i32
        %get3A_456 = arith.constant 0 : i32
        %get3A_457 = tpu.memref_slice %arg6[%scan3A_118, %get3A_455, %get3A_456] : memref<2x832x64xf32, #tpu.memory_space<vmem>> -> memref<1x832x64xf32, #tpu.memory_space<vmem>>
        %get3A_458 = tpu.memref_squeeze %get3A_457 : memref<1x832x64xf32, #tpu.memory_space<vmem>> -> memref<832x64xf32, #tpu.memory_space<vmem>>
        %get3A_459 = arith.index_cast %add3A_454 : i32 to index
        %get3A_460 = arith.constant 16 : index
        %get3A_461 = tpu.vector_load %get3A_458[%get3A_459, %get3A_460] {strides = array<i32>} : memref<832x64xf32, #tpu.memory_space<vmem>>, vector<1x16xf32>,
        %get3A_462 = vector.shape_cast %get3A_461 : vector<1x16xf32> to vector<16xf32>
        %add3A_463 = arith.addf %add3A_452, %get3A_462 : vector<16xf32>
        %add3A_464 = arith.constant 3 : i32
        %add3A_465 = arith.addi %mul3A_143, %add3A_464 : i32
        %get3A_466 = arith.constant 0 : i32
        %get3A_467 = arith.constant 0 : i32
        %get3A_468 = tpu.memref_slice %arg6[%scan3A_118, %get3A_466, %get3A_467] : memref<2x832x64xf32, #tpu.memory_space<vmem>> -> memref<1x832x64xf32, #tpu.memory_space<vmem>>
        %get3A_469 = tpu.memref_squeeze %get3A_468 : memref<1x832x64xf32, #tpu.memory_space<vmem>> -> memref<832x64xf32, #tpu.memory_space<vmem>>
        %get3A_470 = arith.index_cast %add3A_465 : i32 to index
        %get3A_471 = arith.constant 16 : index
        %get3A_472 = tpu.vector_load %get3A_469[%get3A_470, %get3A_471] {strides = array<i32>} : memref<832x64xf32, #tpu.memory_space<vmem>>, vector<1x16xf32>,
        %get3A_473 = vector.shape_cast %get3A_472 : vector<1x16xf32> to vector<16xf32>
        %add3A_474 = arith.addf %add3A_463, %get3A_473 : vector<16xf32>
        %add3A_475 = arith.constant 4 : i32
        %add3A_476 = arith.addi %mul3A_143, %add3A_475 : i32
        %get3A_477 = arith.constant 0 : i32
        %get3A_478 = arith.constant 0 : i32
        %get3A_479 = tpu.memref_slice %arg6[%scan3A_118, %get3A_477, %get3A_478] : memref<2x832x64xf32, #tpu.memory_space<vmem>> -> memref<1x832x64xf32, #tpu.memory_space<vmem>>
        %get3A_480 = tpu.memref_squeeze %get3A_479 : memref<1x832x64xf32, #tpu.memory_space<vmem>> -> memref<832x64xf32, #tpu.memory_space<vmem>>
        %get3A_481 = arith.index_cast %add3A_476 : i32 to index
        %get3A_482 = arith.constant 16 : index
        %get3A_483 = tpu.vector_load %get3A_480[%get3A_481, %get3A_482] {strides = array<i32>} : memref<832x64xf32, #tpu.memory_space<vmem>>, vector<1x16xf32>,
        %get3A_484 = vector.shape_cast %get3A_483 : vector<1x16xf32> to vector<16xf32>
        %add3A_485 = arith.addf %add3A_474, %get3A_484 : vector<16xf32>
        %add3A_486 = arith.constant 5 : i32
        %add3A_487 = arith.addi %mul3A_143, %add3A_486 : i32
        %get3A_488 = arith.constant 0 : i32
        %get3A_489 = arith.constant 0 : i32
        %get3A_490 = tpu.memref_slice %arg6[%scan3A_118, %get3A_488, %get3A_489] : memref<2x832x64xf32, #tpu.memory_space<vmem>> -> memref<1x832x64xf32, #tpu.memory_space<vmem>>
        %get3A_491 = tpu.memref_squeeze %get3A_490 : memref<1x832x64xf32, #tpu.memory_space<vmem>> -> memref<832x64xf32, #tpu.memory_space<vmem>>
        %get3A_492 = arith.index_cast %add3A_487 : i32 to index
        %get3A_493 = arith.constant 16 : index
        %get3A_494 = tpu.vector_load %get3A_491[%get3A_492, %get3A_493] {strides = array<i32>} : memref<832x64xf32, #tpu.memory_space<vmem>>, vector<1x16xf32>,
        %get3A_495 = vector.shape_cast %get3A_494 : vector<1x16xf32> to vector<16xf32>
        %add3A_496 = arith.addf %add3A_485, %get3A_495 : vector<16xf32>
        %add3A_497 = arith.constant 6 : i32
        %add3A_498 = arith.addi %mul3A_143, %add3A_497 : i32
        %get3A_499 = arith.constant 0 : i32
        %get3A_500 = arith.constant 0 : i32
        %get3A_501 = tpu.memref_slice %arg6[%scan3A_118, %get3A_499, %get3A_500] : memref<2x832x64xf32, #tpu.memory_space<vmem>> -> memref<1x832x64xf32, #tpu.memory_space<vmem>>
        %get3A_502 = tpu.memref_squeeze %get3A_501 : memref<1x832x64xf32, #tpu.memory_space<vmem>> -> memref<832x64xf32, #tpu.memory_space<vmem>>
        %get3A_503 = arith.index_cast %add3A_498 : i32 to index
        %get3A_504 = arith.constant 16 : index
        %get3A_505 = tpu.vector_load %get3A_502[%get3A_503, %get3A_504] {strides = array<i32>} : memref<832x64xf32, #tpu.memory_space<vmem>>, vector<1x16xf32>,
        %get3A_506 = vector.shape_cast %get3A_505 : vector<1x16xf32> to vector<16xf32>
        %add3A_507 = arith.addf %add3A_496, %get3A_506 : vector<16xf32>
        %add3A_508 = arith.constant 7 : i32
        %add3A_509 = arith.addi %mul3A_143, %add3A_508 : i32
        %get3A_510 = arith.constant 0 : i32
        %get3A_511 = arith.constant 0 : i32
        %get3A_512 = tpu.memref_slice %arg6[%scan3A_118, %get3A_510, %get3A_511] : memref<2x832x64xf32, #tpu.memory_space<vmem>> -> memref<1x832x64xf32, #tpu.memory_space<vmem>>
        %get3A_513 = tpu.memref_squeeze %get3A_512 : memref<1x832x64xf32, #tpu.memory_space<vmem>> -> memref<832x64xf32, #tpu.memory_space<vmem>>
        %get3A_514 = arith.index_cast %add3A_509 : i32 to index
        %get3A_515 = arith.constant 16 : index
        %get3A_516 = tpu.vector_load %get3A_513[%get3A_514, %get3A_515] {strides = array<i32>} : memref<832x64xf32, #tpu.memory_space<vmem>>, vector<1x16xf32>,
        %get3A_517 = vector.shape_cast %get3A_516 : vector<1x16xf32> to vector<16xf32>
        %add3A_518 = arith.addf %add3A_507, %get3A_517 : vector<16xf32>
        %add3A_519 = arith.constant 8 : i32
        %add3A_520 = arith.addi %mul3A_143, %add3A_519 : i32
        %get3A_521 = arith.constant 0 : i32
        %get3A_522 = arith.constant 0 : i32
        %get3A_523 = tpu.memref_slice %arg6[%scan3A_118, %get3A_521, %get3A_522] : memref<2x832x64xf32, #tpu.memory_space<vmem>> -> memref<1x832x64xf32, #tpu.memory_space<vmem>>
        %get3A_524 = tpu.memref_squeeze %get3A_523 : memref<1x832x64xf32, #tpu.memory_space<vmem>> -> memref<832x64xf32, #tpu.memory_space<vmem>>
        %get3A_525 = arith.index_cast %add3A_520 : i32 to index
        %get3A_526 = arith.constant 16 : index
        %get3A_527 = tpu.vector_load %get3A_524[%get3A_525, %get3A_526] {strides = array<i32>} : memref<832x64xf32, #tpu.memory_space<vmem>>, vector<1x16xf32>,
        %get3A_528 = vector.shape_cast %get3A_527 : vector<1x16xf32> to vector<16xf32>
        %add3A_529 = arith.addf %add3A_518, %get3A_528 : vector<16xf32>
        %add3A_530 = arith.constant 9 : i32
        %add3A_531 = arith.addi %mul3A_143, %add3A_530 : i32
        %get3A_532 = arith.constant 0 : i32
        %get3A_533 = arith.constant 0 : i32
        %get3A_534 = tpu.memref_slice %arg6[%scan3A_118, %get3A_532, %get3A_533] : memref<2x832x64xf32, #tpu.memory_space<vmem>> -> memref<1x832x64xf32, #tpu.memory_space<vmem>>
        %get3A_535 = tpu.memref_squeeze %get3A_534 : memref<1x832x64xf32, #tpu.memory_space<vmem>> -> memref<832x64xf32, #tpu.memory_space<vmem>>
        %get3A_536 = arith.index_cast %add3A_531 : i32 to index
        %get3A_537 = arith.constant 16 : index
        %get3A_538 = tpu.vector_load %get3A_535[%get3A_536, %get3A_537] {strides = array<i32>} : memref<832x64xf32, #tpu.memory_space<vmem>>, vector<1x16xf32>,
        %get3A_539 = vector.shape_cast %get3A_538 : vector<1x16xf32> to vector<16xf32>
        %add3A_540 = arith.addf %add3A_529, %get3A_539 : vector<16xf32>
        %add3A_541 = arith.constant 10 : i32
        %add3A_542 = arith.addi %mul3A_143, %add3A_541 : i32
        %get3A_543 = arith.constant 0 : i32
        %get3A_544 = arith.constant 0 : i32
        %get3A_545 = tpu.memref_slice %arg6[%scan3A_118, %get3A_543, %get3A_544] : memref<2x832x64xf32, #tpu.memory_space<vmem>> -> memref<1x832x64xf32, #tpu.memory_space<vmem>>
        %get3A_546 = tpu.memref_squeeze %get3A_545 : memref<1x832x64xf32, #tpu.memory_space<vmem>> -> memref<832x64xf32, #tpu.memory_space<vmem>>
        %get3A_547 = arith.index_cast %add3A_542 : i32 to index
        %get3A_548 = arith.constant 16 : index
        %get3A_549 = tpu.vector_load %get3A_546[%get3A_547, %get3A_548] {strides = array<i32>} : memref<832x64xf32, #tpu.memory_space<vmem>>, vector<1x16xf32>,
        %get3A_550 = vector.shape_cast %get3A_549 : vector<1x16xf32> to vector<16xf32>
        %add3A_551 = arith.addf %add3A_540, %get3A_550 : vector<16xf32>
        %add3A_552 = arith.constant 11 : i32
        %add3A_553 = arith.addi %mul3A_143, %add3A_552 : i32
        %get3A_554 = arith.constant 0 : i32
        %get3A_555 = arith.constant 0 : i32
        %get3A_556 = tpu.memref_slice %arg6[%scan3A_118, %get3A_554, %get3A_555] : memref<2x832x64xf32, #tpu.memory_space<vmem>> -> memref<1x832x64xf32, #tpu.memory_space<vmem>>
        %get3A_557 = tpu.memref_squeeze %get3A_556 : memref<1x832x64xf32, #tpu.memory_space<vmem>> -> memref<832x64xf32, #tpu.memory_space<vmem>>
        %get3A_558 = arith.index_cast %add3A_553 : i32 to index
        %get3A_559 = arith.constant 16 : index
        %get3A_560 = tpu.vector_load %get3A_557[%get3A_558, %get3A_559] {strides = array<i32>} : memref<832x64xf32, #tpu.memory_space<vmem>>, vector<1x16xf32>,
        %get3A_561 = vector.shape_cast %get3A_560 : vector<1x16xf32> to vector<16xf32>
        %add3A_562 = arith.addf %add3A_551, %get3A_561 : vector<16xf32>
        %add3A_563 = arith.constant 12 : i32
        %add3A_564 = arith.addi %mul3A_143, %add3A_563 : i32
        %get3A_565 = arith.constant 0 : i32
        %get3A_566 = arith.constant 0 : i32
        %get3A_567 = tpu.memref_slice %arg6[%scan3A_118, %get3A_565, %get3A_566] : memref<2x832x64xf32, #tpu.memory_space<vmem>> -> memref<1x832x64xf32, #tpu.memory_space<vmem>>
        %get3A_568 = tpu.memref_squeeze %get3A_567 : memref<1x832x64xf32, #tpu.memory_space<vmem>> -> memref<832x64xf32, #tpu.memory_space<vmem>>
        %get3A_569 = arith.index_cast %add3A_564 : i32 to index
        %get3A_570 = arith.constant 16 : index
        %get3A_571 = tpu.vector_load %get3A_568[%get3A_569, %get3A_570] {strides = array<i32>} : memref<832x64xf32, #tpu.memory_space<vmem>>, vector<1x16xf32>,
        %get3A_572 = vector.shape_cast %get3A_571 : vector<1x16xf32> to vector<16xf32>
        %add3A_573 = arith.addf %add3A_562, %get3A_572 : vector<16xf32>
        %add3A_574 = arith.constant 13 : i32
        %add3A_575 = arith.addi %mul3A_143, %add3A_574 : i32
        %get3A_576 = arith.constant 0 : i32
        %get3A_577 = arith.constant 0 : i32
        %get3A_578 = tpu.memref_slice %arg6[%scan3A_118, %get3A_576, %get3A_577] : memref<2x832x64xf32, #tpu.memory_space<vmem>> -> memref<1x832x64xf32, #tpu.memory_space<vmem>>
        %get3A_579 = tpu.memref_squeeze %get3A_578 : memref<1x832x64xf32, #tpu.memory_space<vmem>> -> memref<832x64xf32, #tpu.memory_space<vmem>>
        %get3A_580 = arith.index_cast %add3A_575 : i32 to index
        %get3A_581 = arith.constant 16 : index
        %get3A_582 = tpu.vector_load %get3A_579[%get3A_580, %get3A_581] {strides = array<i32>} : memref<832x64xf32, #tpu.memory_space<vmem>>, vector<1x16xf32>,
        %get3A_583 = vector.shape_cast %get3A_582 : vector<1x16xf32> to vector<16xf32>
        %add3A_584 = arith.addf %add3A_573, %get3A_583 : vector<16xf32>
        %add3A_585 = arith.constant 14 : i32
        %add3A_586 = arith.addi %mul3A_143, %add3A_585 : i32
        %get3A_587 = arith.constant 0 : i32
        %get3A_588 = arith.constant 0 : i32
        %get3A_589 = tpu.memref_slice %arg6[%scan3A_118, %get3A_587, %get3A_588] : memref<2x832x64xf32, #tpu.memory_space<vmem>> -> memref<1x832x64xf32, #tpu.memory_space<vmem>>
        %get3A_590 = tpu.memref_squeeze %get3A_589 : memref<1x832x64xf32, #tpu.memory_space<vmem>> -> memref<832x64xf32, #tpu.memory_space<vmem>>
        %get3A_591 = arith.index_cast %add3A_586 : i32 to index
        %get3A_592 = arith.constant 16 : index
        %get3A_593 = tpu.vector_load %get3A_590[%get3A_591, %get3A_592] {strides = array<i32>} : memref<832x64xf32, #tpu.memory_space<vmem>>, vector<1x16xf32>,
        %get3A_594 = vector.shape_cast %get3A_593 : vector<1x16xf32> to vector<16xf32>
        %add3A_595 = arith.addf %add3A_584, %get3A_594 : vector<16xf32>
        %add3A_596 = arith.constant 15 : i32
        %add3A_597 = arith.addi %mul3A_143, %add3A_596 : i32
        %get3A_598 = arith.constant 0 : i32
        %get3A_599 = arith.constant 0 : i32
        %get3A_600 = tpu.memref_slice %arg6[%scan3A_118, %get3A_598, %get3A_599] : memref<2x832x64xf32, #tpu.memory_space<vmem>> -> memref<1x832x64xf32, #tpu.memory_space<vmem>>
        %get3A_601 = tpu.memref_squeeze %get3A_600 : memref<1x832x64xf32, #tpu.memory_space<vmem>> -> memref<832x64xf32, #tpu.memory_space<vmem>>
        %get3A_602 = arith.index_cast %add3A_597 : i32 to index
        %get3A_603 = arith.constant 16 : index
        %get3A_604 = tpu.vector_load %get3A_601[%get3A_602, %get3A_603] {strides = array<i32>} : memref<832x64xf32, #tpu.memory_space<vmem>>, vector<1x16xf32>,
        %get3A_605 = vector.shape_cast %get3A_604 : vector<1x16xf32> to vector<16xf32>
        %add3A_606 = arith.addf %add3A_595, %get3A_605 : vector<16xf32>
        %add3A_607 = arith.constant 16 : i32
        %add3A_608 = arith.addi %mul3A_143, %add3A_607 : i32
        %get3A_609 = arith.constant 0 : i32
        %get3A_610 = arith.constant 0 : i32
        %get3A_611 = tpu.memref_slice %arg6[%scan3A_118, %get3A_609, %get3A_610] : memref<2x832x64xf32, #tpu.memory_space<vmem>> -> memref<1x832x64xf32, #tpu.memory_space<vmem>>
        %get3A_612 = tpu.memref_squeeze %get3A_611 : memref<1x832x64xf32, #tpu.memory_space<vmem>> -> memref<832x64xf32, #tpu.memory_space<vmem>>
        %get3A_613 = arith.index_cast %add3A_608 : i32 to index
        %get3A_614 = arith.constant 16 : index
        %get3A_615 = tpu.vector_load %get3A_612[%get3A_613, %get3A_614] {strides = array<i32>} : memref<832x64xf32, #tpu.memory_space<vmem>>, vector<1x16xf32>,
        %get3A_616 = vector.shape_cast %get3A_615 : vector<1x16xf32> to vector<16xf32>
        %add3A_617 = arith.addf %add3A_606, %get3A_616 : vector<16xf32>
        %add3A_618 = arith.constant 17 : i32
        %add3A_619 = arith.addi %mul3A_143, %add3A_618 : i32
        %get3A_620 = arith.constant 0 : i32
        %get3A_621 = arith.constant 0 : i32
        %get3A_622 = tpu.memref_slice %arg6[%scan3A_118, %get3A_620, %get3A_621] : memref<2x832x64xf32, #tpu.memory_space<vmem>> -> memref<1x832x64xf32, #tpu.memory_space<vmem>>
        %get3A_623 = tpu.memref_squeeze %get3A_622 : memref<1x832x64xf32, #tpu.memory_space<vmem>> -> memref<832x64xf32, #tpu.memory_space<vmem>>
        %get3A_624 = arith.index_cast %add3A_619 : i32 to index
        %get3A_625 = arith.constant 16 : index
        %get3A_626 = tpu.vector_load %get3A_623[%get3A_624, %get3A_625] {strides = array<i32>} : memref<832x64xf32, #tpu.memory_space<vmem>>, vector<1x16xf32>,
        %get3A_627 = vector.shape_cast %get3A_626 : vector<1x16xf32> to vector<16xf32>
        %add3A_628 = arith.addf %add3A_617, %get3A_627 : vector<16xf32>
        %add3A_629 = arith.constant 18 : i32
        %add3A_630 = arith.addi %mul3A_143, %add3A_629 : i32
        %get3A_631 = arith.constant 0 : i32
        %get3A_632 = arith.constant 0 : i32
        %get3A_633 = tpu.memref_slice %arg6[%scan3A_118, %get3A_631, %get3A_632] : memref<2x832x64xf32, #tpu.memory_space<vmem>> -> memref<1x832x64xf32, #tpu.memory_space<vmem>>
        %get3A_634 = tpu.memref_squeeze %get3A_633 : memref<1x832x64xf32, #tpu.memory_space<vmem>> -> memref<832x64xf32, #tpu.memory_space<vmem>>
        %get3A_635 = arith.index_cast %add3A_630 : i32 to index
        %get3A_636 = arith.constant 16 : index
        %get3A_637 = tpu.vector_load %get3A_634[%get3A_635, %get3A_636] {strides = array<i32>} : memref<832x64xf32, #tpu.memory_space<vmem>>, vector<1x16xf32>,
        %get3A_638 = vector.shape_cast %get3A_637 : vector<1x16xf32> to vector<16xf32>
        %add3A_639 = arith.addf %add3A_628, %get3A_638 : vector<16xf32>
        %add3A_640 = arith.constant 19 : i32
        %add3A_641 = arith.addi %mul3A_143, %add3A_640 : i32
        %get3A_642 = arith.constant 0 : i32
        %get3A_643 = arith.constant 0 : i32
        %get3A_644 = tpu.memref_slice %arg6[%scan3A_118, %get3A_642, %get3A_643] : memref<2x832x64xf32, #tpu.memory_space<vmem>> -> memref<1x832x64xf32, #tpu.memory_space<vmem>>
        %get3A_645 = tpu.memref_squeeze %get3A_644 : memref<1x832x64xf32, #tpu.memory_space<vmem>> -> memref<832x64xf32, #tpu.memory_space<vmem>>
        %get3A_646 = arith.index_cast %add3A_641 : i32 to index
        %get3A_647 = arith.constant 16 : index
        %get3A_648 = tpu.vector_load %get3A_645[%get3A_646, %get3A_647] {strides = array<i32>} : memref<832x64xf32, #tpu.memory_space<vmem>>, vector<1x16xf32>,
        %get3A_649 = vector.shape_cast %get3A_648 : vector<1x16xf32> to vector<16xf32>
        %add3A_650 = arith.addf %add3A_639, %get3A_649 : vector<16xf32>
        %add3A_651 = arith.constant 20 : i32
        %add3A_652 = arith.addi %mul3A_143, %add3A_651 : i32
        %get3A_653 = arith.constant 0 : i32
        %get3A_654 = arith.constant 0 : i32
        %get3A_655 = tpu.memref_slice %arg6[%scan3A_118, %get3A_653, %get3A_654] : memref<2x832x64xf32, #tpu.memory_space<vmem>> -> memref<1x832x64xf32, #tpu.memory_space<vmem>>
        %get3A_656 = tpu.memref_squeeze %get3A_655 : memref<1x832x64xf32, #tpu.memory_space<vmem>> -> memref<832x64xf32, #tpu.memory_space<vmem>>
        %get3A_657 = arith.index_cast %add3A_652 : i32 to index
        %get3A_658 = arith.constant 16 : index
        %get3A_659 = tpu.vector_load %get3A_656[%get3A_657, %get3A_658] {strides = array<i32>} : memref<832x64xf32, #tpu.memory_space<vmem>>, vector<1x16xf32>,
        %get3A_660 = vector.shape_cast %get3A_659 : vector<1x16xf32> to vector<16xf32>
        %add3A_661 = arith.addf %add3A_650, %get3A_660 : vector<16xf32>
        %add3A_662 = arith.constant 21 : i32
        %add3A_663 = arith.addi %mul3A_143, %add3A_662 : i32
        %get3A_664 = arith.constant 0 : i32
        %get3A_665 = arith.constant 0 : i32
        %get3A_666 = tpu.memref_slice %arg6[%scan3A_118, %get3A_664, %get3A_665] : memref<2x832x64xf32, #tpu.memory_space<vmem>> -> memref<1x832x64xf32, #tpu.memory_space<vmem>>
        %get3A_667 = tpu.memref_squeeze %get3A_666 : memref<1x832x64xf32, #tpu.memory_space<vmem>> -> memref<832x64xf32, #tpu.memory_space<vmem>>
        %get3A_668 = arith.index_cast %add3A_663 : i32 to index
        %get3A_669 = arith.constant 16 : index
        %get3A_670 = tpu.vector_load %get3A_667[%get3A_668, %get3A_669] {strides = array<i32>} : memref<832x64xf32, #tpu.memory_space<vmem>>, vector<1x16xf32>,
        %get3A_671 = vector.shape_cast %get3A_670 : vector<1x16xf32> to vector<16xf32>
        %add3A_672 = arith.addf %add3A_661, %get3A_671 : vector<16xf32>
        %add3A_673 = arith.constant 22 : i32
        %add3A_674 = arith.addi %mul3A_143, %add3A_673 : i32
        %get3A_675 = arith.constant 0 : i32
        %get3A_676 = arith.constant 0 : i32
        %get3A_677 = tpu.memref_slice %arg6[%scan3A_118, %get3A_675, %get3A_676] : memref<2x832x64xf32, #tpu.memory_space<vmem>> -> memref<1x832x64xf32, #tpu.memory_space<vmem>>
        %get3A_678 = tpu.memref_squeeze %get3A_677 : memref<1x832x64xf32, #tpu.memory_space<vmem>> -> memref<832x64xf32, #tpu.memory_space<vmem>>
        %get3A_679 = arith.index_cast %add3A_674 : i32 to index
        %get3A_680 = arith.constant 16 : index
        %get3A_681 = tpu.vector_load %get3A_678[%get3A_679, %get3A_680] {strides = array<i32>} : memref<832x64xf32, #tpu.memory_space<vmem>>, vector<1x16xf32>,
        %get3A_682 = vector.shape_cast %get3A_681 : vector<1x16xf32> to vector<16xf32>
        %add3A_683 = arith.addf %add3A_672, %get3A_682 : vector<16xf32>
        %add3A_684 = arith.constant 23 : i32
        %add3A_685 = arith.addi %mul3A_143, %add3A_684 : i32
        %get3A_686 = arith.constant 0 : i32
        %get3A_687 = arith.constant 0 : i32
        %get3A_688 = tpu.memref_slice %arg6[%scan3A_118, %get3A_686, %get3A_687] : memref<2x832x64xf32, #tpu.memory_space<vmem>> -> memref<1x832x64xf32, #tpu.memory_space<vmem>>
        %get3A_689 = tpu.memref_squeeze %get3A_688 : memref<1x832x64xf32, #tpu.memory_space<vmem>> -> memref<832x64xf32, #tpu.memory_space<vmem>>
        %get3A_690 = arith.index_cast %add3A_685 : i32 to index
        %get3A_691 = arith.constant 16 : index
        %get3A_692 = tpu.vector_load %get3A_689[%get3A_690, %get3A_691] {strides = array<i32>} : memref<832x64xf32, #tpu.memory_space<vmem>>, vector<1x16xf32>,
        %get3A_693 = vector.shape_cast %get3A_692 : vector<1x16xf32> to vector<16xf32>
        %add3A_694 = arith.addf %add3A_683, %get3A_693 : vector<16xf32>
        %add3A_695 = arith.constant 24 : i32
        %add3A_696 = arith.addi %mul3A_143, %add3A_695 : i32
        %get3A_697 = arith.constant 0 : i32
        %get3A_698 = arith.constant 0 : i32
        %get3A_699 = tpu.memref_slice %arg6[%scan3A_118, %get3A_697, %get3A_698] : memref<2x832x64xf32, #tpu.memory_space<vmem>> -> memref<1x832x64xf32, #tpu.memory_space<vmem>>
        %get3A_700 = tpu.memref_squeeze %get3A_699 : memref<1x832x64xf32, #tpu.memory_space<vmem>> -> memref<832x64xf32, #tpu.memory_space<vmem>>
        %get3A_701 = arith.index_cast %add3A_696 : i32 to index
        %get3A_702 = arith.constant 16 : index
        %get3A_703 = tpu.vector_load %get3A_700[%get3A_701, %get3A_702] {strides = array<i32>} : memref<832x64xf32, #tpu.memory_space<vmem>>, vector<1x16xf32>,
        %get3A_704 = vector.shape_cast %get3A_703 : vector<1x16xf32> to vector<16xf32>
        %add3A_705 = arith.addf %add3A_694, %get3A_704 : vector<16xf32>
        %add3A_706 = arith.constant 25 : i32
        %add3A_707 = arith.addi %mul3A_143, %add3A_706 : i32
        %get3A_708 = arith.constant 0 : i32
        %get3A_709 = arith.constant 0 : i32
        %get3A_710 = tpu.memref_slice %arg6[%scan3A_118, %get3A_708, %get3A_709] : memref<2x832x64xf32, #tpu.memory_space<vmem>> -> memref<1x832x64xf32, #tpu.memory_space<vmem>>
        %get3A_711 = tpu.memref_squeeze %get3A_710 : memref<1x832x64xf32, #tpu.memory_space<vmem>> -> memref<832x64xf32, #tpu.memory_space<vmem>>
        %get3A_712 = arith.index_cast %add3A_707 : i32 to index
        %get3A_713 = arith.constant 16 : index
        %get3A_714 = tpu.vector_load %get3A_711[%get3A_712, %get3A_713] {strides = array<i32>} : memref<832x64xf32, #tpu.memory_space<vmem>>, vector<1x16xf32>,
        %get3A_715 = vector.shape_cast %get3A_714 : vector<1x16xf32> to vector<16xf32>
        %add3A_716 = arith.addf %add3A_705, %get3A_715 : vector<16xf32>
        %swap3A_717 = arith.constant 0 : i32
        %swap3A_718 = arith.constant 0 : i32
        %swap3A_719 = tpu.memref_slice %arg7[%scan3A_119, %swap3A_717, %swap3A_718] : memref<2x32x64xf32, #tpu.memory_space<vmem>> -> memref<1x32x64xf32, #tpu.memory_space<vmem>>
        %swap3A_720 = tpu.memref_squeeze %swap3A_719 : memref<1x32x64xf32, #tpu.memory_space<vmem>> -> memref<32x64xf32, #tpu.memory_space<vmem>>
        %swap3A_721 = arith.index_cast %scan3A_141 : i32 to index
        %swap3A_722 = arith.constant 16 : index
        %swap3A_723 = tpu.vector_load %swap3A_720[%swap3A_721, %swap3A_722] {strides = array<i32>} : memref<32x64xf32, #tpu.memory_space<vmem>>, vector<1x16xf32>,
        %swap3A_724 = vector.shape_cast %swap3A_723 : vector<1x16xf32> to vector<16xf32>
        %swap3A_725 = vector.shape_cast %add3A_716 : vector<16xf32> to vector<1x16xf32>
        tpu.vector_store %swap3A_720[%swap3A_721, %swap3A_722], %swap3A_725 {strides = array<i32>} : memref<32x64xf32, #tpu.memory_space<vmem>>, vector<1x16xf32>,
        %get3A_726 = arith.constant 0 : i32
        %get3A_727 = arith.constant 0 : i32
        %get3A_728 = tpu.memref_slice %arg6[%scan3A_118, %get3A_726, %get3A_727] : memref<2x832x64xf32, #tpu.memory_space<vmem>> -> memref<1x832x64xf32, #tpu.memory_space<vmem>>
        %get3A_729 = tpu.memref_squeeze %get3A_728 : memref<1x832x64xf32, #tpu.memory_space<vmem>> -> memref<832x64xf32, #tpu.memory_space<vmem>>
        %get3A_730 = arith.index_cast %mul3A_143 : i32 to index
        %get3A_731 = arith.constant 32 : index
        %get3A_732 = tpu.vector_load %get3A_729[%get3A_730, %get3A_731] {strides = array<i32>} : memref<832x64xf32, #tpu.memory_space<vmem>>, vector<1x16xf32>,
        %get3A_733 = vector.shape_cast %get3A_732 : vector<1x16xf32> to vector<16xf32>
        %add3A_734 = arith.constant 1 : i32
        %add3A_735 = arith.addi %mul3A_143, %add3A_734 : i32
        %get3A_736 = arith.constant 0 : i32
        %get3A_737 = arith.constant 0 : i32
        %get3A_738 = tpu.memref_slice %arg6[%scan3A_118, %get3A_736, %get3A_737] : memref<2x832x64xf32, #tpu.memory_space<vmem>> -> memref<1x832x64xf32, #tpu.memory_space<vmem>>
        %get3A_739 = tpu.memref_squeeze %get3A_738 : memref<1x832x64xf32, #tpu.memory_space<vmem>> -> memref<832x64xf32, #tpu.memory_space<vmem>>
        %get3A_740 = arith.index_cast %add3A_735 : i32 to index
        %get3A_741 = arith.constant 32 : index
        %get3A_742 = tpu.vector_load %get3A_739[%get3A_740, %get3A_741] {strides = array<i32>} : memref<832x64xf32, #tpu.memory_space<vmem>>, vector<1x16xf32>,
        %get3A_743 = vector.shape_cast %get3A_742 : vector<1x16xf32> to vector<16xf32>
        %add3A_744 = arith.addf %get3A_733, %get3A_743 : vector<16xf32>
        %add3A_745 = arith.constant 2 : i32
        %add3A_746 = arith.addi %mul3A_143, %add3A_745 : i32
        %get3A_747 = arith.constant 0 : i32
        %get3A_748 = arith.constant 0 : i32
        %get3A_749 = tpu.memref_slice %arg6[%scan3A_118, %get3A_747, %get3A_748] : memref<2x832x64xf32, #tpu.memory_space<vmem>> -> memref<1x832x64xf32, #tpu.memory_space<vmem>>
        %get3A_750 = tpu.memref_squeeze %get3A_749 : memref<1x832x64xf32, #tpu.memory_space<vmem>> -> memref<832x64xf32, #tpu.memory_space<vmem>>
        %get3A_751 = arith.index_cast %add3A_746 : i32 to index
        %get3A_752 = arith.constant 32 : index
        %get3A_753 = tpu.vector_load %get3A_750[%get3A_751, %get3A_752] {strides = array<i32>} : memref<832x64xf32, #tpu.memory_space<vmem>>, vector<1x16xf32>,
        %get3A_754 = vector.shape_cast %get3A_753 : vector<1x16xf32> to vector<16xf32>
        %add3A_755 = arith.addf %add3A_744, %get3A_754 : vector<16xf32>
        %add3A_756 = arith.constant 3 : i32
        %add3A_757 = arith.addi %mul3A_143, %add3A_756 : i32
        %get3A_758 = arith.constant 0 : i32
        %get3A_759 = arith.constant 0 : i32
        %get3A_760 = tpu.memref_slice %arg6[%scan3A_118, %get3A_758, %get3A_759] : memref<2x832x64xf32, #tpu.memory_space<vmem>> -> memref<1x832x64xf32, #tpu.memory_space<vmem>>
        %get3A_761 = tpu.memref_squeeze %get3A_760 : memref<1x832x64xf32, #tpu.memory_space<vmem>> -> memref<832x64xf32, #tpu.memory_space<vmem>>
        %get3A_762 = arith.index_cast %add3A_757 : i32 to index
        %get3A_763 = arith.constant 32 : index
        %get3A_764 = tpu.vector_load %get3A_761[%get3A_762, %get3A_763] {strides = array<i32>} : memref<832x64xf32, #tpu.memory_space<vmem>>, vector<1x16xf32>,
        %get3A_765 = vector.shape_cast %get3A_764 : vector<1x16xf32> to vector<16xf32>
        %add3A_766 = arith.addf %add3A_755, %get3A_765 : vector<16xf32>
        %add3A_767 = arith.constant 4 : i32
        %add3A_768 = arith.addi %mul3A_143, %add3A_767 : i32
        %get3A_769 = arith.constant 0 : i32
        %get3A_770 = arith.constant 0 : i32
        %get3A_771 = tpu.memref_slice %arg6[%scan3A_118, %get3A_769, %get3A_770] : memref<2x832x64xf32, #tpu.memory_space<vmem>> -> memref<1x832x64xf32, #tpu.memory_space<vmem>>
        %get3A_772 = tpu.memref_squeeze %get3A_771 : memref<1x832x64xf32, #tpu.memory_space<vmem>> -> memref<832x64xf32, #tpu.memory_space<vmem>>
        %get3A_773 = arith.index_cast %add3A_768 : i32 to index
        %get3A_774 = arith.constant 32 : index
        %get3A_775 = tpu.vector_load %get3A_772[%get3A_773, %get3A_774] {strides = array<i32>} : memref<832x64xf32, #tpu.memory_space<vmem>>, vector<1x16xf32>,
        %get3A_776 = vector.shape_cast %get3A_775 : vector<1x16xf32> to vector<16xf32>
        %add3A_777 = arith.addf %add3A_766, %get3A_776 : vector<16xf32>
        %add3A_778 = arith.constant 5 : i32
        %add3A_779 = arith.addi %mul3A_143, %add3A_778 : i32
        %get3A_780 = arith.constant 0 : i32
        %get3A_781 = arith.constant 0 : i32
        %get3A_782 = tpu.memref_slice %arg6[%scan3A_118, %get3A_780, %get3A_781] : memref<2x832x64xf32, #tpu.memory_space<vmem>> -> memref<1x832x64xf32, #tpu.memory_space<vmem>>
        %get3A_783 = tpu.memref_squeeze %get3A_782 : memref<1x832x64xf32, #tpu.memory_space<vmem>> -> memref<832x64xf32, #tpu.memory_space<vmem>>
        %get3A_784 = arith.index_cast %add3A_779 : i32 to index
        %get3A_785 = arith.constant 32 : index
        %get3A_786 = tpu.vector_load %get3A_783[%get3A_784, %get3A_785] {strides = array<i32>} : memref<832x64xf32, #tpu.memory_space<vmem>>, vector<1x16xf32>,
        %get3A_787 = vector.shape_cast %get3A_786 : vector<1x16xf32> to vector<16xf32>
        %add3A_788 = arith.addf %add3A_777, %get3A_787 : vector<16xf32>
        %add3A_789 = arith.constant 6 : i32
        %add3A_790 = arith.addi %mul3A_143, %add3A_789 : i32
        %get3A_791 = arith.constant 0 : i32
        %get3A_792 = arith.constant 0 : i32
        %get3A_793 = tpu.memref_slice %arg6[%scan3A_118, %get3A_791, %get3A_792] : memref<2x832x64xf32, #tpu.memory_space<vmem>> -> memref<1x832x64xf32, #tpu.memory_space<vmem>>
        %get3A_794 = tpu.memref_squeeze %get3A_793 : memref<1x832x64xf32, #tpu.memory_space<vmem>> -> memref<832x64xf32, #tpu.memory_space<vmem>>
        %get3A_795 = arith.index_cast %add3A_790 : i32 to index
        %get3A_796 = arith.constant 32 : index
        %get3A_797 = tpu.vector_load %get3A_794[%get3A_795, %get3A_796] {strides = array<i32>} : memref<832x64xf32, #tpu.memory_space<vmem>>, vector<1x16xf32>,
        %get3A_798 = vector.shape_cast %get3A_797 : vector<1x16xf32> to vector<16xf32>
        %add3A_799 = arith.addf %add3A_788, %get3A_798 : vector<16xf32>
        %add3A_800 = arith.constant 7 : i32
        %add3A_801 = arith.addi %mul3A_143, %add3A_800 : i32
        %get3A_802 = arith.constant 0 : i32
        %get3A_803 = arith.constant 0 : i32
        %get3A_804 = tpu.memref_slice %arg6[%scan3A_118, %get3A_802, %get3A_803] : memref<2x832x64xf32, #tpu.memory_space<vmem>> -> memref<1x832x64xf32, #tpu.memory_space<vmem>>
        %get3A_805 = tpu.memref_squeeze %get3A_804 : memref<1x832x64xf32, #tpu.memory_space<vmem>> -> memref<832x64xf32, #tpu.memory_space<vmem>>
        %get3A_806 = arith.index_cast %add3A_801 : i32 to index
        %get3A_807 = arith.constant 32 : index
        %get3A_808 = tpu.vector_load %get3A_805[%get3A_806, %get3A_807] {strides = array<i32>} : memref<832x64xf32, #tpu.memory_space<vmem>>, vector<1x16xf32>,
        %get3A_809 = vector.shape_cast %get3A_808 : vector<1x16xf32> to vector<16xf32>
        %add3A_810 = arith.addf %add3A_799, %get3A_809 : vector<16xf32>
        %add3A_811 = arith.constant 8 : i32
        %add3A_812 = arith.addi %mul3A_143, %add3A_811 : i32
        %get3A_813 = arith.constant 0 : i32
        %get3A_814 = arith.constant 0 : i32
        %get3A_815 = tpu.memref_slice %arg6[%scan3A_118, %get3A_813, %get3A_814] : memref<2x832x64xf32, #tpu.memory_space<vmem>> -> memref<1x832x64xf32, #tpu.memory_space<vmem>>
        %get3A_816 = tpu.memref_squeeze %get3A_815 : memref<1x832x64xf32, #tpu.memory_space<vmem>> -> memref<832x64xf32, #tpu.memory_space<vmem>>
        %get3A_817 = arith.index_cast %add3A_812 : i32 to index
        %get3A_818 = arith.constant 32 : index
        %get3A_819 = tpu.vector_load %get3A_816[%get3A_817, %get3A_818] {strides = array<i32>} : memref<832x64xf32, #tpu.memory_space<vmem>>, vector<1x16xf32>,
        %get3A_820 = vector.shape_cast %get3A_819 : vector<1x16xf32> to vector<16xf32>
        %add3A_821 = arith.addf %add3A_810, %get3A_820 : vector<16xf32>
        %add3A_822 = arith.constant 9 : i32
        %add3A_823 = arith.addi %mul3A_143, %add3A_822 : i32
        %get3A_824 = arith.constant 0 : i32
        %get3A_825 = arith.constant 0 : i32
        %get3A_826 = tpu.memref_slice %arg6[%scan3A_118, %get3A_824, %get3A_825] : memref<2x832x64xf32, #tpu.memory_space<vmem>> -> memref<1x832x64xf32, #tpu.memory_space<vmem>>
        %get3A_827 = tpu.memref_squeeze %get3A_826 : memref<1x832x64xf32, #tpu.memory_space<vmem>> -> memref<832x64xf32, #tpu.memory_space<vmem>>
        %get3A_828 = arith.index_cast %add3A_823 : i32 to index
        %get3A_829 = arith.constant 32 : index
        %get3A_830 = tpu.vector_load %get3A_827[%get3A_828, %get3A_829] {strides = array<i32>} : memref<832x64xf32, #tpu.memory_space<vmem>>, vector<1x16xf32>,
        %get3A_831 = vector.shape_cast %get3A_830 : vector<1x16xf32> to vector<16xf32>
        %add3A_832 = arith.addf %add3A_821, %get3A_831 : vector<16xf32>
        %add3A_833 = arith.constant 10 : i32
        %add3A_834 = arith.addi %mul3A_143, %add3A_833 : i32
        %get3A_835 = arith.constant 0 : i32
        %get3A_836 = arith.constant 0 : i32
        %get3A_837 = tpu.memref_slice %arg6[%scan3A_118, %get3A_835, %get3A_836] : memref<2x832x64xf32, #tpu.memory_space<vmem>> -> memref<1x832x64xf32, #tpu.memory_space<vmem>>
        %get3A_838 = tpu.memref_squeeze %get3A_837 : memref<1x832x64xf32, #tpu.memory_space<vmem>> -> memref<832x64xf32, #tpu.memory_space<vmem>>
        %get3A_839 = arith.index_cast %add3A_834 : i32 to index
        %get3A_840 = arith.constant 32 : index
        %get3A_841 = tpu.vector_load %get3A_838[%get3A_839, %get3A_840] {strides = array<i32>} : memref<832x64xf32, #tpu.memory_space<vmem>>, vector<1x16xf32>,
        %get3A_842 = vector.shape_cast %get3A_841 : vector<1x16xf32> to vector<16xf32>
        %add3A_843 = arith.addf %add3A_832, %get3A_842 : vector<16xf32>
        %add3A_844 = arith.constant 11 : i32
        %add3A_845 = arith.addi %mul3A_143, %add3A_844 : i32
        %get3A_846 = arith.constant 0 : i32
        %get3A_847 = arith.constant 0 : i32
        %get3A_848 = tpu.memref_slice %arg6[%scan3A_118, %get3A_846, %get3A_847] : memref<2x832x64xf32, #tpu.memory_space<vmem>> -> memref<1x832x64xf32, #tpu.memory_space<vmem>>
        %get3A_849 = tpu.memref_squeeze %get3A_848 : memref<1x832x64xf32, #tpu.memory_space<vmem>> -> memref<832x64xf32, #tpu.memory_space<vmem>>
        %get3A_850 = arith.index_cast %add3A_845 : i32 to index
        %get3A_851 = arith.constant 32 : index
        %get3A_852 = tpu.vector_load %get3A_849[%get3A_850, %get3A_851] {strides = array<i32>} : memref<832x64xf32, #tpu.memory_space<vmem>>, vector<1x16xf32>,
        %get3A_853 = vector.shape_cast %get3A_852 : vector<1x16xf32> to vector<16xf32>
        %add3A_854 = arith.addf %add3A_843, %get3A_853 : vector<16xf32>
        %add3A_855 = arith.constant 12 : i32
        %add3A_856 = arith.addi %mul3A_143, %add3A_855 : i32
        %get3A_857 = arith.constant 0 : i32
        %get3A_858 = arith.constant 0 : i32
        %get3A_859 = tpu.memref_slice %arg6[%scan3A_118, %get3A_857, %get3A_858] : memref<2x832x64xf32, #tpu.memory_space<vmem>> -> memref<1x832x64xf32, #tpu.memory_space<vmem>>
        %get3A_860 = tpu.memref_squeeze %get3A_859 : memref<1x832x64xf32, #tpu.memory_space<vmem>> -> memref<832x64xf32, #tpu.memory_space<vmem>>
        %get3A_861 = arith.index_cast %add3A_856 : i32 to index
        %get3A_862 = arith.constant 32 : index
        %get3A_863 = tpu.vector_load %get3A_860[%get3A_861, %get3A_862] {strides = array<i32>} : memref<832x64xf32, #tpu.memory_space<vmem>>, vector<1x16xf32>,
        %get3A_864 = vector.shape_cast %get3A_863 : vector<1x16xf32> to vector<16xf32>
        %add3A_865 = arith.addf %add3A_854, %get3A_864 : vector<16xf32>
        %add3A_866 = arith.constant 13 : i32
        %add3A_867 = arith.addi %mul3A_143, %add3A_866 : i32
        %get3A_868 = arith.constant 0 : i32
        %get3A_869 = arith.constant 0 : i32
        %get3A_870 = tpu.memref_slice %arg6[%scan3A_118, %get3A_868, %get3A_869] : memref<2x832x64xf32, #tpu.memory_space<vmem>> -> memref<1x832x64xf32, #tpu.memory_space<vmem>>
        %get3A_871 = tpu.memref_squeeze %get3A_870 : memref<1x832x64xf32, #tpu.memory_space<vmem>> -> memref<832x64xf32, #tpu.memory_space<vmem>>
        %get3A_872 = arith.index_cast %add3A_867 : i32 to index
        %get3A_873 = arith.constant 32 : index
        %get3A_874 = tpu.vector_load %get3A_871[%get3A_872, %get3A_873] {strides = array<i32>} : memref<832x64xf32, #tpu.memory_space<vmem>>, vector<1x16xf32>,
        %get3A_875 = vector.shape_cast %get3A_874 : vector<1x16xf32> to vector<16xf32>
        %add3A_876 = arith.addf %add3A_865, %get3A_875 : vector<16xf32>
        %add3A_877 = arith.constant 14 : i32
        %add3A_878 = arith.addi %mul3A_143, %add3A_877 : i32
        %get3A_879 = arith.constant 0 : i32
        %get3A_880 = arith.constant 0 : i32
        %get3A_881 = tpu.memref_slice %arg6[%scan3A_118, %get3A_879, %get3A_880] : memref<2x832x64xf32, #tpu.memory_space<vmem>> -> memref<1x832x64xf32, #tpu.memory_space<vmem>>
        %get3A_882 = tpu.memref_squeeze %get3A_881 : memref<1x832x64xf32, #tpu.memory_space<vmem>> -> memref<832x64xf32, #tpu.memory_space<vmem>>
        %get3A_883 = arith.index_cast %add3A_878 : i32 to index
        %get3A_884 = arith.constant 32 : index
        %get3A_885 = tpu.vector_load %get3A_882[%get3A_883, %get3A_884] {strides = array<i32>} : memref<832x64xf32, #tpu.memory_space<vmem>>, vector<1x16xf32>,
        %get3A_886 = vector.shape_cast %get3A_885 : vector<1x16xf32> to vector<16xf32>
        %add3A_887 = arith.addf %add3A_876, %get3A_886 : vector<16xf32>
        %add3A_888 = arith.constant 15 : i32
        %add3A_889 = arith.addi %mul3A_143, %add3A_888 : i32
        %get3A_890 = arith.constant 0 : i32
        %get3A_891 = arith.constant 0 : i32
        %get3A_892 = tpu.memref_slice %arg6[%scan3A_118, %get3A_890, %get3A_891] : memref<2x832x64xf32, #tpu.memory_space<vmem>> -> memref<1x832x64xf32, #tpu.memory_space<vmem>>
        %get3A_893 = tpu.memref_squeeze %get3A_892 : memref<1x832x64xf32, #tpu.memory_space<vmem>> -> memref<832x64xf32, #tpu.memory_space<vmem>>
        %get3A_894 = arith.index_cast %add3A_889 : i32 to index
        %get3A_895 = arith.constant 32 : index
        %get3A_896 = tpu.vector_load %get3A_893[%get3A_894, %get3A_895] {strides = array<i32>} : memref<832x64xf32, #tpu.memory_space<vmem>>, vector<1x16xf32>,
        %get3A_897 = vector.shape_cast %get3A_896 : vector<1x16xf32> to vector<16xf32>
        %add3A_898 = arith.addf %add3A_887, %get3A_897 : vector<16xf32>
        %add3A_899 = arith.constant 16 : i32
        %add3A_900 = arith.addi %mul3A_143, %add3A_899 : i32
        %get3A_901 = arith.constant 0 : i32
        %get3A_902 = arith.constant 0 : i32
        %get3A_903 = tpu.memref_slice %arg6[%scan3A_118, %get3A_901, %get3A_902] : memref<2x832x64xf32, #tpu.memory_space<vmem>> -> memref<1x832x64xf32, #tpu.memory_space<vmem>>
        %get3A_904 = tpu.memref_squeeze %get3A_903 : memref<1x832x64xf32, #tpu.memory_space<vmem>> -> memref<832x64xf32, #tpu.memory_space<vmem>>
        %get3A_905 = arith.index_cast %add3A_900 : i32 to index
        %get3A_906 = arith.constant 32 : index
        %get3A_907 = tpu.vector_load %get3A_904[%get3A_905, %get3A_906] {strides = array<i32>} : memref<832x64xf32, #tpu.memory_space<vmem>>, vector<1x16xf32>,
        %get3A_908 = vector.shape_cast %get3A_907 : vector<1x16xf32> to vector<16xf32>
        %add3A_909 = arith.addf %add3A_898, %get3A_908 : vector<16xf32>
        %add3A_910 = arith.constant 17 : i32
        %add3A_911 = arith.addi %mul3A_143, %add3A_910 : i32
        %get3A_912 = arith.constant 0 : i32
        %get3A_913 = arith.constant 0 : i32
        %get3A_914 = tpu.memref_slice %arg6[%scan3A_118, %get3A_912, %get3A_913] : memref<2x832x64xf32, #tpu.memory_space<vmem>> -> memref<1x832x64xf32, #tpu.memory_space<vmem>>
        %get3A_915 = tpu.memref_squeeze %get3A_914 : memref<1x832x64xf32, #tpu.memory_space<vmem>> -> memref<832x64xf32, #tpu.memory_space<vmem>>
        %get3A_916 = arith.index_cast %add3A_911 : i32 to index
        %get3A_917 = arith.constant 32 : index
        %get3A_918 = tpu.vector_load %get3A_915[%get3A_916, %get3A_917] {strides = array<i32>} : memref<832x64xf32, #tpu.memory_space<vmem>>, vector<1x16xf32>,
        %get3A_919 = vector.shape_cast %get3A_918 : vector<1x16xf32> to vector<16xf32>
        %add3A_920 = arith.addf %add3A_909, %get3A_919 : vector<16xf32>
        %add3A_921 = arith.constant 18 : i32
        %add3A_922 = arith.addi %mul3A_143, %add3A_921 : i32
        %get3A_923 = arith.constant 0 : i32
        %get3A_924 = arith.constant 0 : i32
        %get3A_925 = tpu.memref_slice %arg6[%scan3A_118, %get3A_923, %get3A_924] : memref<2x832x64xf32, #tpu.memory_space<vmem>> -> memref<1x832x64xf32, #tpu.memory_space<vmem>>
        %get3A_926 = tpu.memref_squeeze %get3A_925 : memref<1x832x64xf32, #tpu.memory_space<vmem>> -> memref<832x64xf32, #tpu.memory_space<vmem>>
        %get3A_927 = arith.index_cast %add3A_922 : i32 to index
        %get3A_928 = arith.constant 32 : index
        %get3A_929 = tpu.vector_load %get3A_926[%get3A_927, %get3A_928] {strides = array<i32>} : memref<832x64xf32, #tpu.memory_space<vmem>>, vector<1x16xf32>,
        %get3A_930 = vector.shape_cast %get3A_929 : vector<1x16xf32> to vector<16xf32>
        %add3A_931 = arith.addf %add3A_920, %get3A_930 : vector<16xf32>
        %add3A_932 = arith.constant 19 : i32
        %add3A_933 = arith.addi %mul3A_143, %add3A_932 : i32
        %get3A_934 = arith.constant 0 : i32
        %get3A_935 = arith.constant 0 : i32
        %get3A_936 = tpu.memref_slice %arg6[%scan3A_118, %get3A_934, %get3A_935] : memref<2x832x64xf32, #tpu.memory_space<vmem>> -> memref<1x832x64xf32, #tpu.memory_space<vmem>>
        %get3A_937 = tpu.memref_squeeze %get3A_936 : memref<1x832x64xf32, #tpu.memory_space<vmem>> -> memref<832x64xf32, #tpu.memory_space<vmem>>
        %get3A_938 = arith.index_cast %add3A_933 : i32 to index
        %get3A_939 = arith.constant 32 : index
        %get3A_940 = tpu.vector_load %get3A_937[%get3A_938, %get3A_939] {strides = array<i32>} : memref<832x64xf32, #tpu.memory_space<vmem>>, vector<1x16xf32>,
        %get3A_941 = vector.shape_cast %get3A_940 : vector<1x16xf32> to vector<16xf32>
        %add3A_942 = arith.addf %add3A_931, %get3A_941 : vector<16xf32>
        %add3A_943 = arith.constant 20 : i32
        %add3A_944 = arith.addi %mul3A_143, %add3A_943 : i32
        %get3A_945 = arith.constant 0 : i32
        %get3A_946 = arith.constant 0 : i32
        %get3A_947 = tpu.memref_slice %arg6[%scan3A_118, %get3A_945, %get3A_946] : memref<2x832x64xf32, #tpu.memory_space<vmem>> -> memref<1x832x64xf32, #tpu.memory_space<vmem>>
        %get3A_948 = tpu.memref_squeeze %get3A_947 : memref<1x832x64xf32, #tpu.memory_space<vmem>> -> memref<832x64xf32, #tpu.memory_space<vmem>>
        %get3A_949 = arith.index_cast %add3A_944 : i32 to index
        %get3A_950 = arith.constant 32 : index
        %get3A_951 = tpu.vector_load %get3A_948[%get3A_949, %get3A_950] {strides = array<i32>} : memref<832x64xf32, #tpu.memory_space<vmem>>, vector<1x16xf32>,
        %get3A_952 = vector.shape_cast %get3A_951 : vector<1x16xf32> to vector<16xf32>
        %add3A_953 = arith.addf %add3A_942, %get3A_952 : vector<16xf32>
        %add3A_954 = arith.constant 21 : i32
        %add3A_955 = arith.addi %mul3A_143, %add3A_954 : i32
        %get3A_956 = arith.constant 0 : i32
        %get3A_957 = arith.constant 0 : i32
        %get3A_958 = tpu.memref_slice %arg6[%scan3A_118, %get3A_956, %get3A_957] : memref<2x832x64xf32, #tpu.memory_space<vmem>> -> memref<1x832x64xf32, #tpu.memory_space<vmem>>
        %get3A_959 = tpu.memref_squeeze %get3A_958 : memref<1x832x64xf32, #tpu.memory_space<vmem>> -> memref<832x64xf32, #tpu.memory_space<vmem>>
        %get3A_960 = arith.index_cast %add3A_955 : i32 to index
        %get3A_961 = arith.constant 32 : index
        %get3A_962 = tpu.vector_load %get3A_959[%get3A_960, %get3A_961] {strides = array<i32>} : memref<832x64xf32, #tpu.memory_space<vmem>>, vector<1x16xf32>,
        %get3A_963 = vector.shape_cast %get3A_962 : vector<1x16xf32> to vector<16xf32>
        %add3A_964 = arith.addf %add3A_953, %get3A_963 : vector<16xf32>
        %add3A_965 = arith.constant 22 : i32
        %add3A_966 = arith.addi %mul3A_143, %add3A_965 : i32
        %get3A_967 = arith.constant 0 : i32
        %get3A_968 = arith.constant 0 : i32
        %get3A_969 = tpu.memref_slice %arg6[%scan3A_118, %get3A_967, %get3A_968] : memref<2x832x64xf32, #tpu.memory_space<vmem>> -> memref<1x832x64xf32, #tpu.memory_space<vmem>>
        %get3A_970 = tpu.memref_squeeze %get3A_969 : memref<1x832x64xf32, #tpu.memory_space<vmem>> -> memref<832x64xf32, #tpu.memory_space<vmem>>
        %get3A_971 = arith.index_cast %add3A_966 : i32 to index
        %get3A_972 = arith.constant 32 : index
        %get3A_973 = tpu.vector_load %get3A_970[%get3A_971, %get3A_972] {strides = array<i32>} : memref<832x64xf32, #tpu.memory_space<vmem>>, vector<1x16xf32>,
        %get3A_974 = vector.shape_cast %get3A_973 : vector<1x16xf32> to vector<16xf32>
        %add3A_975 = arith.addf %add3A_964, %get3A_974 : vector<16xf32>
        %add3A_976 = arith.constant 23 : i32
        %add3A_977 = arith.addi %mul3A_143, %add3A_976 : i32
        %get3A_978 = arith.constant 0 : i32
        %get3A_979 = arith.constant 0 : i32
        %get3A_980 = tpu.memref_slice %arg6[%scan3A_118, %get3A_978, %get3A_979] : memref<2x832x64xf32, #tpu.memory_space<vmem>> -> memref<1x832x64xf32, #tpu.memory_space<vmem>>
        %get3A_981 = tpu.memref_squeeze %get3A_980 : memref<1x832x64xf32, #tpu.memory_space<vmem>> -> memref<832x64xf32, #tpu.memory_space<vmem>>
        %get3A_982 = arith.index_cast %add3A_977 : i32 to index
        %get3A_983 = arith.constant 32 : index
        %get3A_984 = tpu.vector_load %get3A_981[%get3A_982, %get3A_983] {strides = array<i32>} : memref<832x64xf32, #tpu.memory_space<vmem>>, vector<1x16xf32>,
        %get3A_985 = vector.shape_cast %get3A_984 : vector<1x16xf32> to vector<16xf32>
        %add3A_986 = arith.addf %add3A_975, %get3A_985 : vector<16xf32>
        %add3A_987 = arith.constant 24 : i32
        %add3A_988 = arith.addi %mul3A_143, %add3A_987 : i32
        %get3A_989 = arith.constant 0 : i32
        %get3A_990 = arith.constant 0 : i32
        %get3A_991 = tpu.memref_slice %arg6[%scan3A_118, %get3A_989, %get3A_990] : memref<2x832x64xf32, #tpu.memory_space<vmem>> -> memref<1x832x64xf32, #tpu.memory_space<vmem>>
        %get3A_992 = tpu.memref_squeeze %get3A_991 : memref<1x832x64xf32, #tpu.memory_space<vmem>> -> memref<832x64xf32, #tpu.memory_space<vmem>>
        %get3A_993 = arith.index_cast %add3A_988 : i32 to index
        %get3A_994 = arith.constant 32 : index
        %get3A_995 = tpu.vector_load %get3A_992[%get3A_993, %get3A_994] {strides = array<i32>} : memref<832x64xf32, #tpu.memory_space<vmem>>, vector<1x16xf32>,
        %get3A_996 = vector.shape_cast %get3A_995 : vector<1x16xf32> to vector<16xf32>
        %add3A_997 = arith.addf %add3A_986, %get3A_996 : vector<16xf32>
        %add3A_998 = arith.constant 25 : i32
        %add3A_999 = arith.addi %mul3A_143, %add3A_998 : i32
        %get3A_1000 = arith.constant 0 : i32
        %get3A_1001 = arith.constant 0 : i32
        %get3A_1002 = tpu.memref_slice %arg6[%scan3A_118, %get3A_1000, %get3A_1001] : memref<2x832x64xf32, #tpu.memory_space<vmem>> -> memref<1x832x64xf32, #tpu.memory_space<vmem>>
        %get3A_1003 = tpu.memref_squeeze %get3A_1002 : memref<1x832x64xf32, #tpu.memory_space<vmem>> -> memref<832x64xf32, #tpu.memory_space<vmem>>
        %get3A_1004 = arith.index_cast %add3A_999 : i32 to index
        %get3A_1005 = arith.constant 32 : index
        %get3A_1006 = tpu.vector_load %get3A_1003[%get3A_1004, %get3A_1005] {strides = array<i32>} : memref<832x64xf32, #tpu.memory_space<vmem>>, vector<1x16xf32>,
        %get3A_1007 = vector.shape_cast %get3A_1006 : vector<1x16xf32> to vector<16xf32>
        %add3A_1008 = arith.addf %add3A_997, %get3A_1007 : vector<16xf32>
        %swap3A_1009 = arith.constant 0 : i32
        %swap3A_1010 = arith.constant 0 : i32
        %swap3A_1011 = tpu.memref_slice %arg7[%scan3A_119, %swap3A_1009, %swap3A_1010] : memref<2x32x64xf32, #tpu.memory_space<vmem>> -> memref<1x32x64xf32, #tpu.memory_space<vmem>>
        %swap3A_1012 = tpu.memref_squeeze %swap3A_1011 : memref<1x32x64xf32, #tpu.memory_space<vmem>> -> memref<32x64xf32, #tpu.memory_space<vmem>>
        %swap3A_1013 = arith.index_cast %scan3A_141 : i32 to index
        %swap3A_1014 = arith.constant 32 : index
        %swap3A_1015 = tpu.vector_load %swap3A_1012[%swap3A_1013, %swap3A_1014] {strides = array<i32>} : memref<32x64xf32, #tpu.memory_space<vmem>>, vector<1x16xf32>,
        %swap3A_1016 = vector.shape_cast %swap3A_1015 : vector<1x16xf32> to vector<16xf32>
        %swap3A_1017 = vector.shape_cast %add3A_1008 : vector<16xf32> to vector<1x16xf32>
        tpu.vector_store %swap3A_1012[%swap3A_1013, %swap3A_1014], %swap3A_1017 {strides = array<i32>} : memref<32x64xf32, #tpu.memory_space<vmem>>, vector<1x16xf32>,
        %get3A_1018 = arith.constant 0 : i32
        %get3A_1019 = arith.constant 0 : i32
        %get3A_1020 = tpu.memref_slice %arg6[%scan3A_118, %get3A_1018, %get3A_1019] : memref<2x832x64xf32, #tpu.memory_space<vmem>> -> memref<1x832x64xf32, #tpu.memory_space<vmem>>
        %get3A_1021 = tpu.memref_squeeze %get3A_1020 : memref<1x832x64xf32, #tpu.memory_space<vmem>> -> memref<832x64xf32, #tpu.memory_space<vmem>>
        %get3A_1022 = arith.index_cast %mul3A_143 : i32 to index
        %get3A_1023 = arith.constant 48 : index
        %get3A_1024 = tpu.vector_load %get3A_1021[%get3A_1022, %get3A_1023] {strides = array<i32>} : memref<832x64xf32, #tpu.memory_space<vmem>>, vector<1x16xf32>,
        %get3A_1025 = vector.shape_cast %get3A_1024 : vector<1x16xf32> to vector<16xf32>
        %add3A_1026 = arith.constant 1 : i32
        %add3A_1027 = arith.addi %mul3A_143, %add3A_1026 : i32
        %get3A_1028 = arith.constant 0 : i32
        %get3A_1029 = arith.constant 0 : i32
        %get3A_1030 = tpu.memref_slice %arg6[%scan3A_118, %get3A_1028, %get3A_1029] : memref<2x832x64xf32, #tpu.memory_space<vmem>> -> memref<1x832x64xf32, #tpu.memory_space<vmem>>
        %get3A_1031 = tpu.memref_squeeze %get3A_1030 : memref<1x832x64xf32, #tpu.memory_space<vmem>> -> memref<832x64xf32, #tpu.memory_space<vmem>>
        %get3A_1032 = arith.index_cast %add3A_1027 : i32 to index
        %get3A_1033 = arith.constant 48 : index
        %get3A_1034 = tpu.vector_load %get3A_1031[%get3A_1032, %get3A_1033] {strides = array<i32>} : memref<832x64xf32, #tpu.memory_space<vmem>>, vector<1x16xf32>,
        %get3A_1035 = vector.shape_cast %get3A_1034 : vector<1x16xf32> to vector<16xf32>
        %add3A_1036 = arith.addf %get3A_1025, %get3A_1035 : vector<16xf32>
        %add3A_1037 = arith.constant 2 : i32
        %add3A_1038 = arith.addi %mul3A_143, %add3A_1037 : i32
        %get3A_1039 = arith.constant 0 : i32
        %get3A_1040 = arith.constant 0 : i32
        %get3A_1041 = tpu.memref_slice %arg6[%scan3A_118, %get3A_1039, %get3A_1040] : memref<2x832x64xf32, #tpu.memory_space<vmem>> -> memref<1x832x64xf32, #tpu.memory_space<vmem>>
        %get3A_1042 = tpu.memref_squeeze %get3A_1041 : memref<1x832x64xf32, #tpu.memory_space<vmem>> -> memref<832x64xf32, #tpu.memory_space<vmem>>
        %get3A_1043 = arith.index_cast %add3A_1038 : i32 to index
        %get3A_1044 = arith.constant 48 : index
        %get3A_1045 = tpu.vector_load %get3A_1042[%get3A_1043, %get3A_1044] {strides = array<i32>} : memref<832x64xf32, #tpu.memory_space<vmem>>, vector<1x16xf32>,
        %get3A_1046 = vector.shape_cast %get3A_1045 : vector<1x16xf32> to vector<16xf32>
        %add3A_1047 = arith.addf %add3A_1036, %get3A_1046 : vector<16xf32>
        %add3A_1048 = arith.constant 3 : i32
        %add3A_1049 = arith.addi %mul3A_143, %add3A_1048 : i32
        %get3A_1050 = arith.constant 0 : i32
        %get3A_1051 = arith.constant 0 : i32
        %get3A_1052 = tpu.memref_slice %arg6[%scan3A_118, %get3A_1050, %get3A_1051] : memref<2x832x64xf32, #tpu.memory_space<vmem>> -> memref<1x832x64xf32, #tpu.memory_space<vmem>>
        %get3A_1053 = tpu.memref_squeeze %get3A_1052 : memref<1x832x64xf32, #tpu.memory_space<vmem>> -> memref<832x64xf32, #tpu.memory_space<vmem>>
        %get3A_1054 = arith.index_cast %add3A_1049 : i32 to index
        %get3A_1055 = arith.constant 48 : index
        %get3A_1056 = tpu.vector_load %get3A_1053[%get3A_1054, %get3A_1055] {strides = array<i32>} : memref<832x64xf32, #tpu.memory_space<vmem>>, vector<1x16xf32>,
        %get3A_1057 = vector.shape_cast %get3A_1056 : vector<1x16xf32> to vector<16xf32>
        %add3A_1058 = arith.addf %add3A_1047, %get3A_1057 : vector<16xf32>
        %add3A_1059 = arith.constant 4 : i32
        %add3A_1060 = arith.addi %mul3A_143, %add3A_1059 : i32
        %get3A_1061 = arith.constant 0 : i32
        %get3A_1062 = arith.constant 0 : i32
        %get3A_1063 = tpu.memref_slice %arg6[%scan3A_118, %get3A_1061, %get3A_1062] : memref<2x832x64xf32, #tpu.memory_space<vmem>> -> memref<1x832x64xf32, #tpu.memory_space<vmem>>
        %get3A_1064 = tpu.memref_squeeze %get3A_1063 : memref<1x832x64xf32, #tpu.memory_space<vmem>> -> memref<832x64xf32, #tpu.memory_space<vmem>>
        %get3A_1065 = arith.index_cast %add3A_1060 : i32 to index
        %get3A_1066 = arith.constant 48 : index
        %get3A_1067 = tpu.vector_load %get3A_1064[%get3A_1065, %get3A_1066] {strides = array<i32>} : memref<832x64xf32, #tpu.memory_space<vmem>>, vector<1x16xf32>,
        %get3A_1068 = vector.shape_cast %get3A_1067 : vector<1x16xf32> to vector<16xf32>
        %add3A_1069 = arith.addf %add3A_1058, %get3A_1068 : vector<16xf32>
        %add3A_1070 = arith.constant 5 : i32
        %add3A_1071 = arith.addi %mul3A_143, %add3A_1070 : i32
        %get3A_1072 = arith.constant 0 : i32
        %get3A_1073 = arith.constant 0 : i32
        %get3A_1074 = tpu.memref_slice %arg6[%scan3A_118, %get3A_1072, %get3A_1073] : memref<2x832x64xf32, #tpu.memory_space<vmem>> -> memref<1x832x64xf32, #tpu.memory_space<vmem>>
        %get3A_1075 = tpu.memref_squeeze %get3A_1074 : memref<1x832x64xf32, #tpu.memory_space<vmem>> -> memref<832x64xf32, #tpu.memory_space<vmem>>
        %get3A_1076 = arith.index_cast %add3A_1071 : i32 to index
        %get3A_1077 = arith.constant 48 : index
        %get3A_1078 = tpu.vector_load %get3A_1075[%get3A_1076, %get3A_1077] {strides = array<i32>} : memref<832x64xf32, #tpu.memory_space<vmem>>, vector<1x16xf32>,
        %get3A_1079 = vector.shape_cast %get3A_1078 : vector<1x16xf32> to vector<16xf32>
        %add3A_1080 = arith.addf %add3A_1069, %get3A_1079 : vector<16xf32>
        %add3A_1081 = arith.constant 6 : i32
        %add3A_1082 = arith.addi %mul3A_143, %add3A_1081 : i32
        %get3A_1083 = arith.constant 0 : i32
        %get3A_1084 = arith.constant 0 : i32
        %get3A_1085 = tpu.memref_slice %arg6[%scan3A_118, %get3A_1083, %get3A_1084] : memref<2x832x64xf32, #tpu.memory_space<vmem>> -> memref<1x832x64xf32, #tpu.memory_space<vmem>>
        %get3A_1086 = tpu.memref_squeeze %get3A_1085 : memref<1x832x64xf32, #tpu.memory_space<vmem>> -> memref<832x64xf32, #tpu.memory_space<vmem>>
        %get3A_1087 = arith.index_cast %add3A_1082 : i32 to index
        %get3A_1088 = arith.constant 48 : index
        %get3A_1089 = tpu.vector_load %get3A_1086[%get3A_1087, %get3A_1088] {strides = array<i32>} : memref<832x64xf32, #tpu.memory_space<vmem>>, vector<1x16xf32>,
        %get3A_1090 = vector.shape_cast %get3A_1089 : vector<1x16xf32> to vector<16xf32>
        %add3A_1091 = arith.addf %add3A_1080, %get3A_1090 : vector<16xf32>
        %add3A_1092 = arith.constant 7 : i32
        %add3A_1093 = arith.addi %mul3A_143, %add3A_1092 : i32
        %get3A_1094 = arith.constant 0 : i32
        %get3A_1095 = arith.constant 0 : i32
        %get3A_1096 = tpu.memref_slice %arg6[%scan3A_118, %get3A_1094, %get3A_1095] : memref<2x832x64xf32, #tpu.memory_space<vmem>> -> memref<1x832x64xf32, #tpu.memory_space<vmem>>
        %get3A_1097 = tpu.memref_squeeze %get3A_1096 : memref<1x832x64xf32, #tpu.memory_space<vmem>> -> memref<832x64xf32, #tpu.memory_space<vmem>>
        %get3A_1098 = arith.index_cast %add3A_1093 : i32 to index
        %get3A_1099 = arith.constant 48 : index
        %get3A_1100 = tpu.vector_load %get3A_1097[%get3A_1098, %get3A_1099] {strides = array<i32>} : memref<832x64xf32, #tpu.memory_space<vmem>>, vector<1x16xf32>,
        %get3A_1101 = vector.shape_cast %get3A_1100 : vector<1x16xf32> to vector<16xf32>
        %add3A_1102 = arith.addf %add3A_1091, %get3A_1101 : vector<16xf32>
        %add3A_1103 = arith.constant 8 : i32
        %add3A_1104 = arith.addi %mul3A_143, %add3A_1103 : i32
        %get3A_1105 = arith.constant 0 : i32
        %get3A_1106 = arith.constant 0 : i32
        %get3A_1107 = tpu.memref_slice %arg6[%scan3A_118, %get3A_1105, %get3A_1106] : memref<2x832x64xf32, #tpu.memory_space<vmem>> -> memref<1x832x64xf32, #tpu.memory_space<vmem>>
        %get3A_1108 = tpu.memref_squeeze %get3A_1107 : memref<1x832x64xf32, #tpu.memory_space<vmem>> -> memref<832x64xf32, #tpu.memory_space<vmem>>
        %get3A_1109 = arith.index_cast %add3A_1104 : i32 to index
        %get3A_1110 = arith.constant 48 : index
        %get3A_1111 = tpu.vector_load %get3A_1108[%get3A_1109, %get3A_1110] {strides = array<i32>} : memref<832x64xf32, #tpu.memory_space<vmem>>, vector<1x16xf32>,
        %get3A_1112 = vector.shape_cast %get3A_1111 : vector<1x16xf32> to vector<16xf32>
        %add3A_1113 = arith.addf %add3A_1102, %get3A_1112 : vector<16xf32>
        %add3A_1114 = arith.constant 9 : i32
        %add3A_1115 = arith.addi %mul3A_143, %add3A_1114 : i32
        %get3A_1116 = arith.constant 0 : i32
        %get3A_1117 = arith.constant 0 : i32
        %get3A_1118 = tpu.memref_slice %arg6[%scan3A_118, %get3A_1116, %get3A_1117] : memref<2x832x64xf32, #tpu.memory_space<vmem>> -> memref<1x832x64xf32, #tpu.memory_space<vmem>>
        %get3A_1119 = tpu.memref_squeeze %get3A_1118 : memref<1x832x64xf32, #tpu.memory_space<vmem>> -> memref<832x64xf32, #tpu.memory_space<vmem>>
        %get3A_1120 = arith.index_cast %add3A_1115 : i32 to index
        %get3A_1121 = arith.constant 48 : index
        %get3A_1122 = tpu.vector_load %get3A_1119[%get3A_1120, %get3A_1121] {strides = array<i32>} : memref<832x64xf32, #tpu.memory_space<vmem>>, vector<1x16xf32>,
        %get3A_1123 = vector.shape_cast %get3A_1122 : vector<1x16xf32> to vector<16xf32>
        %add3A_1124 = arith.addf %add3A_1113, %get3A_1123 : vector<16xf32>
        %add3A_1125 = arith.constant 10 : i32
        %add3A_1126 = arith.addi %mul3A_143, %add3A_1125 : i32
        %get3A_1127 = arith.constant 0 : i32
        %get3A_1128 = arith.constant 0 : i32
        %get3A_1129 = tpu.memref_slice %arg6[%scan3A_118, %get3A_1127, %get3A_1128] : memref<2x832x64xf32, #tpu.memory_space<vmem>> -> memref<1x832x64xf32, #tpu.memory_space<vmem>>
        %get3A_1130 = tpu.memref_squeeze %get3A_1129 : memref<1x832x64xf32, #tpu.memory_space<vmem>> -> memref<832x64xf32, #tpu.memory_space<vmem>>
        %get3A_1131 = arith.index_cast %add3A_1126 : i32 to index
        %get3A_1132 = arith.constant 48 : index
        %get3A_1133 = tpu.vector_load %get3A_1130[%get3A_1131, %get3A_1132] {strides = array<i32>} : memref<832x64xf32, #tpu.memory_space<vmem>>, vector<1x16xf32>,
        %get3A_1134 = vector.shape_cast %get3A_1133 : vector<1x16xf32> to vector<16xf32>
        %add3A_1135 = arith.addf %add3A_1124, %get3A_1134 : vector<16xf32>
        %add3A_1136 = arith.constant 11 : i32
        %add3A_1137 = arith.addi %mul3A_143, %add3A_1136 : i32
        %get3A_1138 = arith.constant 0 : i32
        %get3A_1139 = arith.constant 0 : i32
        %get3A_1140 = tpu.memref_slice %arg6[%scan3A_118, %get3A_1138, %get3A_1139] : memref<2x832x64xf32, #tpu.memory_space<vmem>> -> memref<1x832x64xf32, #tpu.memory_space<vmem>>
        %get3A_1141 = tpu.memref_squeeze %get3A_1140 : memref<1x832x64xf32, #tpu.memory_space<vmem>> -> memref<832x64xf32, #tpu.memory_space<vmem>>
        %get3A_1142 = arith.index_cast %add3A_1137 : i32 to index
        %get3A_1143 = arith.constant 48 : index
        %get3A_1144 = tpu.vector_load %get3A_1141[%get3A_1142, %get3A_1143] {strides = array<i32>} : memref<832x64xf32, #tpu.memory_space<vmem>>, vector<1x16xf32>,
        %get3A_1145 = vector.shape_cast %get3A_1144 : vector<1x16xf32> to vector<16xf32>
        %add3A_1146 = arith.addf %add3A_1135, %get3A_1145 : vector<16xf32>
        %add3A_1147 = arith.constant 12 : i32
        %add3A_1148 = arith.addi %mul3A_143, %add3A_1147 : i32
        %get3A_1149 = arith.constant 0 : i32
        %get3A_1150 = arith.constant 0 : i32
        %get3A_1151 = tpu.memref_slice %arg6[%scan3A_118, %get3A_1149, %get3A_1150] : memref<2x832x64xf32, #tpu.memory_space<vmem>> -> memref<1x832x64xf32, #tpu.memory_space<vmem>>
        %get3A_1152 = tpu.memref_squeeze %get3A_1151 : memref<1x832x64xf32, #tpu.memory_space<vmem>> -> memref<832x64xf32, #tpu.memory_space<vmem>>
        %get3A_1153 = arith.index_cast %add3A_1148 : i32 to index
        %get3A_1154 = arith.constant 48 : index
        %get3A_1155 = tpu.vector_load %get3A_1152[%get3A_1153, %get3A_1154] {strides = array<i32>} : memref<832x64xf32, #tpu.memory_space<vmem>>, vector<1x16xf32>,
        %get3A_1156 = vector.shape_cast %get3A_1155 : vector<1x16xf32> to vector<16xf32>
        %add3A_1157 = arith.addf %add3A_1146, %get3A_1156 : vector<16xf32>
        %add3A_1158 = arith.constant 13 : i32
        %add3A_1159 = arith.addi %mul3A_143, %add3A_1158 : i32
        %get3A_1160 = arith.constant 0 : i32
        %get3A_1161 = arith.constant 0 : i32
        %get3A_1162 = tpu.memref_slice %arg6[%scan3A_118, %get3A_1160, %get3A_1161] : memref<2x832x64xf32, #tpu.memory_space<vmem>> -> memref<1x832x64xf32, #tpu.memory_space<vmem>>
        %get3A_1163 = tpu.memref_squeeze %get3A_1162 : memref<1x832x64xf32, #tpu.memory_space<vmem>> -> memref<832x64xf32, #tpu.memory_space<vmem>>
        %get3A_1164 = arith.index_cast %add3A_1159 : i32 to index
        %get3A_1165 = arith.constant 48 : index
        %get3A_1166 = tpu.vector_load %get3A_1163[%get3A_1164, %get3A_1165] {strides = array<i32>} : memref<832x64xf32, #tpu.memory_space<vmem>>, vector<1x16xf32>,
        %get3A_1167 = vector.shape_cast %get3A_1166 : vector<1x16xf32> to vector<16xf32>
        %add3A_1168 = arith.addf %add3A_1157, %get3A_1167 : vector<16xf32>
        %add3A_1169 = arith.constant 14 : i32
        %add3A_1170 = arith.addi %mul3A_143, %add3A_1169 : i32
        %get3A_1171 = arith.constant 0 : i32
        %get3A_1172 = arith.constant 0 : i32
        %get3A_1173 = tpu.memref_slice %arg6[%scan3A_118, %get3A_1171, %get3A_1172] : memref<2x832x64xf32, #tpu.memory_space<vmem>> -> memref<1x832x64xf32, #tpu.memory_space<vmem>>
        %get3A_1174 = tpu.memref_squeeze %get3A_1173 : memref<1x832x64xf32, #tpu.memory_space<vmem>> -> memref<832x64xf32, #tpu.memory_space<vmem>>
        %get3A_1175 = arith.index_cast %add3A_1170 : i32 to index
        %get3A_1176 = arith.constant 48 : index
        %get3A_1177 = tpu.vector_load %get3A_1174[%get3A_1175, %get3A_1176] {strides = array<i32>} : memref<832x64xf32, #tpu.memory_space<vmem>>, vector<1x16xf32>,
        %get3A_1178 = vector.shape_cast %get3A_1177 : vector<1x16xf32> to vector<16xf32>
        %add3A_1179 = arith.addf %add3A_1168, %get3A_1178 : vector<16xf32>
        %add3A_1180 = arith.constant 15 : i32
        %add3A_1181 = arith.addi %mul3A_143, %add3A_1180 : i32
        %get3A_1182 = arith.constant 0 : i32
        %get3A_1183 = arith.constant 0 : i32
        %get3A_1184 = tpu.memref_slice %arg6[%scan3A_118, %get3A_1182, %get3A_1183] : memref<2x832x64xf32, #tpu.memory_space<vmem>> -> memref<1x832x64xf32, #tpu.memory_space<vmem>>
        %get3A_1185 = tpu.memref_squeeze %get3A_1184 : memref<1x832x64xf32, #tpu.memory_space<vmem>> -> memref<832x64xf32, #tpu.memory_space<vmem>>
        %get3A_1186 = arith.index_cast %add3A_1181 : i32 to index
        %get3A_1187 = arith.constant 48 : index
        %get3A_1188 = tpu.vector_load %get3A_1185[%get3A_1186, %get3A_1187] {strides = array<i32>} : memref<832x64xf32, #tpu.memory_space<vmem>>, vector<1x16xf32>,
        %get3A_1189 = vector.shape_cast %get3A_1188 : vector<1x16xf32> to vector<16xf32>
        %add3A_1190 = arith.addf %add3A_1179, %get3A_1189 : vector<16xf32>
        %add3A_1191 = arith.constant 16 : i32
        %add3A_1192 = arith.addi %mul3A_143, %add3A_1191 : i32
        %get3A_1193 = arith.constant 0 : i32
        %get3A_1194 = arith.constant 0 : i32
        %get3A_1195 = tpu.memref_slice %arg6[%scan3A_118, %get3A_1193, %get3A_1194] : memref<2x832x64xf32, #tpu.memory_space<vmem>> -> memref<1x832x64xf32, #tpu.memory_space<vmem>>
        %get3A_1196 = tpu.memref_squeeze %get3A_1195 : memref<1x832x64xf32, #tpu.memory_space<vmem>> -> memref<832x64xf32, #tpu.memory_space<vmem>>
        %get3A_1197 = arith.index_cast %add3A_1192 : i32 to index
        %get3A_1198 = arith.constant 48 : index
        %get3A_1199 = tpu.vector_load %get3A_1196[%get3A_1197, %get3A_1198] {strides = array<i32>} : memref<832x64xf32, #tpu.memory_space<vmem>>, vector<1x16xf32>,
        %get3A_1200 = vector.shape_cast %get3A_1199 : vector<1x16xf32> to vector<16xf32>
        %add3A_1201 = arith.addf %add3A_1190, %get3A_1200 : vector<16xf32>
        %add3A_1202 = arith.constant 17 : i32
        %add3A_1203 = arith.addi %mul3A_143, %add3A_1202 : i32
        %get3A_1204 = arith.constant 0 : i32
        %get3A_1205 = arith.constant 0 : i32
        %get3A_1206 = tpu.memref_slice %arg6[%scan3A_118, %get3A_1204, %get3A_1205] : memref<2x832x64xf32, #tpu.memory_space<vmem>> -> memref<1x832x64xf32, #tpu.memory_space<vmem>>
        %get3A_1207 = tpu.memref_squeeze %get3A_1206 : memref<1x832x64xf32, #tpu.memory_space<vmem>> -> memref<832x64xf32, #tpu.memory_space<vmem>>
        %get3A_1208 = arith.index_cast %add3A_1203 : i32 to index
        %get3A_1209 = arith.constant 48 : index
        %get3A_1210 = tpu.vector_load %get3A_1207[%get3A_1208, %get3A_1209] {strides = array<i32>} : memref<832x64xf32, #tpu.memory_space<vmem>>, vector<1x16xf32>,
        %get3A_1211 = vector.shape_cast %get3A_1210 : vector<1x16xf32> to vector<16xf32>
        %add3A_1212 = arith.addf %add3A_1201, %get3A_1211 : vector<16xf32>
        %add3A_1213 = arith.constant 18 : i32
        %add3A_1214 = arith.addi %mul3A_143, %add3A_1213 : i32
        %get3A_1215 = arith.constant 0 : i32
        %get3A_1216 = arith.constant 0 : i32
        %get3A_1217 = tpu.memref_slice %arg6[%scan3A_118, %get3A_1215, %get3A_1216] : memref<2x832x64xf32, #tpu.memory_space<vmem>> -> memref<1x832x64xf32, #tpu.memory_space<vmem>>
        %get3A_1218 = tpu.memref_squeeze %get3A_1217 : memref<1x832x64xf32, #tpu.memory_space<vmem>> -> memref<832x64xf32, #tpu.memory_space<vmem>>
        %get3A_1219 = arith.index_cast %add3A_1214 : i32 to index
        %get3A_1220 = arith.constant 48 : index
        %get3A_1221 = tpu.vector_load %get3A_1218[%get3A_1219, %get3A_1220] {strides = array<i32>} : memref<832x64xf32, #tpu.memory_space<vmem>>, vector<1x16xf32>,
        %get3A_1222 = vector.shape_cast %get3A_1221 : vector<1x16xf32> to vector<16xf32>
        %add3A_1223 = arith.addf %add3A_1212, %get3A_1222 : vector<16xf32>
        %add3A_1224 = arith.constant 19 : i32
        %add3A_1225 = arith.addi %mul3A_143, %add3A_1224 : i32
        %get3A_1226 = arith.constant 0 : i32
        %get3A_1227 = arith.constant 0 : i32
        %get3A_1228 = tpu.memref_slice %arg6[%scan3A_118, %get3A_1226, %get3A_1227] : memref<2x832x64xf32, #tpu.memory_space<vmem>> -> memref<1x832x64xf32, #tpu.memory_space<vmem>>
        %get3A_1229 = tpu.memref_squeeze %get3A_1228 : memref<1x832x64xf32, #tpu.memory_space<vmem>> -> memref<832x64xf32, #tpu.memory_space<vmem>>
        %get3A_1230 = arith.index_cast %add3A_1225 : i32 to index
        %get3A_1231 = arith.constant 48 : index
        %get3A_1232 = tpu.vector_load %get3A_1229[%get3A_1230, %get3A_1231] {strides = array<i32>} : memref<832x64xf32, #tpu.memory_space<vmem>>, vector<1x16xf32>,
        %get3A_1233 = vector.shape_cast %get3A_1232 : vector<1x16xf32> to vector<16xf32>
        %add3A_1234 = arith.addf %add3A_1223, %get3A_1233 : vector<16xf32>
        %add3A_1235 = arith.constant 20 : i32
        %add3A_1236 = arith.addi %mul3A_143, %add3A_1235 : i32
        %get3A_1237 = arith.constant 0 : i32
        %get3A_1238 = arith.constant 0 : i32
        %get3A_1239 = tpu.memref_slice %arg6[%scan3A_118, %get3A_1237, %get3A_1238] : memref<2x832x64xf32, #tpu.memory_space<vmem>> -> memref<1x832x64xf32, #tpu.memory_space<vmem>>
        %get3A_1240 = tpu.memref_squeeze %get3A_1239 : memref<1x832x64xf32, #tpu.memory_space<vmem>> -> memref<832x64xf32, #tpu.memory_space<vmem>>
        %get3A_1241 = arith.index_cast %add3A_1236 : i32 to index
        %get3A_1242 = arith.constant 48 : index
        %get3A_1243 = tpu.vector_load %get3A_1240[%get3A_1241, %get3A_1242] {strides = array<i32>} : memref<832x64xf32, #tpu.memory_space<vmem>>, vector<1x16xf32>,
        %get3A_1244 = vector.shape_cast %get3A_1243 : vector<1x16xf32> to vector<16xf32>
        %add3A_1245 = arith.addf %add3A_1234, %get3A_1244 : vector<16xf32>
        %add3A_1246 = arith.constant 21 : i32
        %add3A_1247 = arith.addi %mul3A_143, %add3A_1246 : i32
        %get3A_1248 = arith.constant 0 : i32
        %get3A_1249 = arith.constant 0 : i32
        %get3A_1250 = tpu.memref_slice %arg6[%scan3A_118, %get3A_1248, %get3A_1249] : memref<2x832x64xf32, #tpu.memory_space<vmem>> -> memref<1x832x64xf32, #tpu.memory_space<vmem>>
        %get3A_1251 = tpu.memref_squeeze %get3A_1250 : memref<1x832x64xf32, #tpu.memory_space<vmem>> -> memref<832x64xf32, #tpu.memory_space<vmem>>
        %get3A_1252 = arith.index_cast %add3A_1247 : i32 to index
        %get3A_1253 = arith.constant 48 : index
        %get3A_1254 = tpu.vector_load %get3A_1251[%get3A_1252, %get3A_1253] {strides = array<i32>} : memref<832x64xf32, #tpu.memory_space<vmem>>, vector<1x16xf32>,
        %get3A_1255 = vector.shape_cast %get3A_1254 : vector<1x16xf32> to vector<16xf32>
        %add3A_1256 = arith.addf %add3A_1245, %get3A_1255 : vector<16xf32>
        %add3A_1257 = arith.constant 22 : i32
        %add3A_1258 = arith.addi %mul3A_143, %add3A_1257 : i32
        %get3A_1259 = arith.constant 0 : i32
        %get3A_1260 = arith.constant 0 : i32
        %get3A_1261 = tpu.memref_slice %arg6[%scan3A_118, %get3A_1259, %get3A_1260] : memref<2x832x64xf32, #tpu.memory_space<vmem>> -> memref<1x832x64xf32, #tpu.memory_space<vmem>>
        %get3A_1262 = tpu.memref_squeeze %get3A_1261 : memref<1x832x64xf32, #tpu.memory_space<vmem>> -> memref<832x64xf32, #tpu.memory_space<vmem>>
        %get3A_1263 = arith.index_cast %add3A_1258 : i32 to index
        %get3A_1264 = arith.constant 48 : index
        %get3A_1265 = tpu.vector_load %get3A_1262[%get3A_1263, %get3A_1264] {strides = array<i32>} : memref<832x64xf32, #tpu.memory_space<vmem>>, vector<1x16xf32>,
        %get3A_1266 = vector.shape_cast %get3A_1265 : vector<1x16xf32> to vector<16xf32>
        %add3A_1267 = arith.addf %add3A_1256, %get3A_1266 : vector<16xf32>
        %add3A_1268 = arith.constant 23 : i32
        %add3A_1269 = arith.addi %mul3A_143, %add3A_1268 : i32
        %get3A_1270 = arith.constant 0 : i32
        %get3A_1271 = arith.constant 0 : i32
        %get3A_1272 = tpu.memref_slice %arg6[%scan3A_118, %get3A_1270, %get3A_1271] : memref<2x832x64xf32, #tpu.memory_space<vmem>> -> memref<1x832x64xf32, #tpu.memory_space<vmem>>
        %get3A_1273 = tpu.memref_squeeze %get3A_1272 : memref<1x832x64xf32, #tpu.memory_space<vmem>> -> memref<832x64xf32, #tpu.memory_space<vmem>>
        %get3A_1274 = arith.index_cast %add3A_1269 : i32 to index
        %get3A_1275 = arith.constant 48 : index
        %get3A_1276 = tpu.vector_load %get3A_1273[%get3A_1274, %get3A_1275] {strides = array<i32>} : memref<832x64xf32, #tpu.memory_space<vmem>>, vector<1x16xf32>,
        %get3A_1277 = vector.shape_cast %get3A_1276 : vector<1x16xf32> to vector<16xf32>
        %add3A_1278 = arith.addf %add3A_1267, %get3A_1277 : vector<16xf32>
        %add3A_1279 = arith.constant 24 : i32
        %add3A_1280 = arith.addi %mul3A_143, %add3A_1279 : i32
        %get3A_1281 = arith.constant 0 : i32
        %get3A_1282 = arith.constant 0 : i32
        %get3A_1283 = tpu.memref_slice %arg6[%scan3A_118, %get3A_1281, %get3A_1282] : memref<2x832x64xf32, #tpu.memory_space<vmem>> -> memref<1x832x64xf32, #tpu.memory_space<vmem>>
        %get3A_1284 = tpu.memref_squeeze %get3A_1283 : memref<1x832x64xf32, #tpu.memory_space<vmem>> -> memref<832x64xf32, #tpu.memory_space<vmem>>
        %get3A_1285 = arith.index_cast %add3A_1280 : i32 to index
        %get3A_1286 = arith.constant 48 : index
        %get3A_1287 = tpu.vector_load %get3A_1284[%get3A_1285, %get3A_1286] {strides = array<i32>} : memref<832x64xf32, #tpu.memory_space<vmem>>, vector<1x16xf32>,
        %get3A_1288 = vector.shape_cast %get3A_1287 : vector<1x16xf32> to vector<16xf32>
        %add3A_1289 = arith.addf %add3A_1278, %get3A_1288 : vector<16xf32>
        %add3A_1290 = arith.constant 25 : i32
        %add3A_1291 = arith.addi %mul3A_143, %add3A_1290 : i32
        %get3A_1292 = arith.constant 0 : i32
        %get3A_1293 = arith.constant 0 : i32
        %get3A_1294 = tpu.memref_slice %arg6[%scan3A_118, %get3A_1292, %get3A_1293] : memref<2x832x64xf32, #tpu.memory_space<vmem>> -> memref<1x832x64xf32, #tpu.memory_space<vmem>>
        %get3A_1295 = tpu.memref_squeeze %get3A_1294 : memref<1x832x64xf32, #tpu.memory_space<vmem>> -> memref<832x64xf32, #tpu.memory_space<vmem>>
        %get3A_1296 = arith.index_cast %add3A_1291 : i32 to index
        %get3A_1297 = arith.constant 48 : index
        %get3A_1298 = tpu.vector_load %get3A_1295[%get3A_1296, %get3A_1297] {strides = array<i32>} : memref<832x64xf32, #tpu.memory_space<vmem>>, vector<1x16xf32>,
        %get3A_1299 = vector.shape_cast %get3A_1298 : vector<1x16xf32> to vector<16xf32>
        %add3A_1300 = arith.addf %add3A_1289, %get3A_1299 : vector<16xf32>
        %swap3A_1301 = arith.constant 0 : i32
        %swap3A_1302 = arith.constant 0 : i32
        %swap3A_1303 = tpu.memref_slice %arg7[%scan3A_119, %swap3A_1301, %swap3A_1302] : memref<2x32x64xf32, #tpu.memory_space<vmem>> -> memref<1x32x64xf32, #tpu.memory_space<vmem>>
        %swap3A_1304 = tpu.memref_squeeze %swap3A_1303 : memref<1x32x64xf32, #tpu.memory_space<vmem>> -> memref<32x64xf32, #tpu.memory_space<vmem>>
        %swap3A_1305 = arith.index_cast %scan3A_141 : i32 to index
        %swap3A_1306 = arith.constant 48 : index
        %swap3A_1307 = tpu.vector_load %swap3A_1304[%swap3A_1305, %swap3A_1306] {strides = array<i32>} : memref<32x64xf32, #tpu.memory_space<vmem>>, vector<1x16xf32>,
        %swap3A_1308 = vector.shape_cast %swap3A_1307 : vector<1x16xf32> to vector<16xf32>
        %swap3A_1309 = vector.shape_cast %add3A_1300 : vector<16xf32> to vector<1x16xf32>
        tpu.vector_store %swap3A_1304[%swap3A_1305, %swap3A_1306], %swap3A_1309 {strides = array<i32>} : memref<32x64xf32, #tpu.memory_space<vmem>>, vector<1x16xf32>,
      }
      %scan3A_124 = arith.constant 32 : i32
      %mul3A_125 = arith.constant 32 : i32
      %mul3A_126 = arith.muli %add3A_94, %mul3A_125 : i32
      %add3A_127 = arith.addi %mul3A_2, %mul3A_126 : i32
      %dma_start3A_128 = arith.constant 1 : i32
      %dma_start3A_129 = arith.constant 0 : i32
      %dma_start3A_130 = arith.constant 0 : i32
      %dma_start3A_131 = tpu.memref_slice %arg7[%dma_start3A_128, %dma_start3A_129, %dma_start3A_130] : memref<2x32x64xf32, #tpu.memory_space<vmem>> -> memref<1x32x64xf32, #tpu.memory_space<vmem>>
      %dma_start3A_132 = tpu.memref_squeeze %dma_start3A_131 : memref<1x32x64xf32, #tpu.memory_space<vmem>> -> memref<32x64xf32, #tpu.memory_space<vmem>>
      %dma_start3A_133 = arith.constant 0 : i32
      %dma_start3A_134 = tpu.memref_slice %arg4[%add3A_127, %dma_start3A_133] : memref<16384x64xf32, #tpu.memory_space<hbm>> -> memref<32x64xf32, #tpu.memory_space<hbm>>
      %dma_start3A_135 = arith.constant 0 : i32
      %dma_start3A_136 = tpu.memref_slice %arg4[%add3A_127, %dma_start3A_135] : memref<16384x64xf32, #tpu.memory_space<hbm>> -> memref<32x64xf32, #tpu.memory_space<hbm>>
      %dma_start3A_137 = arith.constant 0 : i32
      %dma_start3A_138 = arith.constant 0 : i32
      %dma_start3A_139 = tpu.memref_slice %arg7[%dma_start3A_128, %dma_start3A_137, %dma_start3A_138] : memref<2x32x64xf32, #tpu.memory_space<vmem>> -> memref<1x32x64xf32, #tpu.memory_space<vmem>>
      %dma_start3A_140 = tpu.memref_squeeze %dma_start3A_139 : memref<1x32x64xf32, #tpu.memory_space<vmem>> -> memref<32x64xf32, #tpu.memory_space<vmem>>
      tpu.enqueue_dma source(%dma_start3A_140 : memref<32x64xf32, #tpu.memory_space<vmem>>) target(%dma_start3A_136 : memref<32x64xf32, #tpu.memory_space<hbm>>) target_semaphore(%arg11 : memref<!tpu.dma_semaphore, #tpu.memory_space<semaphore_mem>>)
    }
    %scan3A_18 = arith.constant 8 : i32
    %dma_wait3A = arith.constant 0 : i32
    %dma_wait3A_19 = arith.constant 0 : i32
    %dma_wait3A_20 = arith.constant 0 : i32
    %dma_wait3A_21 = tpu.memref_slice %arg7[%dma_wait3A, %dma_wait3A_19, %dma_wait3A_20] : memref<2x32x64xf32, #tpu.memory_space<vmem>> -> memref<1x32x64xf32, #tpu.memory_space<vmem>>
    %dma_wait3A_22 = tpu.memref_squeeze %dma_wait3A_21 : memref<1x32x64xf32, #tpu.memory_space<vmem>> -> memref<32x64xf32, #tpu.memory_space<vmem>>
    %dma_wait3A_23 = arith.constant 0 : i32
    %dma_wait3A_24 = tpu.memref_slice %arg4[%mul3A_2, %dma_wait3A_23] : memref<16384x64xf32, #tpu.memory_space<hbm>> -> memref<32x64xf32, #tpu.memory_space<hbm>>
    %dma_wait3A_25 = arith.constant 0 : i32
    %dma_wait3A_26 = tpu.memref_slice %arg4[%mul3A_2, %dma_wait3A_25] : memref<16384x64xf32, #tpu.memory_space<hbm>> -> memref<32x64xf32, #tpu.memory_space<hbm>>
    %dma_wait3A_27 = arith.constant 0 : i32
    %dma_wait3A_28 = arith.constant 0 : i32
    %dma_wait3A_29 = tpu.memref_slice %arg7[%dma_wait3A, %dma_wait3A_27, %dma_wait3A_28] : memref<2x32x64xf32, #tpu.memory_space<vmem>> -> memref<1x32x64xf32, #tpu.memory_space<vmem>>
    %dma_wait3A_30 = tpu.memref_squeeze %dma_wait3A_29 : memref<1x32x64xf32, #tpu.memory_space<vmem>> -> memref<32x64xf32, #tpu.memory_space<vmem>>
    tpu.wait_dma2 semaphore(%arg10 : memref<!tpu.dma_semaphore, #tpu.memory_space<semaphore_mem>>) src(%dma_wait3A_30 : memref<32x64xf32, #tpu.memory_space<vmem>>) dst(%dma_wait3A_26 : memref<32x64xf32, #tpu.memory_space<hbm>>)
    %dma_wait3A_31 = arith.constant 1 : i32
    %dma_wait3A_32 = arith.constant 0 : i32
    %dma_wait3A_33 = arith.constant 0 : i32
    %dma_wait3A_34 = tpu.memref_slice %arg7[%dma_wait3A_31, %dma_wait3A_32, %dma_wait3A_33] : memref<2x32x64xf32, #tpu.memory_space<vmem>> -> memref<1x32x64xf32, #tpu.memory_space<vmem>>
    %dma_wait3A_35 = tpu.memref_squeeze %dma_wait3A_34 : memref<1x32x64xf32, #tpu.memory_space<vmem>> -> memref<32x64xf32, #tpu.memory_space<vmem>>
    %dma_wait3A_36 = arith.constant 0 : i32
    %dma_wait3A_37 = tpu.memref_slice %arg4[%mul3A_2, %dma_wait3A_36] : memref<16384x64xf32, #tpu.memory_space<hbm>> -> memref<32x64xf32, #tpu.memory_space<hbm>>
    %dma_wait3A_38 = arith.constant 0 : i32
    %dma_wait3A_39 = tpu.memref_slice %arg4[%mul3A_2, %dma_wait3A_38] : memref<16384x64xf32, #tpu.memory_space<hbm>> -> memref<32x64xf32, #tpu.memory_space<hbm>>
    %dma_wait3A_40 = arith.constant 0 : i32
    %dma_wait3A_41 = arith.constant 0 : i32
    %dma_wait3A_42 = tpu.memref_slice %arg7[%dma_wait3A_31, %dma_wait3A_40, %dma_wait3A_41] : memref<2x32x64xf32, #tpu.memory_space<vmem>> -> memref<1x32x64xf32, #tpu.memory_space<vmem>>
    %dma_wait3A_43 = tpu.memref_squeeze %dma_wait3A_42 : memref<1x32x64xf32, #tpu.memory_space<vmem>> -> memref<32x64xf32, #tpu.memory_space<vmem>>
    tpu.wait_dma2 semaphore(%arg11 : memref<!tpu.dma_semaphore, #tpu.memory_space<semaphore_mem>>) src(%dma_wait3A_43 : memref<32x64xf32, #tpu.memory_space<vmem>>) dst(%dma_wait3A_39 : memref<32x64xf32, #tpu.memory_space<hbm>>)
    return
  }
}

module attributes {stable_mosaic.version = 14 : i64} {
  func.func @_transpose_body(%arg0: i32, %arg1: memref<64x32768xf32, #tpu.memory_space<vmem>>, %arg2: memref<32768x128xf32, #tpu.memory_space<vmem>>) attributes {dimension_semantics = [#tpu.dimension_semantics<arbitrary>], iteration_bounds = array<i64: 31>, scalar_prefetch = 0 : i64, scratch_operands = 0 : i64, tpu.core_type = #tpu.core_type<tc>, window_params = [{transform_indices = @transform_0, window_bounds = array<i64: 64, 32768>}, {transform_indices = @transform_1, window_bounds = array<i64: 32768, 128>}]} {
    %iota3A = tpu.iota {dimensions = array<i32: 0>} : vector<64x64xi32>
    %iota3A_0 = tpu.iota {dimensions = array<i32: 1>} : vector<64x64xi32>
    %eq3A = arith.cmpi eq, %iota3A, %iota3A_0 : vector<64x64xi32>
    %jit3A = arith.constant 1.000000e+00 : f32
    %jit3A_1 = arith.constant 0.000000e+00 : f32
    %broadcast_in_dim3A = vector.broadcast %jit3A : f32 to vector<64x64xf32>
    %broadcast_in_dim3A_2 = vector.broadcast %jit3A_1 : f32 to vector<64x64xf32>
    %select_n3A = arith.select %eq3A, %broadcast_in_dim3A, %broadcast_in_dim3A_2 : vector<64x64xi1>, vector<64x64xf32>
    %get3A = arith.constant 0 : index
    %get3A_3 = arith.constant 0 : index
    %get3A_4 = vector.load %arg1[%get3A, %get3A_3] : memref<64x32768xf32, #tpu.memory_space<vmem>>, vector<64x32768xf32>
    %dot_general3A = arith.constant dense<0.000000e+00> : vector<32768x64xf32>
    %dot_general3A_5 = tpu.matmul %get3A_4, %select_n3A, %dot_general3A {dimension_numbers = #tpu.dot_dimension_numbers<[0], [0], [1], [1], [0, 1, 1, 1], [], []>, transpose_lhs_hint = false} : vector<64x32768xf32>, vector<64x64xf32>, vector<32768x64xf32> -> vector<32768x64xf32>
    %swap3A = arith.constant 0 : index
    %swap3A_6 = arith.constant 0 : index
    %swap3A_7 = vector.load %arg2[%swap3A, %swap3A_6] : memref<32768x128xf32, #tpu.memory_space<vmem>>, vector<32768x64xf32>
    tpu.vector_store %arg2[%swap3A, %swap3A_6], %dot_general3A_5 {strides = array<i32>} : memref<32768x128xf32, #tpu.memory_space<vmem>>, vector<32768x64xf32>,
    return
  }
  func.func @transform_0(%arg0: i32) -> (i32, i32) {
    %c0_i32 = arith.constant 0 : i32
    %c0_i32_0 = arith.constant 0 : i32
    return %c0_i32, %arg0 : i32, i32
  }
  func.func @transform_1(%arg0: i32) -> (i32, i32) {
    %c0_i32 = arith.constant 0 : i32
    %c0_i32_0 = arith.constant 0 : i32
    return %arg0, %c0_i32 : i32, i32
  }
}

</mosaic_0001>

<sc_bundles>
// kernel: _encoder_call.4.cloned.1.call-start
scs
__scs_entry_jumppad:
0x0: {  	(pc) =	sbr.rel $0x88, $3  }
0x1: {  	(tag) =	ssettag $0x0;
	lr =	simm.s32 $0x1  }
0x2: {  	[smem:$0x3F9F] =	sst lr;
	_ =	strace $0xD0000000  }
0x3: {  	_ = 	snop  }
0x4: {  	_ = 	snop  }
0x5: {  	_ = 	snop  }
0x6: {  	_ = 	snop  }
0x7: {  	_ = 	snop  }
__scs_overlays_trampoline_lowered:
0x8: {  	[smem:$0x3FAE] =	sst s0  }
0x9: {  	[smem:$0x3FAF] =	sst s1  }
0xa: {  	[smem:$0x3FB0] =	sst s2  }
0xb: {  	[smem:$0x3FB1] =	sst s3  }
0xc: {  	[smem:$0x3FB2] =	sst s4  }
0xd: {  	[smem:$0x3FB3] =	sst s5  }
0xe: {  	[smem:$0x3FB4] =	sst s6  }
0xf: {  	[smem:$0x3FB5] =	sst s7  }
0x10: {  	[smem:$0x3FB6] =	sst s8  }
0x11: {  	[smem:$0x3FB7] =	sst s9;
	s0 =	simm.s32 @!p0 $0x0  }
0x12: {  	s1 =	sld [smem:$0x3F9D];
	s0 =	simm.s32 @p0 $0x1  }
0x13: {  	[smem:$0x3FB8] =	sst s0;
	s0 =	simm.s32 @!p1 $0x0  }
0x14: {  	s2 =	sld [smem:$0x3F9C];
	s0 =	simm.s32 @p1 $0x1  }
0x15: {  	[smem:$0x3FB9] =	sst s0;
	s0 =	simm.s32 @!p2 $0x0  }
0x16: {  	s3 =	sld [smem:$0x3FDB];
	s0 =	simm.s32 @p2 $0x1  }
0x17: {  	s4 =	simm.s32 $0x1BF5;
	[smem:$0x3FBB] =	sst s0  }
0x18: {  	s0 =	sld [smem:$0x3F9E];
	_ =	swait.ge [sflag:s4], $0x0  }
0x19: {  	s7 =	sld [smem:$0x3F9F]  }
0x1a: {  	s8 =	sadd.s32 $0xFFFFE003, lr  }
0x1b: {  	s9 =	sadd.s32 $0xFFFFFEF7, lr;
	s5 =	simm.s32 $0xFFFFFFFF;
	p2 =	slt.u32 s8, $0xFFFFF086  }
0x1c: {  	p1 =	slt.u32 s9, $0xF7A;
	s5 =	simm.s32 @!p2 $0x0  }
0x1d: {  	s5 =	simm.s32 @p1 $0x1;
	p0 =	seq.s32 s7, s2  }
0x1e: {  	s7 =	smul.u32 @!p0 $0xF7A, s2;
	p2 =	seq.s32 @!p0 s5, $0x0  }
0x1f: {  	s9 =	smul.u32 $0xF7A, s1;
	s8 =	simm.s32 @!p0 $0x1BF5;
	p2 =	por !p2, p0  }
0x20: {  	[sflag:s8] =	ssyncset.s32 @!p0 $0xFFFFF086;
	s6 =	sadd.s32 @!p0 s3, s7;
	s7 =	simm.s32 @!p0 $0x108  }
0x21: {  	s3 =	sadd.s32 s3, s9;
	s6 =	sadd.s32 @!p0 $0x88, s6;
	s7 =	simm.s32 @p2 $0x1082  }
0x22: {  	[simem:s7], [sflag:s8] =	dma.local @!p0 [hbm:s6], $0xF7A  }
0x23: {  	s9 =	sor.u32 $0xD0000000, s2;
	s6 =	simm.s32 $0x108;
	_ =	swait.ge @!p0 [sflag:s8], $0x0  }
0x24: {  	s3 =	sadd.s32 $0x88, s3;
	s6 =	simm.s32 @!p1 $0x1082;
	[sflag:s4] =	ssyncset.s32 $0xFFFFF086  }
0x25: {  	[simem:s6], [sflag:s4] =	dma.local [hbm:s3], $0xF7A  }
0x26: {  	[smem:$0x3F9F] =	sst s1;
	(tag) =	ssettag s2;
	_ =	strace s9  }
0x27: {  	s1 =	sld [smem:$0x3FAF]  }
0x28: {  	s2 =	sld [smem:$0x3FB0]  }
0x29: {  	s4 =	sld [smem:$0x3FB2]  }
0x2a: {  	p0 =	seq.s32 s5, $0x0;
	s5 =	sld [smem:$0x3FB3]  }
0x2b: {  	s6 =	sld [smem:$0x3FB4]  }
0x2c: {  	s7 =	sld [smem:$0x3FB5]  }
0x2d: {  	s3 =	simm.s32 $0x108;
	s8 =	sld [smem:$0x3FB6]  }
0x2e: {  	s3 =	simm.s32 @!p0 $0x1082;
	s9 =	sld [smem:$0x3FB7]  }
0x2f: {  	lr =	sadd.s32 s0, s3;
	s0 =	sld [smem:$0x3FAE]  }
0x30: {  	s3 =	sld [smem:$0x3FB1]  }
0x31: {  	[smem:$0x3FBA] =	sst s10  }
0x32: {  	s10 =	sld [smem:$0x3FB8];
	_ =	sdelay $0x3  }
0x33: {  	p0 =	seq.s32 s10, $0x1;
	s10 =	sld [smem:$0x3FBA];
	_ =	sdelay $0x3  }
0x34: {  	[smem:$0x3FBA] =	sst s10  }
0x35: {  	s10 =	sld [smem:$0x3FB9];
	_ =	sdelay $0x3  }
0x36: {  	p1 =	seq.s32 s10, $0x1;
	s10 =	sld [smem:$0x3FBA];
	_ =	sdelay $0x3  }
0x37: {  	[smem:$0x3FBA] =	sst s10  }
0x38: {  	s10 =	sld [smem:$0x3FBB]  }
0x39: {  	_ = 	snop;
	(pc) =	sbr.ind lr, $3  }
0x3a: {  	_ = 	snop  }
0x3b: {  	_ = 	snop  }
0x3c: {  	p2 =	seq.s32 s10, $0x1;
	s10 =	sld [smem:$0x3FBA]  }
0x3d: {  	_ =	shalt  }
0x3e: {  	_ =	shalt  }
0x3f: {  	_ =	shalt  }
0x40: {  	_ =	shalt  }
0x41: {  	_ =	shalt  }
0x42: {  	_ =	shalt  }
0x43: {  	_ =	shalt  }
0x44: {  	_ =	shalt  }
0x45: {  	_ =	shalt  }
0x46: {  	_ =	shalt  }
0x47: {  	_ =	shalt  }
0x48: {  	_ =	shalt  }
0x49: {  	_ =	shalt  }
0x4a: {  	_ =	shalt  }
0x4b: {  	_ =	shalt  }
0x4c: {  	_ =	shalt  }
0x4d: {  	_ =	shalt  }
0x4e: {  	_ =	shalt  }
0x4f: {  	_ =	shalt  }
0x50: {  	_ =	shalt  }
0x51: {  	_ =	shalt  }
0x52: {  	_ =	shalt  }
0x53: {  	_ =	shalt  }
0x54: {  	_ =	shalt  }
0x55: {  	_ =	shalt  }
0x56: {  	_ =	shalt  }
0x57: {  	_ =	shalt  }
0x58: {  	_ =	shalt  }
0x59: {  	_ =	shalt  }
0x5a: {  	_ =	shalt  }
0x5b: {  	_ =	shalt  }
0x5c: {  	_ =	shalt  }
0x5d: {  	_ =	shalt  }
0x5e: {  	_ =	shalt  }
0x5f: {  	_ =	shalt  }
0x60: {  	_ =	shalt  }
0x61: {  	_ =	shalt  }
0x62: {  	_ =	shalt  }
0x63: {  	_ =	shalt  }
0x64: {  	_ =	shalt  }
0x65: {  	_ =	shalt  }
0x66: {  	_ =	shalt  }
0x67: {  	_ =	shalt  }
0x68: {  	_ =	shalt  }
0x69: {  	_ =	shalt  }
0x6a: {  	_ =	shalt  }
0x6b: {  	_ =	shalt  }
0x6c: {  	_ =	shalt  }
0x6d: {  	_ =	shalt  }
0x6e: {  	_ =	shalt  }
0x6f: {  	_ =	shalt  }
0x70: {  	_ =	shalt  }
0x71: {  	_ =	shalt  }
0x72: {  	_ =	shalt  }
0x73: {  	_ =	shalt  }
0x74: {  	_ =	shalt  }
0x75: {  	_ =	shalt  }
0x76: {  	_ =	shalt  }
0x77: {  	_ =	shalt  }
0x78: {  	_ =	shalt  }
0x79: {  	_ =	shalt  }
0x7a: {  	_ =	shalt  }
0x7b: {  	_ =	shalt  }
0x7c: {  	_ =	shalt  }
0x7d: {  	_ =	shalt  }
0x7e: {  	_ =	shalt  }
0x7f: {  	_ =	shalt  }
0x80: {  	_ =	shalt  }
0x81: {  	_ =	shalt  }
0x82: {  	_ =	shalt  }
0x83: {  	_ =	shalt  }
0x84: {  	_ =	shalt  }
0x85: {  	_ =	shalt  }
0x86: {  	_ =	shalt  }
0x87: {  	_ =	shalt  }
.Lfunc_end0:
.L_simem_size_0:
called_computation_lowered:
.L_overlay_start_0:
0x88: {  	s2 =	sld [smem:$0x3FD9]  }
0x89: {  	s3 =	sld [smem:$0x3FFE];
	_ =	sdelay $0x1  }
0x8a: {  	s1 =	srdreg.scid  }
0x8b: {  	s0 =	sand.u32 $0x1, s1  }
0x8c: {  	s17 =	sshll.u32 s0, $0xA;
	s2 =	sadd.s32 s3, s2  }
0x8d: {  	s2 =	sadd.s32 s2, s17  }
0x8e: {  	[smem:$0x3FC6] =	sst s2  }
0x8f: {  	_ = 	snop  }
0x90: {  	s2 =	sld [smem:$0x3FC9]  }
0x91: {  	s18 =	sld [smem:$0x3FD0];
	(tm) =	ssettm $0x1  }
0x92: {  	s4 =	sld [smem:$0x3FFB];
	_ =	sdelay $0x3  }
0x93: {  	_ =	strace s4  }
0x94: {  	s4 =	sld [smem:$0x3FFC];
	_ =	sdelay $0x3  }
0x95: {  	_ =	strace s4  }
0x96: {  	s4 =	sld [smem:$0x3FFD];
	_ =	sdelay $0x3  }
0x97: {  	_ =	strace s4  }
0x98: {  	_ =	strace $0x8FFFFFFF  }
0x99: {  	s19 =	sld [smem:$0x3FDB];
	_ =	sdelay $0x1  }
0x9a: {  	s5 =	simm.s32 $_scs_section_size  }
0x9b: {  	s6 =	simm.s32 $_size__tile_overlayer_lowered;
	s7 =	simm.s32 $_tile_overlayer_lowered  }
0x9c: {  	s22 =	simm.s32 $0x1BFF;
	s21 =	sshll.u32 s7, $0x1;
	s4 =	sadd.s32 s5, s19  }
0x9d: {  	s8 =	simm.s32 $0x0;
	s20 =	sshll.u32 s6, $0x1;
	s6 =	sadd.s32 s21, s4  }
0x9e: {  	[timem:s8], [sflag:s22] =	dma.local [hbm:s6], s20  }
0x9f: {  	_ =	swait.ge [sflag:s22], s20  }
0xa0: {  	s5 =	ssub.s32 $0x0, s20;
	[sflag:s22] =	ssyncset.done $0x0  }
0xa1: {  	[sflag:s22] =	ssyncadd.s32 s5;
	_ =	sdelay $0x1  }
0xa2: {  	s23 =	simm.s32 $0x1B8B  }
0xa3: {  	_ =	swait.ge [sflag:s23], $0x1  }
0xa4: {  	[sflag:s23] =	ssyncset.done $0x0  }
0xa5: {  	s25 =	simm.s32 $0x1B8E;
	s24 =	sld [smem:$0x3FFE];
	[sflag:s23] =	ssyncadd.s32 $0xFFFFFFFF  }
0xa6: {  	s26 =	simm.s32 $execute0_lowered;
	[smem:$0x3FD2] =	sst s25  }
0xa7: {  	s6 =	sshll.u32 s26, $0x1;
	_ =	strace $0x80000046;
	[dreg:$0x1] =	wrdreg $0xFFFFFFFF  }
0xa8: {  	s28 =	simm.s32 $_size_execute0_lowered;
	s4 =	sadd.s32 s4, s6;
	[dreg:$0x0] =	wrdreg $0x0  }
0xa9: {  	s6 =	sshll.u32 s28, $0x1;
	[dreg:$0x2] =	wrdreg s4  }
0xaa: {  	[dreg:$0x3] =	wrdreg s6  }
0xab: {  	[dreg:$0x4] =	wrdreg $0xC0  }
0xac: {  	_ =	task [dreg:s8], $0x5FFFF  }
0xad: {  	[dreg:$0x1] =	wrdreg $0xFFFFFFFF  }
0xae: {  	[dreg:$0x0] =	wrdreg $0x60  }
0xaf: {  	[dreg:$0x2] =	wrdreg s2  }
0xb0: {  	[dreg:$0x3] =	wrdreg s24  }
0xb1: {  	[dreg:$0x4] =	wrdreg s18  }
0xb2: {  	[dreg:$0x5] =	wrdreg $0x9  }
0xb3: {  	_ =	task.clear_ibuf [dreg:s8], $0x6FFFF;
	_ =	strace $0x90000046  }
0xb4: {  	s29 =	simm.s32 $0x9;
	_ =	strace $0x80000048  }
0xb5: {  	_ =	swait.ge [sflag:s29], $0x1  }
0xb6: {  	[sflag:s29] =	ssyncadd.s32 $0xFFFFFFFF  }
0xb7: {  	_ =	strace $0x90000048  }
0xb8: {  	_ =	sfence  }
0xb9: {  	s30 =	sld [smem:$0x0];
	_ =	sdelay $0x2  }
0xba: {  	s31 =	sshll.u32 s1, $0xD;
	s1 =	sshrl.u32 s1, $0x2  }
0xbb: {  	s3 =	sand.u32 $0x4000, s31;
	s1 =	sadd.s32 s1, s30  }
0xbc: {  	s0 =	sor.u32 s3, s0;
	s1 =	sshll.u32 s1, $0x11  }
0xbd: {  	s0 =	sor.u32 s1, s0  }
0xbe: {  	s0 =	sadd.s32 $0x8F2B, s0  }
0xbf: {  	[sflag:s0] =	ssyncadd.remote.s32 $0x1  }
0xc0: {  	_ =	sfence.sel $0xFFFF  }
0xc1: {  	[dreg:$0x0] =	wrdreg $0xFFFFFFFF;
	(pc) =	sbr.abs _section_cstart, $3  }
0xc2: {  	[dreg:$0x1] =	wrdreg $0xFFFFFFFF  }
0xc3: {  	_ =	task.clear_ibuf [dreg:s8], $0x2FFFF;
	_ =	strace $0x9FFFFFFF  }
0xc4: {  	(tm) =	ssettm $0x7FFFFFFF  }
0xc5: {  	_ =	shalt  }
tec
execute0_lowered:
.L_overlay_start_1:
0x0: {  	(tag) =	ssettag $0x1  }
0x1: {  	s4 =	rddreg [dreg:$0x0]  }
0x2: {  	s3 =	rddreg [dreg:$0x1]  }
0x3: {  	s5 =	rddreg [dreg:$0x2]  }
0x4: {  	s0 =	rddreg [dreg:$0x3];
	s6 =	srdreg.scid  }
0x5: {  	s1 =	stileid.u32;
	s2 =	simm.s32 $0x0;
	s10 =	simm.s32 $0x10400  }
0x6: {  	s11 =	simm.s32 $0x1;
	s12 =	simm.s32 $0x1D400;
	s13 =	simm.s32 $0x2  }
0x7: {  	s14 =	simm.s32 $0x4;
	s15 =	simm.s32 $0x1DC00;
	s16 =	simm.s32 $0x3  }
0x8: {  	s17 =	simm.s32 $0x0;
	s6 =	sand.u32 $0x1, s6;
	s7 =	sshll.u32 s1, $0x1  }
0x9: {  	[smem:$0x7FF] =	sst s2;
	s7 =	sor.u32 s6, s7;
	s6 =	ssub.s32 $0x2, s6  }
0xa: {  	s3 =	sadd.s32 $0x400, s3;
	_ =	strace $0x80000047;
	s9 =	sshrl.u32 s6, $0x1  }
0xb: {  	s8 =	smul.u32 $0x680, s7;
	s7 =	sshll.u32 s7, $0xC;
	s6 =	ssub.s32 s6, s9  }
0xc: {  	s5 =	sadd.s32 s5, s7;
	s7 =	simm.s32 $0x5;
	s9 =	simm.s32 $0x3400  }
0xd: {  	s4 =	sadd.s32 s4, s8;
	s6 =	smax.u32 s6, $0x1;
	s8 =	simm.s32 $0x340  }
.LBB2_1:
0xe: {  	[tilespmem:s2], [sflag:$0x5] =	stream.linear.gather [hbm4b:s4+s2], $0x3400, $0x38;
	[tilespmem:$0x1E400] =	vst v63  }
0xf: {  	_ =	swait.ge [sflag:s7], $0x3400  }
0x10: {  	[sflag:s7] =	ssyncset.done $0x0  }
0x11: {  	s18 =	simm.s32 $0x0;
	[sflag:s7] =	ssyncadd.s32 $0xFFFFCC00  }
0x12: {  	[tilespmem:s9], [sflag:$0x1] =	stream.indirect.gather [hbm4b:s3+s8], $0x40, s2, s8, $0xb8;
	[tilespmem:$0x1E400] =	vst v63  }
.LBB2_2:
0x13: {  	s19 =	sshllo.u32 s18, $0x1  }
0x14: {  	s20 =	smul.u32 $0xD00, s19;
	_ =	sdelay $0x1  }
0x15: {  	s20 =	sshra.s32 s20, $0x2  }
0x16: {  	[tilespmem:s10], [sflag:$0x2] =	stream.indirect.gather [hbm4b:s3+s8], $0x40, s20, s8, $0xb8;
	[tilespmem:$0x1E400] =	vst v63  }
0x17: {  	_ =	swait.ge [sflag:s11], $0xD000  }
0x18: {  	p0 =	seq.s32 s18, $0x0;
	[sflag:s11] =	ssyncset.done $0x0  }
0x19: {  	s20 =	simm.s32 @!p0 $0x3;
	[sflag:s11] =	ssyncadd.s32 $0xFFFF3000  }
0x1a: {  	_ =	swait.ge @!p0 [sflag:s20], $0x800  }
0x1b: {  	[sflag:s20] =	ssyncset.done @!p0 $0x0  }
0x1c: {  	[sflag:s20] =	ssyncadd.s32 @!p0 $0xFFFFF800;
	s20 =	simm.s32 $0x3740  }
0x1d: {  	v0 =	vld [tilespmem:s20+$0xFFFFFD00]  }
0x1e: {  	v1 =	vld [tilespmem:s20+$0xFFFFFCC0];
	_ =	sdelay $0x1  }
0x1f: {  	v2 =	vld [tilespmem:s20+$0xFFFFFD40];
	_ =	sdelay $0x1  }
0x20: {  	v3 =	vld [tilespmem:s20+$0xFFFFFD80]  }
0x21: {  	v0 =	vadd.f32 v0, v1  }
0x22: {  	v1 =	vld [tilespmem:s20+$0xFFFFFDC0]  }
0x23: {  	v0 =	vadd.f32 v2, v0  }
0x24: {  	v2 =	vld [tilespmem:s20+$0xFFFFFE00]  }
0x25: {  	v0 =	vadd.f32 v3, v0  }
0x26: {  	v3 =	vld [tilespmem:s20+$0xFFFFFE40]  }
0x27: {  	v0 =	vadd.f32 v1, v0  }
0x28: {  	v1 =	vld [tilespmem:s20+$0xFFFFFE80]  }
0x29: {  	v0 =	vadd.f32 v2, v0  }
0x2a: {  	v2 =	vld [tilespmem:s20+$0xFFFFFEC0]  }
0x2b: {  	v0 =	vadd.f32 v3, v0  }
0x2c: {  	v3 =	vld [tilespmem:s20+$0xFFFFFF00]  }
0x2d: {  	v0 =	vadd.f32 v1, v0  }
0x2e: {  	v1 =	vld [tilespmem:s20+$0xFFFFFF40]  }
0x2f: {  	v0 =	vadd.f32 v2, v0  }
0x30: {  	v2 =	vld [tilespmem:s20+$0xFFFFFF80]  }
0x31: {  	v0 =	vadd.f32 v3, v0  }
0x32: {  	v3 =	vld [tilespmem:s20+$0xFFFFFFC0]  }
0x33: {  	v0 =	vadd.f32 v1, v0  }
0x34: {  	v1 =	vld [tilespmem:s20+$0x0]  }
0x35: {  	v0 =	vadd.f32 v2, v0  }
0x36: {  	v2 =	vld [tilespmem:s20+$0x40]  }
0x37: {  	v0 =	vadd.f32 v3, v0  }
0x38: {  	v3 =	vld [tilespmem:s20+$0x80]  }
0x39: {  	v0 =	vadd.f32 v1, v0  }
0x3a: {  	v1 =	vld [tilespmem:s20+$0xC0]  }
0x3b: {  	v0 =	vadd.f32 v2, v0  }
0x3c: {  	v2 =	vld [tilespmem:s20+$0x100]  }
0x3d: {  	v0 =	vadd.f32 v3, v0  }
0x3e: {  	v3 =	vld [tilespmem:s20+$0x140]  }
0x3f: {  	v0 =	vadd.f32 v1, v0  }
0x40: {  	v1 =	vld [tilespmem:s20+$0x180]  }
0x41: {  	v0 =	vadd.f32 v2, v0  }
0x42: {  	v2 =	vld [tilespmem:s20+$0x1C0]  }
0x43: {  	v0 =	vadd.f32 v3, v0  }
0x44: {  	v3 =	vld [tilespmem:s20+$0x200]  }
0x45: {  	v0 =	vadd.f32 v1, v0  }
0x46: {  	v1 =	vld [tilespmem:s20+$0x240]  }
0x47: {  	v0 =	vadd.f32 v2, v0  }
0x48: {  	v2 =	vld [tilespmem:s20+$0x280]  }
0x49: {  	v0 =	vadd.f32 v3, v0  }
0x4a: {  	v3 =	vld [tilespmem:s20+$0x2C0]  }
0x4b: {  	v0 =	vadd.f32 v1, v0  }
0x4c: {  	v1 =	vld [tilespmem:s20+$0x300]  }
0x4d: {  	v0 =	vadd.f32 v2, v0;
	_ =	sdelay $0x1  }
0x4e: {  	v0 =	vadd.f32 v3, v0;
	_ =	sdelay $0x1  }
0x4f: {  	v0 =	vadd.f32 v1, v0  }
0x50: {  	s21 =	simm.s32 $0x0  }
0x51: {  	[tilespmem:s21+$0x1D400] =	vst v0  }
0x52: {  	v0 =	vld [tilespmem:s20+$0xFFFFFCD0]  }
0x53: {  	v1 =	vld [tilespmem:s20+$0xFFFFFD10];
	_ =	sdelay $0x1  }
0x54: {  	v2 =	vld [tilespmem:s20+$0xFFFFFD50];
	_ =	sdelay $0x1  }
0x55: {  	v3 =	vld [tilespmem:s20+$0xFFFFFD90]  }
0x56: {  	v0 =	vadd.f32 v1, v0  }
0x57: {  	v1 =	vld [tilespmem:s20+$0xFFFFFDD0]  }
0x58: {  	v0 =	vadd.f32 v2, v0  }
0x59: {  	v2 =	vld [tilespmem:s20+$0xFFFFFE10]  }
0x5a: {  	v0 =	vadd.f32 v3, v0  }
0x5b: {  	v3 =	vld [tilespmem:s20+$0xFFFFFE50]  }
0x5c: {  	v0 =	vadd.f32 v1, v0  }
0x5d: {  	v1 =	vld [tilespmem:s20+$0xFFFFFE90]  }
0x5e: {  	v0 =	vadd.f32 v2, v0  }
0x5f: {  	v2 =	vld [tilespmem:s20+$0xFFFFFED0]  }
0x60: {  	v0 =	vadd.f32 v3, v0  }
0x61: {  	v3 =	vld [tilespmem:s20+$0xFFFFFF10]  }
0x62: {  	v0 =	vadd.f32 v1, v0  }
0x63: {  	v1 =	vld [tilespmem:s20+$0xFFFFFF50]  }
0x64: {  	v0 =	vadd.f32 v2, v0  }
0x65: {  	v2 =	vld [tilespmem:s20+$0xFFFFFF90]  }
0x66: {  	v0 =	vadd.f32 v3, v0  }
0x67: {  	v3 =	vld [tilespmem:s20+$0xFFFFFFD0]  }
0x68: {  	v0 =	vadd.f32 v1, v0  }
0x69: {  	v1 =	vld [tilespmem:s20+$0x10]  }
0x6a: {  	v0 =	vadd.f32 v2, v0  }
0x6b: {  	v2 =	vld [tilespmem:s20+$0x50]  }
0x6c: {  	v0 =	vadd.f32 v3, v0  }
0x6d: {  	v3 =	vld [tilespmem:s20+$0x90]  }
0x6e: {  	v0 =	vadd.f32 v1, v0  }
0x6f: {  	v1 =	vld [tilespmem:s20+$0xD0]  }
0x70: {  	v0 =	vadd.f32 v2, v0  }
0x71: {  	v2 =	vld [tilespmem:s20+$0x110]  }
0x72: {  	v0 =	vadd.f32 v3, v0  }
0x73: {  	v3 =	vld [tilespmem:s20+$0x150]  }
0x74: {  	v0 =	vadd.f32 v1, v0  }
0x75: {  	v1 =	vld [tilespmem:s20+$0x190]  }
0x76: {  	v0 =	vadd.f32 v2, v0  }
0x77: {  	v2 =	vld [tilespmem:s20+$0x1D0]  }
0x78: {  	v0 =	vadd.f32 v3, v0  }
0x79: {  	v3 =	vld [tilespmem:s20+$0x210]  }
0x7a: {  	v0 =	vadd.f32 v1, v0  }
0x7b: {  	v1 =	vld [tilespmem:s20+$0x250]  }
0x7c: {  	v0 =	vadd.f32 v2, v0  }
0x7d: {  	v2 =	vld [tilespmem:s20+$0x290]  }
0x7e: {  	v0 =	vadd.f32 v3, v0  }
0x7f: {  	v3 =	vld [tilespmem:s20+$0x2D0]  }
0x80: {  	v0 =	vadd.f32 v1, v0  }
0x81: {  	v1 =	vld [tilespmem:s20+$0x310]  }
0x82: {  	v0 =	vadd.f32 v2, v0;
	_ =	sdelay $0x1  }
0x83: {  	v0 =	vadd.f32 v3, v0;
	_ =	sdelay $0x1  }
0x84: {  	v0 =	vadd.f32 v1, v0;
	_ =	sdelay $0x1  }
0x85: {  	[tilespmem:s21+$0x1D410] =	vst v0  }
0x86: {  	v0 =	vld [tilespmem:s20+$0xFFFFFCE0]  }
0x87: {  	v1 =	vld [tilespmem:s20+$0xFFFFFD20];
	_ =	sdelay $0x1  }
0x88: {  	v2 =	vld [tilespmem:s20+$0xFFFFFD60];
	_ =	sdelay $0x1  }
0x89: {  	v3 =	vld [tilespmem:s20+$0xFFFFFDA0]  }
0x8a: {  	v0 =	vadd.f32 v1, v0  }
0x8b: {  	v1 =	vld [tilespmem:s20+$0xFFFFFDE0]  }
0x8c: {  	v0 =	vadd.f32 v2, v0  }
0x8d: {  	v2 =	vld [tilespmem:s20+$0xFFFFFE20]  }
0x8e: {  	v0 =	vadd.f32 v3, v0  }
0x8f: {  	v3 =	vld [tilespmem:s20+$0xFFFFFE60]  }
0x90: {  	v0 =	vadd.f32 v1, v0  }
0x91: {  	v1 =	vld [tilespmem:s20+$0xFFFFFEA0]  }
0x92: {  	v0 =	vadd.f32 v2, v0  }
0x93: {  	v2 =	vld [tilespmem:s20+$0xFFFFFEE0]  }
0x94: {  	v0 =	vadd.f32 v3, v0  }
0x95: {  	v3 =	vld [tilespmem:s20+$0xFFFFFF20]  }
0x96: {  	v0 =	vadd.f32 v1, v0  }
0x97: {  	v1 =	vld [tilespmem:s20+$0xFFFFFF60]  }
0x98: {  	v0 =	vadd.f32 v2, v0  }
0x99: {  	v2 =	vld [tilespmem:s20+$0xFFFFFFA0]  }
0x9a: {  	v0 =	vadd.f32 v3, v0  }
0x9b: {  	v3 =	vld [tilespmem:s20+$0xFFFFFFE0]  }
0x9c: {  	v0 =	vadd.f32 v1, v0  }
0x9d: {  	v1 =	vld [tilespmem:s20+$0x20]  }
0x9e: {  	v0 =	vadd.f32 v2, v0  }
0x9f: {  	v2 =	vld [tilespmem:s20+$0x60]  }
0xa0: {  	v0 =	vadd.f32 v3, v0  }
0xa1: {  	v3 =	vld [tilespmem:s20+$0xA0]  }
0xa2: {  	v0 =	vadd.f32 v1, v0  }
0xa3: {  	v1 =	vld [tilespmem:s20+$0xE0]  }
0xa4: {  	v0 =	vadd.f32 v2, v0  }
0xa5: {  	v2 =	vld [tilespmem:s20+$0x120]  }
0xa6: {  	v0 =	vadd.f32 v3, v0  }
0xa7: {  	v3 =	vld [tilespmem:s20+$0x160]  }
0xa8: {  	v0 =	vadd.f32 v1, v0  }
0xa9: {  	v1 =	vld [tilespmem:s20+$0x1A0]  }
0xaa: {  	v0 =	vadd.f32 v2, v0  }
0xab: {  	v2 =	vld [tilespmem:s20+$0x1E0]  }
0xac: {  	v0 =	vadd.f32 v3, v0  }
0xad: {  	v3 =	vld [tilespmem:s20+$0x220]  }
0xae: {  	v0 =	vadd.f32 v1, v0  }
0xaf: {  	v1 =	vld [tilespmem:s20+$0x260]  }
0xb0: {  	v0 =	vadd.f32 v2, v0  }
0xb1: {  	v2 =	vld [tilespmem:s20+$0x2A0]  }
0xb2: {  	v0 =	vadd.f32 v3, v0  }
0xb3: {  	v3 =	vld [tilespmem:s20+$0x2E0]  }
0xb4: {  	v0 =	vadd.f32 v1, v0  }
0xb5: {  	v1 =	vld [tilespmem:s20+$0x320]  }
0xb6: {  	v0 =	vadd.f32 v2, v0;
	_ =	sdelay $0x1  }
0xb7: {  	v0 =	vadd.f32 v3, v0;
	_ =	sdelay $0x1  }
0xb8: {  	v0 =	vadd.f32 v1, v0;
	_ =	sdelay $0x1  }
0xb9: {  	[tilespmem:s21+$0x1D420] =	vst v0  }
0xba: {  	v0 =	vld [tilespmem:s20+$0xFFFFFCF0]  }
0xbb: {  	v1 =	vld [tilespmem:s20+$0xFFFFFD30];
	_ =	sdelay $0x1  }
0xbc: {  	v2 =	vld [tilespmem:s20+$0xFFFFFD70];
	_ =	sdelay $0x1  }
0xbd: {  	v3 =	vld [tilespmem:s20+$0xFFFFFDB0]  }
0xbe: {  	v0 =	vadd.f32 v1, v0  }
0xbf: {  	v1 =	vld [tilespmem:s20+$0xFFFFFDF0]  }
0xc0: {  	v0 =	vadd.f32 v2, v0  }
0xc1: {  	v2 =	vld [tilespmem:s20+$0xFFFFFE30]  }
0xc2: {  	v0 =	vadd.f32 v3, v0  }
0xc3: {  	v3 =	vld [tilespmem:s20+$0xFFFFFE70]  }
0xc4: {  	v0 =	vadd.f32 v1, v0  }
0xc5: {  	v1 =	vld [tilespmem:s20+$0xFFFFFEB0]  }
0xc6: {  	v0 =	vadd.f32 v2, v0  }
0xc7: {  	v2 =	vld [tilespmem:s20+$0xFFFFFEF0]  }
0xc8: {  	v0 =	vadd.f32 v3, v0  }
0xc9: {  	v3 =	vld [tilespmem:s20+$0xFFFFFF30]  }
0xca: {  	v0 =	vadd.f32 v1, v0  }
0xcb: {  	v1 =	vld [tilespmem:s20+$0xFFFFFF70]  }
0xcc: {  	v0 =	vadd.f32 v2, v0  }
0xcd: {  	v2 =	vld [tilespmem:s20+$0xFFFFFFB0]  }
0xce: {  	v0 =	vadd.f32 v3, v0  }
0xcf: {  	v3 =	vld [tilespmem:s20+$0xFFFFFFF0]  }
0xd0: {  	v0 =	vadd.f32 v1, v0  }
0xd1: {  	v1 =	vld [tilespmem:s20+$0x30]  }
0xd2: {  	v0 =	vadd.f32 v2, v0  }
0xd3: {  	v2 =	vld [tilespmem:s20+$0x70]  }
0xd4: {  	v0 =	vadd.f32 v3, v0  }
0xd5: {  	v3 =	vld [tilespmem:s20+$0xB0]  }
0xd6: {  	v0 =	vadd.f32 v1, v0  }
0xd7: {  	v1 =	vld [tilespmem:s20+$0xF0]  }
0xd8: {  	v0 =	vadd.f32 v2, v0  }
0xd9: {  	v2 =	vld [tilespmem:s20+$0x130]  }
0xda: {  	v0 =	vadd.f32 v3, v0  }
0xdb: {  	v3 =	vld [tilespmem:s20+$0x170]  }
0xdc: {  	v0 =	vadd.f32 v1, v0  }
0xdd: {  	v1 =	vld [tilespmem:s20+$0x1B0]  }
0xde: {  	v0 =	vadd.f32 v2, v0  }
0xdf: {  	v2 =	vld [tilespmem:s20+$0x1F0]  }
0xe0: {  	v0 =	vadd.f32 v3, v0  }
0xe1: {  	v3 =	vld [tilespmem:s20+$0x230]  }
0xe2: {  	v0 =	vadd.f32 v1, v0  }
0xe3: {  	v1 =	vld [tilespmem:s20+$0x270]  }
0xe4: {  	v0 =	vadd.f32 v2, v0;
	_ =	sdelay $0x1  }
0xe5: {  	v2 =	vld [tilespmem:s20+$0x2B0];
	v0 =	vadd.f32 v3, v0;
	_ =	sdelay $0x1  }
0xe6: {  	v3 =	vadd.f32 v1, v0;
	v1 =	vld [tilespmem:s20+$0x2F0];
	_ =	sdelay $0x1  }
0xe7: {  	v0 =	vld [tilespmem:s20+$0x330]  }
0xe8: {  	s22 =	simm.s32 $0x100;
	v2 =	vadd.f32 v2, v3  }
.LBB2_3:
0xe9: {  	p1 =	sne.s32 s22, $0x1F00  }
0xea: {  	s20 =	sadd.s32 $0x680, s20;
	s23 =	smov.u32 s22;
	s22 =	sadd.s32 $0x100, s22;
	v1 =	vadd.f32 v1, v2  }
0xeb: {  	_ = 	snop  }
0xec: {  	v0 =	vadd.f32 v0, v1;
	_ =	sdelay $0x1  }
0xed: {  	[tilespmem:s21+$0x1D430] =	vst v0  }
0xee: {  	v0 =	vld [tilespmem:s20+$0xFFFFFD00]  }
0xef: {  	v1 =	vld [tilespmem:s20+$0xFFFFFCC0];
	_ =	sdelay $0x1  }
0xf0: {  	v2 =	vld [tilespmem:s20+$0xFFFFFD40];
	_ =	sdelay $0x1  }
0xf1: {  	v3 =	vld [tilespmem:s20+$0xFFFFFD80]  }
0xf2: {  	v0 =	vadd.f32 v0, v1  }
0xf3: {  	v1 =	vld [tilespmem:s20+$0xFFFFFDC0]  }
0xf4: {  	v0 =	vadd.f32 v2, v0  }
0xf5: {  	v2 =	vld [tilespmem:s20+$0xFFFFFE00]  }
0xf6: {  	v0 =	vadd.f32 v3, v0  }
0xf7: {  	v3 =	vld [tilespmem:s20+$0xFFFFFE40]  }
0xf8: {  	v0 =	vadd.f32 v1, v0  }
0xf9: {  	v1 =	vld [tilespmem:s20+$0xFFFFFE80]  }
0xfa: {  	v0 =	vadd.f32 v2, v0  }
0xfb: {  	v2 =	vld [tilespmem:s20+$0xFFFFFEC0]  }
0xfc: {  	v0 =	vadd.f32 v3, v0  }
0xfd: {  	v3 =	vld [tilespmem:s20+$0xFFFFFF00]  }
0xfe: {  	v0 =	vadd.f32 v1, v0  }
0xff: {  	v1 =	vld [tilespmem:s20+$0xFFFFFF40]  }
0x100: {  	v0 =	vadd.f32 v2, v0  }
0x101: {  	v2 =	vld [tilespmem:s20+$0xFFFFFF80]  }
0x102: {  	v0 =	vadd.f32 v3, v0  }
0x103: {  	v3 =	vld [tilespmem:s20+$0xFFFFFFC0]  }
0x104: {  	v0 =	vadd.f32 v1, v0  }
0x105: {  	v1 =	vld [tilespmem:s20+$0x0]  }
0x106: {  	v0 =	vadd.f32 v2, v0  }
0x107: {  	v2 =	vld [tilespmem:s20+$0x40]  }
0x108: {  	v0 =	vadd.f32 v3, v0  }
0x109: {  	v3 =	vld [tilespmem:s20+$0x80]  }
0x10a: {  	v0 =	vadd.f32 v1, v0  }
0x10b: {  	v1 =	vld [tilespmem:s20+$0xC0]  }
0x10c: {  	v0 =	vadd.f32 v2, v0  }
0x10d: {  	v2 =	vld [tilespmem:s20+$0x100]  }
0x10e: {  	v0 =	vadd.f32 v3, v0  }
0x10f: {  	v3 =	vld [tilespmem:s20+$0x140]  }
0x110: {  	v0 =	vadd.f32 v1, v0  }
0x111: {  	v1 =	vld [tilespmem:s20+$0x180]  }
0x112: {  	v0 =	vadd.f32 v2, v0  }
0x113: {  	v2 =	vld [tilespmem:s20+$0x1C0]  }
0x114: {  	v0 =	vadd.f32 v3, v0  }
0x115: {  	v3 =	vld [tilespmem:s20+$0x200]  }
0x116: {  	v0 =	vadd.f32 v1, v0  }
0x117: {  	v1 =	vld [tilespmem:s20+$0x240]  }
0x118: {  	v0 =	vadd.f32 v2, v0  }
0x119: {  	v2 =	vld [tilespmem:s20+$0x280]  }
0x11a: {  	v0 =	vadd.f32 v3, v0  }
0x11b: {  	v3 =	vld [tilespmem:s20+$0x2C0]  }
0x11c: {  	v0 =	vadd.f32 v1, v0  }
0x11d: {  	v1 =	vld [tilespmem:s20+$0x300]  }
0x11e: {  	v0 =	vadd.f32 v2, v0;
	_ =	sdelay $0x1  }
0x11f: {  	v0 =	vadd.f32 v3, v0;
	_ =	sdelay $0x1  }
0x120: {  	v0 =	vadd.f32 v1, v0  }
0x121: {  	s21 =	sshra.s32 s23, $0x2  }
0x122: {  	[tilespmem:s21+$0x1D400] =	vst v0  }
0x123: {  	v0 =	vld [tilespmem:s20+$0xFFFFFCD0]  }
0x124: {  	v1 =	vld [tilespmem:s20+$0xFFFFFD10];
	_ =	sdelay $0x1  }
0x125: {  	v2 =	vld [tilespmem:s20+$0xFFFFFD50];
	_ =	sdelay $0x1  }
0x126: {  	v3 =	vld [tilespmem:s20+$0xFFFFFD90]  }
0x127: {  	v0 =	vadd.f32 v1, v0  }
0x128: {  	v1 =	vld [tilespmem:s20+$0xFFFFFDD0]  }
0x129: {  	v0 =	vadd.f32 v2, v0  }
0x12a: {  	v2 =	vld [tilespmem:s20+$0xFFFFFE10]  }
0x12b: {  	v0 =	vadd.f32 v3, v0  }
0x12c: {  	v3 =	vld [tilespmem:s20+$0xFFFFFE50]  }
0x12d: {  	v0 =	vadd.f32 v1, v0  }
0x12e: {  	v1 =	vld [tilespmem:s20+$0xFFFFFE90]  }
0x12f: {  	v0 =	vadd.f32 v2, v0  }
0x130: {  	v2 =	vld [tilespmem:s20+$0xFFFFFED0]  }
0x131: {  	v0 =	vadd.f32 v3, v0  }
0x132: {  	v3 =	vld [tilespmem:s20+$0xFFFFFF10]  }
0x133: {  	v0 =	vadd.f32 v1, v0  }
0x134: {  	v1 =	vld [tilespmem:s20+$0xFFFFFF50]  }
0x135: {  	v0 =	vadd.f32 v2, v0  }
0x136: {  	v2 =	vld [tilespmem:s20+$0xFFFFFF90]  }
0x137: {  	v0 =	vadd.f32 v3, v0  }
0x138: {  	v3 =	vld [tilespmem:s20+$0xFFFFFFD0]  }
0x139: {  	v0 =	vadd.f32 v1, v0  }
0x13a: {  	v1 =	vld [tilespmem:s20+$0x10]  }
0x13b: {  	v0 =	vadd.f32 v2, v0  }
0x13c: {  	v2 =	vld [tilespmem:s20+$0x50]  }
0x13d: {  	v0 =	vadd.f32 v3, v0  }
0x13e: {  	v3 =	vld [tilespmem:s20+$0x90]  }
0x13f: {  	v0 =	vadd.f32 v1, v0  }
0x140: {  	v1 =	vld [tilespmem:s20+$0xD0]  }
0x141: {  	v0 =	vadd.f32 v2, v0  }
0x142: {  	v2 =	vld [tilespmem:s20+$0x110]  }
0x143: {  	v0 =	vadd.f32 v3, v0  }
0x144: {  	v3 =	vld [tilespmem:s20+$0x150]  }
0x145: {  	v0 =	vadd.f32 v1, v0  }
0x146: {  	v1 =	vld [tilespmem:s20+$0x190]  }
0x147: {  	v0 =	vadd.f32 v2, v0  }
0x148: {  	v2 =	vld [tilespmem:s20+$0x1D0]  }
0x149: {  	v0 =	vadd.f32 v3, v0  }
0x14a: {  	v3 =	vld [tilespmem:s20+$0x210]  }
0x14b: {  	v0 =	vadd.f32 v1, v0  }
0x14c: {  	v1 =	vld [tilespmem:s20+$0x250]  }
0x14d: {  	v0 =	vadd.f32 v2, v0  }
0x14e: {  	v2 =	vld [tilespmem:s20+$0x290]  }
0x14f: {  	v0 =	vadd.f32 v3, v0  }
0x150: {  	v3 =	vld [tilespmem:s20+$0x2D0]  }
0x151: {  	v0 =	vadd.f32 v1, v0  }
0x152: {  	v1 =	vld [tilespmem:s20+$0x310]  }
0x153: {  	v0 =	vadd.f32 v2, v0;
	_ =	sdelay $0x1  }
0x154: {  	v0 =	vadd.f32 v3, v0;
	_ =	sdelay $0x1  }
0x155: {  	v0 =	vadd.f32 v1, v0;
	_ =	sdelay $0x1  }
0x156: {  	[tilespmem:s21+$0x1D410] =	vst v0  }
0x157: {  	v0 =	vld [tilespmem:s20+$0xFFFFFCE0]  }
0x158: {  	v1 =	vld [tilespmem:s20+$0xFFFFFD20];
	_ =	sdelay $0x1  }
0x159: {  	v2 =	vld [tilespmem:s20+$0xFFFFFD60];
	_ =	sdelay $0x1  }
0x15a: {  	v3 =	vld [tilespmem:s20+$0xFFFFFDA0]  }
0x15b: {  	v0 =	vadd.f32 v1, v0  }
0x15c: {  	v1 =	vld [tilespmem:s20+$0xFFFFFDE0]  }
0x15d: {  	v0 =	vadd.f32 v2, v0  }
0x15e: {  	v2 =	vld [tilespmem:s20+$0xFFFFFE20]  }
0x15f: {  	v0 =	vadd.f32 v3, v0  }
0x160: {  	v3 =	vld [tilespmem:s20+$0xFFFFFE60]  }
0x161: {  	v0 =	vadd.f32 v1, v0  }
0x162: {  	v1 =	vld [tilespmem:s20+$0xFFFFFEA0]  }
0x163: {  	v0 =	vadd.f32 v2, v0  }
0x164: {  	v2 =	vld [tilespmem:s20+$0xFFFFFEE0]  }
0x165: {  	v0 =	vadd.f32 v3, v0  }
0x166: {  	v3 =	vld [tilespmem:s20+$0xFFFFFF20]  }
0x167: {  	v0 =	vadd.f32 v1, v0  }
0x168: {  	v1 =	vld [tilespmem:s20+$0xFFFFFF60]  }
0x169: {  	v0 =	vadd.f32 v2, v0  }
0x16a: {  	v2 =	vld [tilespmem:s20+$0xFFFFFFA0]  }
0x16b: {  	v0 =	vadd.f32 v3, v0  }
0x16c: {  	v3 =	vld [tilespmem:s20+$0xFFFFFFE0]  }
0x16d: {  	v0 =	vadd.f32 v1, v0  }
0x16e: {  	v1 =	vld [tilespmem:s20+$0x20]  }
0x16f: {  	v0 =	vadd.f32 v2, v0  }
0x170: {  	v2 =	vld [tilespmem:s20+$0x60]  }
0x171: {  	v0 =	vadd.f32 v3, v0  }
0x172: {  	v3 =	vld [tilespmem:s20+$0xA0]  }
0x173: {  	v0 =	vadd.f32 v1, v0  }
0x174: {  	v1 =	vld [tilespmem:s20+$0xE0]  }
0x175: {  	v0 =	vadd.f32 v2, v0  }
0x176: {  	v2 =	vld [tilespmem:s20+$0x120]  }
0x177: {  	v0 =	vadd.f32 v3, v0  }
0x178: {  	v3 =	vld [tilespmem:s20+$0x160]  }
0x179: {  	v0 =	vadd.f32 v1, v0  }
0x17a: {  	v1 =	vld [tilespmem:s20+$0x1A0]  }
0x17b: {  	v0 =	vadd.f32 v2, v0  }
0x17c: {  	v2 =	vld [tilespmem:s20+$0x1E0]  }
0x17d: {  	v0 =	vadd.f32 v3, v0  }
0x17e: {  	v3 =	vld [tilespmem:s20+$0x220]  }
0x17f: {  	v0 =	vadd.f32 v1, v0  }
0x180: {  	v1 =	vld [tilespmem:s20+$0x260]  }
0x181: {  	v0 =	vadd.f32 v2, v0  }
0x182: {  	v2 =	vld [tilespmem:s20+$0x2A0]  }
0x183: {  	v0 =	vadd.f32 v3, v0  }
0x184: {  	v3 =	vld [tilespmem:s20+$0x2E0]  }
0x185: {  	v0 =	vadd.f32 v1, v0  }
0x186: {  	v1 =	vld [tilespmem:s20+$0x320]  }
0x187: {  	v0 =	vadd.f32 v2, v0;
	_ =	sdelay $0x1  }
0x188: {  	v0 =	vadd.f32 v3, v0;
	_ =	sdelay $0x1  }
0x189: {  	v0 =	vadd.f32 v1, v0;
	_ =	sdelay $0x1  }
0x18a: {  	[tilespmem:s21+$0x1D420] =	vst v0  }
0x18b: {  	v0 =	vld [tilespmem:s20+$0xFFFFFCF0]  }
0x18c: {  	v1 =	vld [tilespmem:s20+$0xFFFFFD30]  }
0x18d: {  	v2 =	vld [tilespmem:s20+$0xFFFFFD70]  }
0x18e: {  	v3 =	vld [tilespmem:s20+$0xFFFFFDB0]  }
0x18f: {  	v4 =	vld [tilespmem:s20+$0xFFFFFDF0]  }
0x190: {  	v5 =	vld [tilespmem:s20+$0xFFFFFE30]  }
0x191: {  	v0 =	vadd.f32 v1, v0;
	v1 =	vld [tilespmem:s20+$0xFFFFFE70]  }
0x192: {  	v6 =	vld [tilespmem:s20+$0xFFFFFEB0]  }
0x193: {  	v0 =	vadd.f32 v2, v0;
	v2 =	vld [tilespmem:s20+$0xFFFFFEF0]  }
0x194: {  	v7 =	vld [tilespmem:s20+$0xFFFFFF30]  }
0x195: {  	v0 =	vadd.f32 v3, v0;
	v3 =	vld [tilespmem:s20+$0xFFFFFF70]  }
0x196: {  	v8 =	vld [tilespmem:s20+$0xFFFFFFB0]  }
0x197: {  	v0 =	vadd.f32 v4, v0;
	v4 =	vld [tilespmem:s20+$0xFFFFFFF0]  }
0x198: {  	v9 =	vld [tilespmem:s20+$0x30]  }
0x199: {  	v0 =	vadd.f32 v5, v0;
	v5 =	vld [tilespmem:s20+$0x70]  }
0x19a: {  	v10 =	vld [tilespmem:s20+$0xB0]  }
0x19b: {  	v0 =	vadd.f32 v1, v0;
	v11 =	vld [tilespmem:s20+$0xF0]  }
0x19c: {  	v12 =	vld [tilespmem:s20+$0x130]  }
0x19d: {  	v0 =	vadd.f32 v6, v0;
	v6 =	vld [tilespmem:s20+$0x170]  }
0x19e: {  	v13 =	vld [tilespmem:s20+$0x1B0]  }
0x19f: {  	v0 =	vadd.f32 v2, v0;
	v2 =	vld [tilespmem:s20+$0x1F0]  }
0x1a0: {  	v14 =	vld [tilespmem:s20+$0x230]  }
0x1a1: {  	v0 =	vadd.f32 v7, v0;
	v7 =	vld [tilespmem:s20+$0x270]  }
0x1a2: {  	v15 =	vld [tilespmem:s20+$0x2B0]  }
0x1a3: {  	v3 =	vadd.f32 v3, v0;
	v1 =	vld [tilespmem:s20+$0x2F0]  }
0x1a4: {  	v0 =	vld [tilespmem:s20+$0x330]  }
0x1a5: {  	v3 =	vadd.f32 v8, v3;
	_ =	sdelay $0x1  }
0x1a6: {  	v3 =	vadd.f32 v4, v3;
	_ =	sdelay $0x1  }
0x1a7: {  	v3 =	vadd.f32 v9, v3;
	_ =	sdelay $0x1  }
0x1a8: {  	v3 =	vadd.f32 v5, v3;
	_ =	sdelay $0x1  }
0x1a9: {  	v3 =	vadd.f32 v10, v3;
	_ =	sdelay $0x1  }
0x1aa: {  	v3 =	vadd.f32 v11, v3;
	_ =	sdelay $0x1  }
0x1ab: {  	v3 =	vadd.f32 v12, v3;
	_ =	sdelay $0x1  }
0x1ac: {  	v3 =	vadd.f32 v6, v3;
	_ =	sdelay $0x1  }
0x1ad: {  	v3 =	vadd.f32 v13, v3;
	_ =	sdelay $0x1  }
0x1ae: {  	v2 =	vadd.f32 v2, v3;
	_ =	sdelay $0x1  }
.Ltmp0:
0x1af: {  	v2 =	vadd.f32 v14, v2;
	(pc) =	sbr.rel @p1 .LBB2_3-.Ltmp0, $3  }
0x1b0: {  	_ = 	snop  }
0x1b1: {  	v2 =	vadd.f32 v7, v2;
	_ =	sdelay $0x1  }
0x1b2: {  	v2 =	vadd.f32 v15, v2  }
0x1b3: {  	_ = 	snop  }
0x1b4: {  	p1 =	sne.s32 s18, $0x7;
	v1 =	vadd.f32 v1, v2  }
.Ltmp1:
0x1b5: {  	_ = 	snop;
	(pc) =	sbr.rel @p1 .LBB2_6-.Ltmp1, $4  }
0x1b6: {  	v0 =	vadd.f32 v0, v1  }
0x1b7: {  	s20 =	sshll.u32 s18, $0x9  }
0x1b8: {  	s20 =	sadd.s32 s20, s5;
	[tilespmem:s21+$0x1D430] =	vst v0  }
0x1b9: {  	[hbm4b:s20+s2] =	stream.linear.scatter [tilespmem:s12], [sflag:$0x3], $0x800, $0x38;
	[tilespmem:$0x1E400] =	vst v63  }
.Ltmp2:
0x1ba: {  	(pc) =	sbr.rel .LBB2_7-.Ltmp2, $4  }
0x1bb: {  	_ = 	snop  }
0x1bc: {  	_ =	swait.ge [sflag:s13], $0xD000  }
0x1bd: {  	[sflag:s13] =	ssyncset.done $0x0  }
0x1be: {  	[sflag:s13] =	ssyncadd.s32 $0xFFFF3000  }
.LBB2_6:
0x1bf: {  	s20 =	smul.u32 $0x1A00, s18;
	_ =	sdelay $0x1  }
0x1c0: {  	s20 =	sshra.s32 s20, $0x2  }
.Ltmp3:
0x1c1: {  	s20 =	sadd.s32 $0x680, s20;
	(pc) =	sbr.rel @p0 .LBB2_8-.Ltmp3, $4  }
0x1c2: {  	[tilespmem:s9], [sflag:$0x1] =	stream.indirect.gather [hbm4b:s3+s8], $0x40, s20, s8, $0xb8;
	[tilespmem:$0x1E400] =	vst v63  }
0x1c3: {  	_ =	swait.ge [sflag:s13], $0xD000  }
0x1c4: {  	[sflag:s13] =	ssyncset.done $0x0  }
0x1c5: {  	[sflag:s13] =	ssyncadd.s32 $0xFFFF3000  }
.LBB2_7:
0x1c6: {  	_ =	swait.ge [sflag:s14], $0x800  }
0x1c7: {  	[sflag:s14] =	ssyncset.done $0x0  }
0x1c8: {  	[sflag:s14] =	ssyncadd.s32 $0xFFFFF800  }
.LBB2_8:
0x1c9: {  	s21 =	simm.s32 $0x0  }
0x1ca: {  	v0 =	vld [tilespmem:s21+$0x10400]  }
0x1cb: {  	v1 =	vld [tilespmem:s21+$0x10440];
	_ =	sdelay $0x1  }
0x1cc: {  	v2 =	vld [tilespmem:s21+$0x10480];
	_ =	sdelay $0x1  }
0x1cd: {  	v3 =	vld [tilespmem:s21+$0x104C0]  }
0x1ce: {  	v0 =	vadd.f32 v1, v0  }
0x1cf: {  	v1 =	vld [tilespmem:s21+$0x10500]  }
0x1d0: {  	v0 =	vadd.f32 v2, v0  }
0x1d1: {  	v2 =	vld [tilespmem:s21+$0x10540]  }
0x1d2: {  	v0 =	vadd.f32 v3, v0  }
0x1d3: {  	v3 =	vld [tilespmem:s21+$0x10580]  }
0x1d4: {  	v0 =	vadd.f32 v1, v0  }
0x1d5: {  	v1 =	vld [tilespmem:s21+$0x105C0]  }
0x1d6: {  	v0 =	vadd.f32 v2, v0  }
0x1d7: {  	v2 =	vld [tilespmem:s21+$0x10600]  }
0x1d8: {  	v0 =	vadd.f32 v3, v0  }
0x1d9: {  	v3 =	vld [tilespmem:s21+$0x10640]  }
0x1da: {  	v0 =	vadd.f32 v1, v0  }
0x1db: {  	v1 =	vld [tilespmem:s21+$0x10680]  }
0x1dc: {  	v0 =	vadd.f32 v2, v0  }
0x1dd: {  	v2 =	vld [tilespmem:s21+$0x106C0]  }
0x1de: {  	v0 =	vadd.f32 v3, v0  }
0x1df: {  	v3 =	vld [tilespmem:s21+$0x10700]  }
0x1e0: {  	v0 =	vadd.f32 v1, v0  }
0x1e1: {  	v1 =	vld [tilespmem:s21+$0x10740]  }
0x1e2: {  	v0 =	vadd.f32 v2, v0  }
0x1e3: {  	v2 =	vld [tilespmem:s21+$0x10780]  }
0x1e4: {  	v0 =	vadd.f32 v3, v0  }
0x1e5: {  	v3 =	vld [tilespmem:s21+$0x107C0]  }
0x1e6: {  	v0 =	vadd.f32 v1, v0  }
0x1e7: {  	v1 =	vld [tilespmem:s21+$0x10800]  }
0x1e8: {  	v0 =	vadd.f32 v2, v0  }
0x1e9: {  	v2 =	vld [tilespmem:s21+$0x10840]  }
0x1ea: {  	v0 =	vadd.f32 v3, v0  }
0x1eb: {  	v3 =	vld [tilespmem:s21+$0x10880]  }
0x1ec: {  	v0 =	vadd.f32 v1, v0  }
0x1ed: {  	v1 =	vld [tilespmem:s21+$0x108C0]  }
0x1ee: {  	v0 =	vadd.f32 v2, v0  }
0x1ef: {  	v2 =	vld [tilespmem:s21+$0x10900]  }
0x1f0: {  	v0 =	vadd.f32 v3, v0  }
0x1f1: {  	v3 =	vld [tilespmem:s21+$0x10940]  }
0x1f2: {  	v0 =	vadd.f32 v1, v0  }
0x1f3: {  	v1 =	vld [tilespmem:s21+$0x10980]  }
0x1f4: {  	v0 =	vadd.f32 v2, v0  }
0x1f5: {  	v2 =	vld [tilespmem:s21+$0x109C0]  }
0x1f6: {  	v0 =	vadd.f32 v3, v0  }
0x1f7: {  	v3 =	vld [tilespmem:s21+$0x10A00]  }
0x1f8: {  	v0 =	vadd.f32 v1, v0  }
0x1f9: {  	v1 =	vld [tilespmem:s21+$0x10A40]  }
0x1fa: {  	v0 =	vadd.f32 v2, v0;
	_ =	sdelay $0x1  }
0x1fb: {  	v0 =	vadd.f32 v3, v0;
	_ =	sdelay $0x1  }
0x1fc: {  	v0 =	vadd.f32 v1, v0  }
0x1fd: {  	s20 =	simm.s32 $0x1DC30  }
0x1fe: {  	[tilespmem:s20+$0xFFFFFFD0] =	vst v0  }
0x1ff: {  	v0 =	vld [tilespmem:s21+$0x10410]  }
0x200: {  	v1 =	vld [tilespmem:s21+$0x10450];
	_ =	sdelay $0x1  }
0x201: {  	v2 =	vld [tilespmem:s21+$0x10490];
	_ =	sdelay $0x1  }
0x202: {  	v3 =	vld [tilespmem:s21+$0x104D0]  }
0x203: {  	v0 =	vadd.f32 v1, v0  }
0x204: {  	v1 =	vld [tilespmem:s21+$0x10510]  }
0x205: {  	v0 =	vadd.f32 v2, v0  }
0x206: {  	v2 =	vld [tilespmem:s21+$0x10550]  }
0x207: {  	v0 =	vadd.f32 v3, v0  }
0x208: {  	v3 =	vld [tilespmem:s21+$0x10590]  }
0x209: {  	v0 =	vadd.f32 v1, v0  }
0x20a: {  	v1 =	vld [tilespmem:s21+$0x105D0]  }
0x20b: {  	v0 =	vadd.f32 v2, v0  }
0x20c: {  	v2 =	vld [tilespmem:s21+$0x10610]  }
0x20d: {  	v0 =	vadd.f32 v3, v0  }
0x20e: {  	v3 =	vld [tilespmem:s21+$0x10650]  }
0x20f: {  	v0 =	vadd.f32 v1, v0  }
0x210: {  	v1 =	vld [tilespmem:s21+$0x10690]  }
0x211: {  	v0 =	vadd.f32 v2, v0  }
0x212: {  	v2 =	vld [tilespmem:s21+$0x106D0]  }
0x213: {  	v0 =	vadd.f32 v3, v0  }
0x214: {  	v3 =	vld [tilespmem:s21+$0x10710]  }
0x215: {  	v0 =	vadd.f32 v1, v0  }
0x216: {  	v1 =	vld [tilespmem:s21+$0x10750]  }
0x217: {  	v0 =	vadd.f32 v2, v0  }
0x218: {  	v2 =	vld [tilespmem:s21+$0x10790]  }
0x219: {  	v0 =	vadd.f32 v3, v0  }
0x21a: {  	v3 =	vld [tilespmem:s21+$0x107D0]  }
0x21b: {  	v0 =	vadd.f32 v1, v0  }
0x21c: {  	v1 =	vld [tilespmem:s21+$0x10810]  }
0x21d: {  	v0 =	vadd.f32 v2, v0  }
0x21e: {  	v2 =	vld [tilespmem:s21+$0x10850]  }
0x21f: {  	v0 =	vadd.f32 v3, v0  }
0x220: {  	v3 =	vld [tilespmem:s21+$0x10890]  }
0x221: {  	v0 =	vadd.f32 v1, v0  }
0x222: {  	v1 =	vld [tilespmem:s21+$0x108D0]  }
0x223: {  	v0 =	vadd.f32 v2, v0  }
0x224: {  	v2 =	vld [tilespmem:s21+$0x10910]  }
0x225: {  	v0 =	vadd.f32 v3, v0  }
0x226: {  	v3 =	vld [tilespmem:s21+$0x10950]  }
0x227: {  	v0 =	vadd.f32 v1, v0  }
0x228: {  	v1 =	vld [tilespmem:s21+$0x10990]  }
0x229: {  	v0 =	vadd.f32 v2, v0  }
0x22a: {  	v2 =	vld [tilespmem:s21+$0x109D0]  }
0x22b: {  	v0 =	vadd.f32 v3, v0  }
0x22c: {  	v3 =	vld [tilespmem:s21+$0x10A10]  }
0x22d: {  	v0 =	vadd.f32 v1, v0  }
0x22e: {  	v1 =	vld [tilespmem:s21+$0x10A50]  }
0x22f: {  	v0 =	vadd.f32 v2, v0;
	_ =	sdelay $0x1  }
0x230: {  	v0 =	vadd.f32 v3, v0;
	_ =	sdelay $0x1  }
0x231: {  	v0 =	vadd.f32 v1, v0;
	_ =	sdelay $0x1  }
0x232: {  	[tilespmem:s20+$0xFFFFFFE0] =	vst v0  }
0x233: {  	v0 =	vld [tilespmem:s21+$0x10420]  }
0x234: {  	v1 =	vld [tilespmem:s21+$0x10460];
	_ =	sdelay $0x1  }
0x235: {  	v2 =	vld [tilespmem:s21+$0x104A0];
	_ =	sdelay $0x1  }
0x236: {  	v3 =	vld [tilespmem:s21+$0x104E0]  }
0x237: {  	v0 =	vadd.f32 v1, v0  }
0x238: {  	v1 =	vld [tilespmem:s21+$0x10520]  }
0x239: {  	v0 =	vadd.f32 v2, v0  }
0x23a: {  	v2 =	vld [tilespmem:s21+$0x10560]  }
0x23b: {  	v0 =	vadd.f32 v3, v0  }
0x23c: {  	v3 =	vld [tilespmem:s21+$0x105A0]  }
0x23d: {  	v0 =	vadd.f32 v1, v0  }
0x23e: {  	v1 =	vld [tilespmem:s21+$0x105E0]  }
0x23f: {  	v0 =	vadd.f32 v2, v0  }
0x240: {  	v2 =	vld [tilespmem:s21+$0x10620]  }
0x241: {  	v0 =	vadd.f32 v3, v0  }
0x242: {  	v3 =	vld [tilespmem:s21+$0x10660]  }
0x243: {  	v0 =	vadd.f32 v1, v0  }
0x244: {  	v1 =	vld [tilespmem:s21+$0x106A0]  }
0x245: {  	v0 =	vadd.f32 v2, v0  }
0x246: {  	v2 =	vld [tilespmem:s21+$0x106E0]  }
0x247: {  	v0 =	vadd.f32 v3, v0  }
0x248: {  	v3 =	vld [tilespmem:s21+$0x10720]  }
0x249: {  	v0 =	vadd.f32 v1, v0  }
0x24a: {  	v1 =	vld [tilespmem:s21+$0x10760]  }
0x24b: {  	v0 =	vadd.f32 v2, v0  }
0x24c: {  	v2 =	vld [tilespmem:s21+$0x107A0]  }
0x24d: {  	v0 =	vadd.f32 v3, v0  }
0x24e: {  	v3 =	vld [tilespmem:s21+$0x107E0]  }
0x24f: {  	v0 =	vadd.f32 v1, v0  }
0x250: {  	v1 =	vld [tilespmem:s21+$0x10820]  }
0x251: {  	v0 =	vadd.f32 v2, v0  }
0x252: {  	v2 =	vld [tilespmem:s21+$0x10860]  }
0x253: {  	v0 =	vadd.f32 v3, v0  }
0x254: {  	v3 =	vld [tilespmem:s21+$0x108A0]  }
0x255: {  	v0 =	vadd.f32 v1, v0  }
0x256: {  	v1 =	vld [tilespmem:s21+$0x108E0]  }
0x257: {  	v0 =	vadd.f32 v2, v0  }
0x258: {  	v2 =	vld [tilespmem:s21+$0x10920]  }
0x259: {  	v0 =	vadd.f32 v3, v0  }
0x25a: {  	v3 =	vld [tilespmem:s21+$0x10960]  }
0x25b: {  	v0 =	vadd.f32 v1, v0  }
0x25c: {  	v1 =	vld [tilespmem:s21+$0x109A0]  }
0x25d: {  	v0 =	vadd.f32 v2, v0  }
0x25e: {  	v2 =	vld [tilespmem:s21+$0x109E0]  }
0x25f: {  	v0 =	vadd.f32 v3, v0  }
0x260: {  	v3 =	vld [tilespmem:s21+$0x10A20]  }
0x261: {  	v0 =	vadd.f32 v1, v0  }
0x262: {  	v1 =	vld [tilespmem:s21+$0x10A60]  }
0x263: {  	v0 =	vadd.f32 v2, v0;
	_ =	sdelay $0x1  }
0x264: {  	v0 =	vadd.f32 v3, v0;
	_ =	sdelay $0x1  }
0x265: {  	v0 =	vadd.f32 v1, v0;
	_ =	sdelay $0x1  }
0x266: {  	[tilespmem:s20+$0xFFFFFFF0] =	vst v0  }
0x267: {  	v0 =	vld [tilespmem:s21+$0x10430]  }
0x268: {  	v1 =	vld [tilespmem:s21+$0x10470];
	_ =	sdelay $0x1  }
0x269: {  	v2 =	vld [tilespmem:s21+$0x104B0];
	_ =	sdelay $0x1  }
0x26a: {  	v3 =	vld [tilespmem:s21+$0x104F0]  }
0x26b: {  	v0 =	vadd.f32 v1, v0  }
0x26c: {  	v1 =	vld [tilespmem:s21+$0x10530]  }
0x26d: {  	v0 =	vadd.f32 v2, v0  }
0x26e: {  	v2 =	vld [tilespmem:s21+$0x10570]  }
0x26f: {  	v0 =	vadd.f32 v3, v0  }
0x270: {  	v3 =	vld [tilespmem:s21+$0x105B0]  }
0x271: {  	v0 =	vadd.f32 v1, v0  }
0x272: {  	v1 =	vld [tilespmem:s21+$0x105F0]  }
0x273: {  	v0 =	vadd.f32 v2, v0  }
0x274: {  	v2 =	vld [tilespmem:s21+$0x10630]  }
0x275: {  	v0 =	vadd.f32 v3, v0  }
0x276: {  	v3 =	vld [tilespmem:s21+$0x10670]  }
0x277: {  	v0 =	vadd.f32 v1, v0  }
0x278: {  	v1 =	vld [tilespmem:s21+$0x106B0]  }
0x279: {  	v0 =	vadd.f32 v2, v0  }
0x27a: {  	v2 =	vld [tilespmem:s21+$0x106F0]  }
0x27b: {  	v0 =	vadd.f32 v3, v0  }
0x27c: {  	v3 =	vld [tilespmem:s21+$0x10730]  }
0x27d: {  	v0 =	vadd.f32 v1, v0  }
0x27e: {  	v1 =	vld [tilespmem:s21+$0x10770]  }
0x27f: {  	v0 =	vadd.f32 v2, v0  }
0x280: {  	v2 =	vld [tilespmem:s21+$0x107B0]  }
0x281: {  	v0 =	vadd.f32 v3, v0  }
0x282: {  	v3 =	vld [tilespmem:s21+$0x107F0]  }
0x283: {  	v0 =	vadd.f32 v1, v0  }
0x284: {  	v1 =	vld [tilespmem:s21+$0x10830]  }
0x285: {  	v0 =	vadd.f32 v2, v0  }
0x286: {  	v2 =	vld [tilespmem:s21+$0x10870]  }
0x287: {  	v0 =	vadd.f32 v3, v0  }
0x288: {  	v3 =	vld [tilespmem:s21+$0x108B0]  }
0x289: {  	v0 =	vadd.f32 v1, v0  }
0x28a: {  	v1 =	vld [tilespmem:s21+$0x108F0]  }
0x28b: {  	v0 =	vadd.f32 v2, v0  }
0x28c: {  	v2 =	vld [tilespmem:s21+$0x10930]  }
0x28d: {  	v0 =	vadd.f32 v3, v0  }
0x28e: {  	v3 =	vld [tilespmem:s21+$0x10970]  }
0x28f: {  	v0 =	vadd.f32 v1, v0  }
0x290: {  	v1 =	vld [tilespmem:s21+$0x109B0]  }
0x291: {  	v0 =	vadd.f32 v2, v0  }
0x292: {  	v2 =	vld [tilespmem:s21+$0x109F0]  }
0x293: {  	v0 =	vadd.f32 v3, v0;
	_ =	sdelay $0x1  }
0x294: {  	v3 =	vadd.f32 v1, v0;
	v0 =	vld [tilespmem:s21+$0x10A30];
	_ =	sdelay $0x1  }
0x295: {  	s22 =	simm.s32 $0x1A00;
	v1 =	vld [tilespmem:s21+$0x10A70];
	s21 =	simm.s32 $0x1DC30;
	v2 =	vadd.f32 v2, v3  }
.LBB2_9:
0x296: {  	p0 =	sne.s32 s22, $0x32600  }
0x297: {  	s20 =	sadd.s32 $0x40, s20;
	s23 =	smov.u32 s22;
	s22 =	sadd.s32 $0x1A00, s22  }
0x298: {  	v0 =	vadd.f32 v0, v2;
	_ =	sdelay $0x1  }
0x299: {  	v0 =	vadd.f32 v1, v0  }
0x29a: {  	s23 =	sshra.s32 s23, $0x2  }
0x29b: {  	[tilespmem:s21+$0x0] =	vst v0;
	s21 =	smov.u32 s20  }
0x29c: {  	v0 =	vld [tilespmem:s23+$0x10400]  }
0x29d: {  	v1 =	vld [tilespmem:s23+$0x10440];
	_ =	sdelay $0x1  }
0x29e: {  	v2 =	vld [tilespmem:s23+$0x10480];
	_ =	sdelay $0x1  }
0x29f: {  	v3 =	vld [tilespmem:s23+$0x104C0]  }
0x2a0: {  	v0 =	vadd.f32 v1, v0  }
0x2a1: {  	v1 =	vld [tilespmem:s23+$0x10500]  }
0x2a2: {  	v0 =	vadd.f32 v2, v0  }
0x2a3: {  	v2 =	vld [tilespmem:s23+$0x10540]  }
0x2a4: {  	v0 =	vadd.f32 v3, v0  }
0x2a5: {  	v3 =	vld [tilespmem:s23+$0x10580]  }
0x2a6: {  	v0 =	vadd.f32 v1, v0  }
0x2a7: {  	v1 =	vld [tilespmem:s23+$0x105C0]  }
0x2a8: {  	v0 =	vadd.f32 v2, v0  }
0x2a9: {  	v2 =	vld [tilespmem:s23+$0x10600]  }
0x2aa: {  	v0 =	vadd.f32 v3, v0  }
0x2ab: {  	v3 =	vld [tilespmem:s23+$0x10640]  }
0x2ac: {  	v0 =	vadd.f32 v1, v0  }
0x2ad: {  	v1 =	vld [tilespmem:s23+$0x10680]  }
0x2ae: {  	v0 =	vadd.f32 v2, v0  }
0x2af: {  	v2 =	vld [tilespmem:s23+$0x106C0]  }
0x2b0: {  	v0 =	vadd.f32 v3, v0  }
0x2b1: {  	v3 =	vld [tilespmem:s23+$0x10700]  }
0x2b2: {  	v0 =	vadd.f32 v1, v0  }
0x2b3: {  	v1 =	vld [tilespmem:s23+$0x10740]  }
0x2b4: {  	v0 =	vadd.f32 v2, v0  }
0x2b5: {  	v2 =	vld [tilespmem:s23+$0x10780]  }
0x2b6: {  	v0 =	vadd.f32 v3, v0  }
0x2b7: {  	v3 =	vld [tilespmem:s23+$0x107C0]  }
0x2b8: {  	v0 =	vadd.f32 v1, v0  }
0x2b9: {  	v1 =	vld [tilespmem:s23+$0x10800]  }
0x2ba: {  	v0 =	vadd.f32 v2, v0  }
0x2bb: {  	v2 =	vld [tilespmem:s23+$0x10840]  }
0x2bc: {  	v0 =	vadd.f32 v3, v0  }
0x2bd: {  	v3 =	vld [tilespmem:s23+$0x10880]  }
0x2be: {  	v0 =	vadd.f32 v1, v0  }
0x2bf: {  	v1 =	vld [tilespmem:s23+$0x108C0]  }
0x2c0: {  	v0 =	vadd.f32 v2, v0  }
0x2c1: {  	v2 =	vld [tilespmem:s23+$0x10900]  }
0x2c2: {  	v0 =	vadd.f32 v3, v0  }
0x2c3: {  	v3 =	vld [tilespmem:s23+$0x10940]  }
0x2c4: {  	v0 =	vadd.f32 v1, v0  }
0x2c5: {  	v1 =	vld [tilespmem:s23+$0x10980]  }
0x2c6: {  	v0 =	vadd.f32 v2, v0  }
0x2c7: {  	v2 =	vld [tilespmem:s23+$0x109C0]  }
0x2c8: {  	v0 =	vadd.f32 v3, v0  }
0x2c9: {  	v3 =	vld [tilespmem:s23+$0x10A00]  }
0x2ca: {  	v0 =	vadd.f32 v1, v0  }
0x2cb: {  	v1 =	vld [tilespmem:s23+$0x10A40]  }
0x2cc: {  	v0 =	vadd.f32 v2, v0;
	_ =	sdelay $0x1  }
0x2cd: {  	v0 =	vadd.f32 v3, v0;
	_ =	sdelay $0x1  }
0x2ce: {  	v0 =	vadd.f32 v1, v0;
	_ =	sdelay $0x1  }
0x2cf: {  	[tilespmem:s20+$0xFFFFFFD0] =	vst v0  }
0x2d0: {  	v0 =	vld [tilespmem:s23+$0x10410]  }
0x2d1: {  	v1 =	vld [tilespmem:s23+$0x10450];
	_ =	sdelay $0x1  }
0x2d2: {  	v2 =	vld [tilespmem:s23+$0x10490];
	_ =	sdelay $0x1  }
0x2d3: {  	v3 =	vld [tilespmem:s23+$0x104D0]  }
0x2d4: {  	v0 =	vadd.f32 v1, v0  }
0x2d5: {  	v1 =	vld [tilespmem:s23+$0x10510]  }
0x2d6: {  	v0 =	vadd.f32 v2, v0  }
0x2d7: {  	v2 =	vld [tilespmem:s23+$0x10550]  }
0x2d8: {  	v0 =	vadd.f32 v3, v0  }
0x2d9: {  	v3 =	vld [tilespmem:s23+$0x10590]  }
0x2da: {  	v0 =	vadd.f32 v1, v0  }
0x2db: {  	v1 =	vld [tilespmem:s23+$0x105D0]  }
0x2dc: {  	v0 =	vadd.f32 v2, v0  }
0x2dd: {  	v2 =	vld [tilespmem:s23+$0x10610]  }
0x2de: {  	v0 =	vadd.f32 v3, v0  }
0x2df: {  	v3 =	vld [tilespmem:s23+$0x10650]  }
0x2e0: {  	v0 =	vadd.f32 v1, v0  }
0x2e1: {  	v1 =	vld [tilespmem:s23+$0x10690]  }
0x2e2: {  	v0 =	vadd.f32 v2, v0  }
0x2e3: {  	v2 =	vld [tilespmem:s23+$0x106D0]  }
0x2e4: {  	v0 =	vadd.f32 v3, v0  }
0x2e5: {  	v3 =	vld [tilespmem:s23+$0x10710]  }
0x2e6: {  	v0 =	vadd.f32 v1, v0  }
0x2e7: {  	v1 =	vld [tilespmem:s23+$0x10750]  }
0x2e8: {  	v0 =	vadd.f32 v2, v0  }
0x2e9: {  	v2 =	vld [tilespmem:s23+$0x10790]  }
0x2ea: {  	v0 =	vadd.f32 v3, v0  }
0x2eb: {  	v3 =	vld [tilespmem:s23+$0x107D0]  }
0x2ec: {  	v0 =	vadd.f32 v1, v0  }
0x2ed: {  	v1 =	vld [tilespmem:s23+$0x10810]  }
0x2ee: {  	v0 =	vadd.f32 v2, v0  }
0x2ef: {  	v2 =	vld [tilespmem:s23+$0x10850]  }
0x2f0: {  	v0 =	vadd.f32 v3, v0  }
0x2f1: {  	v3 =	vld [tilespmem:s23+$0x10890]  }
0x2f2: {  	v0 =	vadd.f32 v1, v0  }
0x2f3: {  	v1 =	vld [tilespmem:s23+$0x108D0]  }
0x2f4: {  	v0 =	vadd.f32 v2, v0  }
0x2f5: {  	v2 =	vld [tilespmem:s23+$0x10910]  }
0x2f6: {  	v0 =	vadd.f32 v3, v0  }
0x2f7: {  	v3 =	vld [tilespmem:s23+$0x10950]  }
0x2f8: {  	v0 =	vadd.f32 v1, v0  }
0x2f9: {  	v1 =	vld [tilespmem:s23+$0x10990]  }
0x2fa: {  	v0 =	vadd.f32 v2, v0  }
0x2fb: {  	v2 =	vld [tilespmem:s23+$0x109D0]  }
0x2fc: {  	v0 =	vadd.f32 v3, v0  }
0x2fd: {  	v3 =	vld [tilespmem:s23+$0x10A10]  }
0x2fe: {  	v0 =	vadd.f32 v1, v0  }
0x2ff: {  	v1 =	vld [tilespmem:s23+$0x10A50]  }
0x300: {  	v0 =	vadd.f32 v2, v0;
	_ =	sdelay $0x1  }
0x301: {  	v0 =	vadd.f32 v3, v0;
	_ =	sdelay $0x1  }
0x302: {  	v0 =	vadd.f32 v1, v0;
	_ =	sdelay $0x1  }
0x303: {  	[tilespmem:s20+$0xFFFFFFE0] =	vst v0  }
0x304: {  	v0 =	vld [tilespmem:s23+$0x10420]  }
0x305: {  	v1 =	vld [tilespmem:s23+$0x10460];
	_ =	sdelay $0x1  }
0x306: {  	v2 =	vld [tilespmem:s23+$0x104A0];
	_ =	sdelay $0x1  }
0x307: {  	v3 =	vld [tilespmem:s23+$0x104E0]  }
0x308: {  	v0 =	vadd.f32 v1, v0  }
0x309: {  	v1 =	vld [tilespmem:s23+$0x10520]  }
0x30a: {  	v0 =	vadd.f32 v2, v0  }
0x30b: {  	v2 =	vld [tilespmem:s23+$0x10560]  }
0x30c: {  	v0 =	vadd.f32 v3, v0  }
0x30d: {  	v3 =	vld [tilespmem:s23+$0x105A0]  }
0x30e: {  	v0 =	vadd.f32 v1, v0  }
0x30f: {  	v1 =	vld [tilespmem:s23+$0x105E0]  }
0x310: {  	v0 =	vadd.f32 v2, v0  }
0x311: {  	v2 =	vld [tilespmem:s23+$0x10620]  }
0x312: {  	v0 =	vadd.f32 v3, v0  }
0x313: {  	v3 =	vld [tilespmem:s23+$0x10660]  }
0x314: {  	v0 =	vadd.f32 v1, v0  }
0x315: {  	v1 =	vld [tilespmem:s23+$0x106A0]  }
0x316: {  	v0 =	vadd.f32 v2, v0  }
0x317: {  	v2 =	vld [tilespmem:s23+$0x106E0]  }
0x318: {  	v0 =	vadd.f32 v3, v0  }
0x319: {  	v3 =	vld [tilespmem:s23+$0x10720]  }
0x31a: {  	v0 =	vadd.f32 v1, v0  }
0x31b: {  	v1 =	vld [tilespmem:s23+$0x10760]  }
0x31c: {  	v0 =	vadd.f32 v2, v0  }
0x31d: {  	v2 =	vld [tilespmem:s23+$0x107A0]  }
0x31e: {  	v0 =	vadd.f32 v3, v0  }
0x31f: {  	v3 =	vld [tilespmem:s23+$0x107E0]  }
0x320: {  	v0 =	vadd.f32 v1, v0  }
0x321: {  	v1 =	vld [tilespmem:s23+$0x10820]  }
0x322: {  	v0 =	vadd.f32 v2, v0  }
0x323: {  	v2 =	vld [tilespmem:s23+$0x10860]  }
0x324: {  	v0 =	vadd.f32 v3, v0  }
0x325: {  	v3 =	vld [tilespmem:s23+$0x108A0]  }
0x326: {  	v0 =	vadd.f32 v1, v0  }
0x327: {  	v1 =	vld [tilespmem:s23+$0x108E0]  }
0x328: {  	v0 =	vadd.f32 v2, v0  }
0x329: {  	v2 =	vld [tilespmem:s23+$0x10920]  }
0x32a: {  	v0 =	vadd.f32 v3, v0  }
0x32b: {  	v3 =	vld [tilespmem:s23+$0x10960]  }
0x32c: {  	v0 =	vadd.f32 v1, v0  }
0x32d: {  	v1 =	vld [tilespmem:s23+$0x109A0]  }
0x32e: {  	v0 =	vadd.f32 v2, v0  }
0x32f: {  	v2 =	vld [tilespmem:s23+$0x109E0]  }
0x330: {  	v0 =	vadd.f32 v3, v0  }
0x331: {  	v3 =	vld [tilespmem:s23+$0x10A20]  }
0x332: {  	v0 =	vadd.f32 v1, v0  }
0x333: {  	v1 =	vld [tilespmem:s23+$0x10A60]  }
0x334: {  	v0 =	vadd.f32 v2, v0;
	_ =	sdelay $0x1  }
0x335: {  	v0 =	vadd.f32 v3, v0;
	_ =	sdelay $0x1  }
0x336: {  	v0 =	vadd.f32 v1, v0;
	_ =	sdelay $0x1  }
0x337: {  	[tilespmem:s20+$0xFFFFFFF0] =	vst v0  }
0x338: {  	v0 =	vld [tilespmem:s23+$0x10430]  }
0x339: {  	v1 =	vld [tilespmem:s23+$0x10470]  }
0x33a: {  	v2 =	vld [tilespmem:s23+$0x104B0]  }
0x33b: {  	v3 =	vld [tilespmem:s23+$0x104F0]  }
0x33c: {  	v4 =	vld [tilespmem:s23+$0x10530]  }
0x33d: {  	v5 =	vld [tilespmem:s23+$0x10570]  }
0x33e: {  	v0 =	vadd.f32 v1, v0;
	v1 =	vld [tilespmem:s23+$0x105B0]  }
0x33f: {  	v6 =	vld [tilespmem:s23+$0x105F0]  }
0x340: {  	v0 =	vadd.f32 v2, v0;
	v2 =	vld [tilespmem:s23+$0x10630]  }
0x341: {  	v7 =	vld [tilespmem:s23+$0x10670]  }
0x342: {  	v0 =	vadd.f32 v3, v0;
	v3 =	vld [tilespmem:s23+$0x106B0]  }
0x343: {  	v8 =	vld [tilespmem:s23+$0x106F0]  }
0x344: {  	v0 =	vadd.f32 v4, v0;
	v4 =	vld [tilespmem:s23+$0x10730]  }
0x345: {  	v9 =	vld [tilespmem:s23+$0x10770]  }
0x346: {  	v0 =	vadd.f32 v5, v0;
	v5 =	vld [tilespmem:s23+$0x107B0]  }
0x347: {  	v10 =	vld [tilespmem:s23+$0x107F0]  }
0x348: {  	v0 =	vadd.f32 v1, v0;
	v11 =	vld [tilespmem:s23+$0x10830]  }
0x349: {  	v12 =	vld [tilespmem:s23+$0x10870]  }
0x34a: {  	v0 =	vadd.f32 v6, v0;
	v6 =	vld [tilespmem:s23+$0x108B0]  }
0x34b: {  	v13 =	vld [tilespmem:s23+$0x108F0]  }
0x34c: {  	v0 =	vadd.f32 v2, v0;
	v2 =	vld [tilespmem:s23+$0x10930]  }
0x34d: {  	v14 =	vld [tilespmem:s23+$0x10970]  }
0x34e: {  	v0 =	vadd.f32 v7, v0;
	v7 =	vld [tilespmem:s23+$0x109B0]  }
0x34f: {  	v15 =	vld [tilespmem:s23+$0x109F0]  }
0x350: {  	v3 =	vadd.f32 v3, v0;
	v0 =	vld [tilespmem:s23+$0x10A30]  }
0x351: {  	v1 =	vld [tilespmem:s23+$0x10A70]  }
0x352: {  	v3 =	vadd.f32 v8, v3;
	_ =	sdelay $0x1  }
0x353: {  	v3 =	vadd.f32 v4, v3;
	_ =	sdelay $0x1  }
0x354: {  	v3 =	vadd.f32 v9, v3;
	_ =	sdelay $0x1  }
0x355: {  	v3 =	vadd.f32 v5, v3;
	_ =	sdelay $0x1  }
0x356: {  	v3 =	vadd.f32 v10, v3;
	_ =	sdelay $0x1  }
0x357: {  	v3 =	vadd.f32 v11, v3;
	_ =	sdelay $0x1  }
0x358: {  	v3 =	vadd.f32 v12, v3;
	_ =	sdelay $0x1  }
0x359: {  	v3 =	vadd.f32 v6, v3;
	_ =	sdelay $0x1  }
0x35a: {  	v3 =	vadd.f32 v13, v3;
	_ =	sdelay $0x1  }
0x35b: {  	v2 =	vadd.f32 v2, v3;
	_ =	sdelay $0x1  }
.Ltmp4:
0x35c: {  	v2 =	vadd.f32 v14, v2;
	(pc) =	sbr.rel @p0 .LBB2_9-.Ltmp4, $3  }
0x35d: {  	_ = 	snop  }
0x35e: {  	v2 =	vadd.f32 v7, v2;
	_ =	sdelay $0x1  }
0x35f: {  	v2 =	vadd.f32 v15, v2  }
0x360: {  	s18 =	sadd.s32 $0x1, s18  }
0x361: {  	v0 =	vadd.f32 v0, v2;
	p0 =	sne.s32 s18, $0x8  }
.Ltmp5:
0x362: {  	_ = 	snop;
	(pc) =	sbr.rel @p0 .LBB2_2-.Ltmp5, $4  }
0x363: {  	v0 =	vadd.f32 v1, v0  }
0x364: {  	s19 =	sshll.u32 s19, $0x8  }
0x365: {  	s19 =	sadd.s32 s19, s5;
	[tilespmem:s21+$0x0] =	vst v0  }
0x366: {  	[hbm4b:s19+s2] =	stream.linear.scatter [tilespmem:s15], [sflag:$0x4], $0x800, $0x38;
	[tilespmem:$0x1E400] =	vst v63  }
0x367: {  	s17 =	sadd.s32 $0x1, s17  }
0x368: {  	_ =	swait.ge [sflag:s16], $0x800;
	p0 =	sne.s32 s17, s6  }
.Ltmp6:
0x369: {  	[sflag:s16] =	ssyncset.done $0x0;
	(pc) =	sbr.rel @p0 .LBB2_1-.Ltmp6, $4  }
0x36a: {  	[sflag:s16] =	ssyncadd.s32 $0xFFFFF800  }
0x36b: {  	_ =	swait.ge [sflag:s14], $0x800  }
0x36c: {  	[sflag:s14] =	ssyncset.done $0x0  }
0x36d: {  	[sflag:s14] =	ssyncadd.s32 $0xFFFFF800  }
0x36e: {  	_ =	sfence.sel $0x180000  }
0x36f: {  	[bflag:$0x0] =	sbarrier.arrive $0xFFFF  }
0x370: {  	p0 =	sne.s32 s1, $0x0;
	_ =	strace $0x90000047  }
0x371: {  	s0 =	sadd.s32 @!p0 $0x100000, s0;
	[bflag:$0x2] =	sbarrier.arrive $0xFFFF  }
0x372: {  	[sflag:s0] =	ssyncadd.tile.s32 @!p0 $0x1;
	_ =	shalt  }
.Lfunc_end2:
_tile_overlayer_lowered:
.L_overlay_start_2:
0x373: {  	(tag) =	ssettag $0x2  }
0x374: {  	s0 =	rddreg [dreg:$0x0];
	s2 =	stileid.u32  }
0x375: {  	s1 =	rddreg [dreg:$0x1];
	p0 =	sne.s32 s2, $0x0  }
0x376: {  	s3 =	rddreg [dreg:$0x2];
	[bflag:$0x3] =	sbarrier.arrive $0xFFFF;
	s2 =	simm.s32 @!p0 $0x1C05  }
0x377: {  	[timem:s3], [sflag:s2] =	dma.local @!p0 [hbm:s0], s1  }
0x378: {  	s0 =	simm.s32 @!p0 $0x5  }
0x379: {  	_ =	swait.ge @!p0 [sflag:s0], s1  }
0x37a: {  	s1 =	ssub.s32 @!p0 $0x0, s1;
	[sflag:s0] =	ssyncset.done @!p0 $0x0  }
0x37b: {  	[sflag:s0] =	ssyncadd.s32 @!p0 s1  }
0x37c: {  	[bflag:$0x3] =	sbarrier.arrive $0xFFFF  }
0x37d: {  	_ =	shalt  }

</sc_bundles>
